<compile_context>
chip_gen: v7x
topology: tpu7x:2x2x1
jax: 0.10.2.dev20260603
libtpu: 0.0.44.dev20260713+nightly
codegen_flags: <defaults>
</compile_context>

<pallas_src>
import functools

import jax
import jax.numpy as jnp
from jax import lax
from jax.experimental import pallas as pl
from jax.experimental.pallas import tpu as pltpu
from jax.experimental.pallas import tpu_sc as plsc

N_VOXELS = 100000
N_POINTS = 320000
D = 128
B = 16

NC = 2
NS = 16
L = 16
NW = NC * NS

P_TILE = N_POINTS // NW
CH = 128
CHK = 1280
NCHK = -(-P_TILE // CHK)
TAIL = P_TILE - (NCHK - 1) * CHK

C_BINS = B * N_VOXELS
DUMP_B = B
ZCH = 10240
Z_SLICE = 10 * ZCH
C_TOTAL = NS * Z_SLICE
F_SLICE = C_BINS // NS
FCH = 5120
NFCH = -(-F_SLICE // FCH)
F_TAIL = F_SLICE - (NFCH - 1) * FCH


def _hist_body(v2p_hbm, bat_hbm, out_hbm, vb, bb, fidx, ones, zfb, cs,
               sem_a, sem_f0, sem_f1):
    c = lax.axis_index("c")
    s = lax.axis_index("s")
    wid = c * NS + s
    base = wid * P_TILE
    hsems = (sem_f0, sem_f1)

    def zbody(i, carry):
        zfb[pl.ds(i * L, L)] = jnp.zeros((L,), jnp.float32)
        return carry

    lax.fori_loop(0, ZCH // L, zbody, 0)
    zero_descs = [
        pltpu.async_copy(zfb, cs.at[pl.ds(s * Z_SLICE + k * ZCH, ZCH)], sem_a)
        for k in range(Z_SLICE // ZCH)
    ]

    def obody(j, carry):
        ones[pl.ds(j * L, L)] = jnp.ones((L,), jnp.float32)
        return carry

    lax.fori_loop(0, CHK // L, obody, 0)

    def _fire_loads(t):
        h = t % 2
        n = CHK if t < NCHK - 1 else TAIL
        off = base + t * CHK
        return [
            pltpu.async_copy(
                v2p_hbm.at[pl.ds(off, n)], vb.at[pl.ds(h * CHK, n)], hsems[h]
            ),
            pltpu.async_copy(
                bat_hbm.at[pl.ds(off, n)], bb.at[pl.ds(h * CHK, n)], hsems[h]
            ),
        ]

    pending = _fire_loads(0)
    for t in range(NCHK):
        nxt = _fire_loads(t + 1) if t + 1 < NCHK else None
        for d in pending:
            d.wait()
        h = t % 2
        if t == NCHK - 1:
            for u in range((CHK - TAIL) // L):
                vb[pl.ds(h * CHK + TAIL + u * L, L)] = jnp.zeros((L,), jnp.int32)
                bb[pl.ds(h * CHK + TAIL + u * L, L)] = jnp.full((L,), DUMP_B, jnp.int32)

        def fbody(j, carry):
            o = j * L
            v = vb[pl.ds(h * CHK + o, L)]
            b = bb[pl.ds(h * CHK + o, L)]
            fidx[pl.ds(t * CHK + o, L)] = b * N_VOXELS + v
            return carry

        lax.fori_loop(0, CHK // L, fbody, 0)
        pending = nxt

    for d in zero_descs:
        d.wait()
    plsc.subcore_barrier()

    scat_descs = [
        pltpu.async_copy(ones, cs.at[fidx.at[pl.ds(t * CHK, CHK)]], sem_a, add=True)
        for t in range(NCHK)
    ]
    for d in scat_descs:
        d.wait()

    plsc.subcore_barrier()

    def _n(k):
        return FCH if k < NFCH - 1 else F_TAIL

    hop1 = [None] * NFCH
    hop2 = [None] * NFCH
    for k in range(NFCH + 1):
        if k < NFCH:
            hh = k % 2
            if k >= 2:
                hop2[k - 2].wait()
            hop1[k] = pltpu.async_copy(
                cs.at[pl.ds(s * F_SLICE + k * FCH, _n(k))],
                zfb.at[pl.ds(hh * FCH, _n(k))],
                sem_a,
            )
        if k >= 1:
            hop1[k - 1].wait()
            hh = (k - 1) % 2
            hop2[k - 1] = pltpu.async_copy(
                zfb.at[pl.ds(hh * FCH, _n(k - 1))],
                out_hbm.at[pl.ds(c * C_BINS + s * F_SLICE + (k - 1) * FCH, _n(k - 1))],
                hsems[hh],
            )
    hop2[NFCH - 2].wait()
    hop2[NFCH - 1].wait()


def _histogram(v2p_map, batch_idxs):
    mesh = plsc.VectorSubcoreMesh(
        core_axis_name="c", subcore_axis_name="s", num_cores=NC, num_subcores=NS
    )
    return pl.kernel(
        _hist_body,
        out_type=jax.ShapeDtypeStruct((NC * C_BINS,), jnp.float32),
        mesh=mesh,
        scratch_types=[
            pltpu.VMEM((2 * CHK,), jnp.int32),
            pltpu.VMEM((2 * CHK,), jnp.int32),
            pltpu.VMEM((NCHK * CHK,), jnp.int32),
            pltpu.VMEM((CHK,), jnp.float32),
            pltpu.VMEM((2 * FCH,), jnp.float32),
            pltpu.VMEM_SHARED((C_TOTAL,), jnp.float32),
            pltpu.SemaphoreType.DMA,
            pltpu.SemaphoreType.DMA,
            pltpu.SemaphoreType.DMA,
        ],
    )(v2p_map, batch_idxs)


VSTEP = 16384
NKM = 98304 // VSTEP
V_TAIL = N_VOXELS - NKM * VSTEP
_DN_MK = (((1,), (0,)), ((), ()))
_PREC = lax.Precision.DEFAULT


def _mm_body(c_ref, a_ref, ct_ref, at_ref, cap_ref, ls_ref, out_ref, acc, cnt):
    i = pl.program_id(0)

    @pl.when(i == 0)
    def _init():
        acc[...] = jnp.zeros_like(acc)
        cnt[...] = jnp.zeros_like(cnt)

    @pl.when(i < NKM)
    def _step():
        c0 = c_ref[0]
        c1 = c_ref[1]
        ablk = a_ref[...]
        acc[...] += lax.dot_general(
            c0, ablk, _DN_MK, preferred_element_type=jnp.float32, precision=_PREC
        ) + lax.dot_general(
            c1, ablk, _DN_MK, preferred_element_type=jnp.float32, precision=_PREC
        )
        cnt[...] += jnp.sum(c0 + c1, axis=1, keepdims=True)

    @pl.when(i == NKM)
    def _tail():
        at = at_ref[...]
        sums = acc[...] + lax.dot_general(
            ct_ref[0], at, _DN_MK, preferred_element_type=jnp.float32,
            precision=_PREC,
        ) + lax.dot_general(
            ct_ref[1], at, _DN_MK, preferred_element_type=jnp.float32,
            precision=_PREC,
        )
        cnts = cnt[:, 0:1] + jnp.sum(
            ct_ref[0] + ct_ref[1], axis=1, keepdims=True
        )
        pooled = sums / jnp.maximum(cnts, 1.0)
        pn = pooled / jnp.maximum(
            jnp.sqrt(jnp.sum(pooled * pooled, axis=1, keepdims=True)), 1e-12
        )
        cap = cap_ref[...]
        cn = cap / jnp.maximum(
            jnp.sqrt(jnp.sum(cap * cap, axis=1, keepdims=True)), 1e-12
        )
        scale = jnp.exp(ls_ref[0, 0])
        out_ref[...] = (
            lax.dot_general(
                pn, cn, (((1,), (1,)), ((), ())),
                preferred_element_type=jnp.float32, precision=_PREC,
            )
            * scale
        )


def _pool_logits(counts_bm, adapter_feats, ct, at, caption_embed, ls2d):
    return pl.pallas_call(
        _mm_body,
        grid=(NKM + 1,),
        in_specs=[
            pl.BlockSpec((NC, B, VSTEP), lambda i: (0, 0, jnp.minimum(i, NKM - 1))),
            pl.BlockSpec((VSTEP, D), lambda i: (jnp.minimum(i, NKM - 1), 0)),
            pl.BlockSpec((NC, B, V_TAIL), lambda i: (0, 0, 0)),
            pl.BlockSpec((V_TAIL, D), lambda i: (0, 0)),
            pl.BlockSpec((B, D), lambda i: (0, 0)),
            pl.BlockSpec(memory_space=pltpu.SMEM),
        ],
        out_specs=pl.BlockSpec((B, B), lambda i: (0, 0)),
        out_shape=jax.ShapeDtypeStruct((B, B), jnp.float32),
        scratch_shapes=[
            pltpu.VMEM((B, D), jnp.float32),
            pltpu.VMEM((B, D), jnp.float32),
        ],
    )(counts_bm, adapter_feats, ct, at, caption_embed, ls2d)


def kernel(adapter_feats, v2p_map, batch_idxs, caption_embed, caption_idx, logit_scale):
    del caption_idx
    counts_bm = _histogram(v2p_map, batch_idxs).reshape(NC, B, N_VOXELS)
    ct = lax.slice(counts_bm, (0, 0, NKM * VSTEP), (NC, B, N_VOXELS))
    at = lax.slice(adapter_feats, (NKM * VSTEP, 0), (N_VOXELS, D))
    ls2d = jnp.reshape(logit_scale, (1, 1))
    return _pool_logits(counts_bm, adapter_feats, ct, at, caption_embed, ls2d)

# --- scband reference (transcript-rebuilt; emitter-appended) ---
"""Pipeline reference for scband-caption-head-58832462021206 (READ-ONLY COPY).

The authoritative reference and input builder live on the scoring server;
editing this copy changes nothing except your own understanding.
"""

import jax, jax.numpy as jnp
import numpy as np

N_VOXELS = 100000
N_POINTS = 320000
D = 128
B = 16
N_CAP = 16


def setup_inputs(seed: int = 0) -> dict:
    key = jax.random.key(seed)
    k1, k2, k3, k4, k5 = jax.random.split(key, 5)
    inp = {}
    inp["adapter_feats"] = jax.random.normal(k1, (N_VOXELS, D), dtype=jnp.float32)
    inp["v2p_map"] = jax.random.randint(k2, (N_POINTS,), 0, N_VOXELS, dtype=jnp.int32)
    inp["batch_idxs"] = jnp.sort(jax.random.randint(k3, (N_POINTS,), 0, B, dtype=jnp.int32))
    inp["caption_embed"] = jax.random.normal(k4, (N_CAP, D), dtype=jnp.float32)
    inp["caption_idx"] = jax.random.randint(k5, (N_CAP,), 0, N_CAP, dtype=jnp.int32)
    # learnable logit scale parameter: log(1/0.07), as in CLIP
    inp["logit_scale"] = jnp.asarray(np.log(1.0 / 0.07), dtype=jnp.float32)
    return inp


def _normalize(x, eps=1e-12):
    n = jnp.sqrt(jnp.sum(x * x, axis=-1, keepdims=True))
    return x / jnp.maximum(n, eps)


def reference(adapter_feats, v2p_map, batch_idxs, caption_embed, caption_idx, logit_scale):
    # forward_scene_caption path (training):
    # 1) voxel->point gather: adapter_feats[v2p_map]
    feats = jnp.take(adapter_feats, v2p_map, axis=0)
    # 2) scatter_mean over batch_idxs (segment mean, counts clamped to >= 1)
    sums = jax.ops.segment_sum(feats, batch_idxs, num_segments=B)
    cnts = jax.ops.segment_sum(jnp.ones((feats.shape[0],), feats.dtype), batch_idxs, num_segments=B)
    pooled = sums / jnp.maximum(cnts, 1.0)[:, None]
    # 3) FEAT_NORM: L2 normalize pooled features and caption embeddings
    pooled = _normalize(pooled)
    normed_cap = _normalize(caption_embed)
    # 4) contrastive logits scaled by exp(logit_scale)
    caption_logit = pooled @ normed_cap.T * jnp.exp(logit_scale)
    return caption_logit

if __name__ == "__main__":
    import jax
    _d = setup_inputs()
    print(jax.jit(kernel)(*tuple(_d.values())))

</pallas_src>

<mosaic_0001>
#map = affine_map<(d0, d1) -> (0)>
module attributes {stable_mosaic.version = 14 : i64} {
  func.func @_hist_body(%arg0: i32, %arg1: i32, %arg2: memref<320000xi32, #tpu.memory_space<hbm>>, %arg3: memref<320000xi32, #tpu.memory_space<hbm>>, %arg4: memref<3200000xf32, #tpu.memory_space<hbm>>, %arg5: memref<2560xi32, #tpu.memory_space<vmem>>, %arg6: memref<2560xi32, #tpu.memory_space<vmem>>, %arg7: memref<10240xi32, #tpu.memory_space<vmem>>, %arg8: memref<1280xf32, #tpu.memory_space<vmem>>, %arg9: memref<10240xf32, #tpu.memory_space<vmem>>, %arg10: memref<1638400xf32, #tpu.memory_space<vmem_shared>>, %arg11: memref<!tpu.dma_semaphore, #tpu.memory_space<semaphore_mem>>, %arg12: memref<!tpu.dma_semaphore, #tpu.memory_space<semaphore_mem>>, %arg13: memref<!tpu.dma_semaphore, #tpu.memory_space<semaphore_mem>>) attributes {dimension_semantics = [#tpu.dimension_semantics<core_parallel>, #tpu.dimension_semantics<subcore_parallel>], iteration_bounds = array<i64: 2, 16>, scalar_prefetch = 0 : i64, scratch_operands = 9 : i64, tpu.core_type = #tpu.core_type<sc_vector_subcore>, window_params = [{transform_indices = #map}, {transform_indices = #map}, {transform_indices = #map}]} {
    %mul3A = arith.constant 16 : i32
    %mul3A_0 = arith.muli %arg0, %mul3A : i32
    %add3A = arith.addi %mul3A_0, %arg1 : i32
    %mul3A_1 = arith.constant 10000 : i32
    %mul3A_2 = arith.muli %add3A, %mul3A_1 : i32
    %scan3A = arith.constant 0 : i32
    %scan3A_3 = arith.constant 0 : i32
    %scan3A_4 = arith.constant 640 : i32
    %scan3A_5 = arith.addi %scan3A_3, %scan3A_4 : i32
    %scan3A_6 = arith.constant 1 : i32
    scf.for %scan3A_1291 = %scan3A_3 to %scan3A_5 step %scan3A_6  : i32 {
      %broadcast_in_dim3A_1292 = arith.constant 0.000000e+00 : f32
      %broadcast_in_dim3A_1293 = vector.broadcast %broadcast_in_dim3A_1292 : f32 to vector<16xf32>
      %mul3A_1294 = arith.constant 16 : i32
      %mul3A_1295 = arith.muli %scan3A_1291, %mul3A_1294 : i32
      %swap3A_1296 = arith.index_cast %mul3A_1295 : i32 to index
      %swap3A_1297 = tpu.vector_load %arg9[%swap3A_1296] {strides = array<i32>} : memref<10240xf32, #tpu.memory_space<vmem>>, vector<16xf32>,
      %swap3A_1298 = vector.shape_cast %swap3A_1297 : vector<16xf32> to vector<16xf32>
      %swap3A_1299 = vector.shape_cast %broadcast_in_dim3A_1293 : vector<16xf32> to vector<16xf32>
      tpu.vector_store %arg9[%swap3A_1296], %swap3A_1299 {strides = array<i32>} : memref<10240xf32, #tpu.memory_space<vmem>>, vector<16xf32>,
    }
    %scan3A_7 = arith.constant 640 : i32
    %mul3A_8 = arith.constant 102400 : i32
    %mul3A_9 = arith.muli %arg1, %mul3A_8 : i32
    %add3A_10 = arith.constant 0 : i32
    %add3A_11 = arith.addi %mul3A_9, %add3A_10 : i32
    %dma_start3A = tpu.memref_slice %arg10[%add3A_11] : memref<1638400xf32, #tpu.memory_space<vmem_shared>> -> memref<10240xf32, #tpu.memory_space<vmem_shared>>
    %dma_start3A_12 = tpu.memref_slice %arg10[%add3A_11] : memref<1638400xf32, #tpu.memory_space<vmem_shared>> -> memref<10240xf32, #tpu.memory_space<vmem_shared>>
    tpu.enqueue_dma source(%arg9 : memref<10240xf32, #tpu.memory_space<vmem>>) target(%dma_start3A_12 : memref<10240xf32, #tpu.memory_space<vmem_shared>>) target_semaphore(%arg11 : memref<!tpu.dma_semaphore, #tpu.memory_space<semaphore_mem>>)
    %mul3A_13 = arith.constant 102400 : i32
    %mul3A_14 = arith.muli %arg1, %mul3A_13 : i32
    %add3A_15 = arith.constant 10240 : i32
    %add3A_16 = arith.addi %mul3A_14, %add3A_15 : i32
    %dma_start3A_17 = tpu.memref_slice %arg10[%add3A_16] : memref<1638400xf32, #tpu.memory_space<vmem_shared>> -> memref<10240xf32, #tpu.memory_space<vmem_shared>>
    %dma_start3A_18 = tpu.memref_slice %arg10[%add3A_16] : memref<1638400xf32, #tpu.memory_space<vmem_shared>> -> memref<10240xf32, #tpu.memory_space<vmem_shared>>
    tpu.enqueue_dma source(%arg9 : memref<10240xf32, #tpu.memory_space<vmem>>) target(%dma_start3A_18 : memref<10240xf32, #tpu.memory_space<vmem_shared>>) target_semaphore(%arg11 : memref<!tpu.dma_semaphore, #tpu.memory_space<semaphore_mem>>)
    %mul3A_19 = arith.constant 102400 : i32
    %mul3A_20 = arith.muli %arg1, %mul3A_19 : i32
    %add3A_21 = arith.constant 20480 : i32
    %add3A_22 = arith.addi %mul3A_20, %add3A_21 : i32
    %dma_start3A_23 = tpu.memref_slice %arg10[%add3A_22] : memref<1638400xf32, #tpu.memory_space<vmem_shared>> -> memref<10240xf32, #tpu.memory_space<vmem_shared>>
    %dma_start3A_24 = tpu.memref_slice %arg10[%add3A_22] : memref<1638400xf32, #tpu.memory_space<vmem_shared>> -> memref<10240xf32, #tpu.memory_space<vmem_shared>>
    tpu.enqueue_dma source(%arg9 : memref<10240xf32, #tpu.memory_space<vmem>>) target(%dma_start3A_24 : memref<10240xf32, #tpu.memory_space<vmem_shared>>) target_semaphore(%arg11 : memref<!tpu.dma_semaphore, #tpu.memory_space<semaphore_mem>>)
    %mul3A_25 = arith.constant 102400 : i32
    %mul3A_26 = arith.muli %arg1, %mul3A_25 : i32
    %add3A_27 = arith.constant 30720 : i32
    %add3A_28 = arith.addi %mul3A_26, %add3A_27 : i32
    %dma_start3A_29 = tpu.memref_slice %arg10[%add3A_28] : memref<1638400xf32, #tpu.memory_space<vmem_shared>> -> memref<10240xf32, #tpu.memory_space<vmem_shared>>
    %dma_start3A_30 = tpu.memref_slice %arg10[%add3A_28] : memref<1638400xf32, #tpu.memory_space<vmem_shared>> -> memref<10240xf32, #tpu.memory_space<vmem_shared>>
    tpu.enqueue_dma source(%arg9 : memref<10240xf32, #tpu.memory_space<vmem>>) target(%dma_start3A_30 : memref<10240xf32, #tpu.memory_space<vmem_shared>>) target_semaphore(%arg11 : memref<!tpu.dma_semaphore, #tpu.memory_space<semaphore_mem>>)
    %mul3A_31 = arith.constant 102400 : i32
    %mul3A_32 = arith.muli %arg1, %mul3A_31 : i32
    %add3A_33 = arith.constant 40960 : i32
    %add3A_34 = arith.addi %mul3A_32, %add3A_33 : i32
    %dma_start3A_35 = tpu.memref_slice %arg10[%add3A_34] : memref<1638400xf32, #tpu.memory_space<vmem_shared>> -> memref<10240xf32, #tpu.memory_space<vmem_shared>>
    %dma_start3A_36 = tpu.memref_slice %arg10[%add3A_34] : memref<1638400xf32, #tpu.memory_space<vmem_shared>> -> memref<10240xf32, #tpu.memory_space<vmem_shared>>
    tpu.enqueue_dma source(%arg9 : memref<10240xf32, #tpu.memory_space<vmem>>) target(%dma_start3A_36 : memref<10240xf32, #tpu.memory_space<vmem_shared>>) target_semaphore(%arg11 : memref<!tpu.dma_semaphore, #tpu.memory_space<semaphore_mem>>)
    %mul3A_37 = arith.constant 102400 : i32
    %mul3A_38 = arith.muli %arg1, %mul3A_37 : i32
    %add3A_39 = arith.constant 51200 : i32
    %add3A_40 = arith.addi %mul3A_38, %add3A_39 : i32
    %dma_start3A_41 = tpu.memref_slice %arg10[%add3A_40] : memref<1638400xf32, #tpu.memory_space<vmem_shared>> -> memref<10240xf32, #tpu.memory_space<vmem_shared>>
    %dma_start3A_42 = tpu.memref_slice %arg10[%add3A_40] : memref<1638400xf32, #tpu.memory_space<vmem_shared>> -> memref<10240xf32, #tpu.memory_space<vmem_shared>>
    tpu.enqueue_dma source(%arg9 : memref<10240xf32, #tpu.memory_space<vmem>>) target(%dma_start3A_42 : memref<10240xf32, #tpu.memory_space<vmem_shared>>) target_semaphore(%arg11 : memref<!tpu.dma_semaphore, #tpu.memory_space<semaphore_mem>>)
    %mul3A_43 = arith.constant 102400 : i32
    %mul3A_44 = arith.muli %arg1, %mul3A_43 : i32
    %add3A_45 = arith.constant 61440 : i32
    %add3A_46 = arith.addi %mul3A_44, %add3A_45 : i32
    %dma_start3A_47 = tpu.memref_slice %arg10[%add3A_46] : memref<1638400xf32, #tpu.memory_space<vmem_shared>> -> memref<10240xf32, #tpu.memory_space<vmem_shared>>
    %dma_start3A_48 = tpu.memref_slice %arg10[%add3A_46] : memref<1638400xf32, #tpu.memory_space<vmem_shared>> -> memref<10240xf32, #tpu.memory_space<vmem_shared>>
    tpu.enqueue_dma source(%arg9 : memref<10240xf32, #tpu.memory_space<vmem>>) target(%dma_start3A_48 : memref<10240xf32, #tpu.memory_space<vmem_shared>>) target_semaphore(%arg11 : memref<!tpu.dma_semaphore, #tpu.memory_space<semaphore_mem>>)
    %mul3A_49 = arith.constant 102400 : i32
    %mul3A_50 = arith.muli %arg1, %mul3A_49 : i32
    %add3A_51 = arith.constant 71680 : i32
    %add3A_52 = arith.addi %mul3A_50, %add3A_51 : i32
    %dma_start3A_53 = tpu.memref_slice %arg10[%add3A_52] : memref<1638400xf32, #tpu.memory_space<vmem_shared>> -> memref<10240xf32, #tpu.memory_space<vmem_shared>>
    %dma_start3A_54 = tpu.memref_slice %arg10[%add3A_52] : memref<1638400xf32, #tpu.memory_space<vmem_shared>> -> memref<10240xf32, #tpu.memory_space<vmem_shared>>
    tpu.enqueue_dma source(%arg9 : memref<10240xf32, #tpu.memory_space<vmem>>) target(%dma_start3A_54 : memref<10240xf32, #tpu.memory_space<vmem_shared>>) target_semaphore(%arg11 : memref<!tpu.dma_semaphore, #tpu.memory_space<semaphore_mem>>)
    %mul3A_55 = arith.constant 102400 : i32
    %mul3A_56 = arith.muli %arg1, %mul3A_55 : i32
    %add3A_57 = arith.constant 81920 : i32
    %add3A_58 = arith.addi %mul3A_56, %add3A_57 : i32
    %dma_start3A_59 = tpu.memref_slice %arg10[%add3A_58] : memref<1638400xf32, #tpu.memory_space<vmem_shared>> -> memref<10240xf32, #tpu.memory_space<vmem_shared>>
    %dma_start3A_60 = tpu.memref_slice %arg10[%add3A_58] : memref<1638400xf32, #tpu.memory_space<vmem_shared>> -> memref<10240xf32, #tpu.memory_space<vmem_shared>>
    tpu.enqueue_dma source(%arg9 : memref<10240xf32, #tpu.memory_space<vmem>>) target(%dma_start3A_60 : memref<10240xf32, #tpu.memory_space<vmem_shared>>) target_semaphore(%arg11 : memref<!tpu.dma_semaphore, #tpu.memory_space<semaphore_mem>>)
    %mul3A_61 = arith.constant 102400 : i32
    %mul3A_62 = arith.muli %arg1, %mul3A_61 : i32
    %add3A_63 = arith.constant 92160 : i32
    %add3A_64 = arith.addi %mul3A_62, %add3A_63 : i32
    %dma_start3A_65 = tpu.memref_slice %arg10[%add3A_64] : memref<1638400xf32, #tpu.memory_space<vmem_shared>> -> memref<10240xf32, #tpu.memory_space<vmem_shared>>
    %dma_start3A_66 = tpu.memref_slice %arg10[%add3A_64] : memref<1638400xf32, #tpu.memory_space<vmem_shared>> -> memref<10240xf32, #tpu.memory_space<vmem_shared>>
    tpu.enqueue_dma source(%arg9 : memref<10240xf32, #tpu.memory_space<vmem>>) target(%dma_start3A_66 : memref<10240xf32, #tpu.memory_space<vmem_shared>>) target_semaphore(%arg11 : memref<!tpu.dma_semaphore, #tpu.memory_space<semaphore_mem>>)
    %scan3A_67 = arith.constant 0 : i32
    %scan3A_68 = arith.constant 0 : i32
    %scan3A_69 = arith.constant 80 : i32
    %scan3A_70 = arith.addi %scan3A_68, %scan3A_69 : i32
    %scan3A_71 = arith.constant 1 : i32
    scf.for %scan3A_1291 = %scan3A_68 to %scan3A_70 step %scan3A_71  : i32 {
      %broadcast_in_dim3A_1292 = arith.constant 1.000000e+00 : f32
      %broadcast_in_dim3A_1293 = vector.broadcast %broadcast_in_dim3A_1292 : f32 to vector<16xf32>
      %mul3A_1294 = arith.constant 16 : i32
      %mul3A_1295 = arith.muli %scan3A_1291, %mul3A_1294 : i32
      %swap3A_1296 = arith.index_cast %mul3A_1295 : i32 to index
      %swap3A_1297 = tpu.vector_load %arg8[%swap3A_1296] {strides = array<i32>} : memref<1280xf32, #tpu.memory_space<vmem>>, vector<16xf32>,
      %swap3A_1298 = vector.shape_cast %swap3A_1297 : vector<16xf32> to vector<16xf32>
      %swap3A_1299 = vector.shape_cast %broadcast_in_dim3A_1293 : vector<16xf32> to vector<16xf32>
      tpu.vector_store %arg8[%swap3A_1296], %swap3A_1299 {strides = array<i32>} : memref<1280xf32, #tpu.memory_space<vmem>>, vector<16xf32>,
    }
    %scan3A_72 = arith.constant 80 : i32
    %add3A_73 = arith.constant 0 : i32
    %add3A_74 = arith.addi %mul3A_2, %add3A_73 : i32
    %dma_start3A_75 = arith.constant 0 : i32
    %dma_start3A_76 = tpu.memref_slice %arg5[%dma_start3A_75] : memref<2560xi32, #tpu.memory_space<vmem>> -> memref<1280xi32, #tpu.memory_space<vmem>>
    %dma_start3A_77 = tpu.memref_slice %arg2[%add3A_74] : memref<320000xi32, #tpu.memory_space<hbm>> -> memref<1280xi32, #tpu.memory_space<hbm>>
    %dma_start3A_78 = arith.constant 0 : i32
    %dma_start3A_79 = tpu.memref_slice %arg5[%dma_start3A_78] : memref<2560xi32, #tpu.memory_space<vmem>> -> memref<1280xi32, #tpu.memory_space<vmem>>
    %dma_start3A_80 = tpu.memref_slice %arg2[%add3A_74] : memref<320000xi32, #tpu.memory_space<hbm>> -> memref<1280xi32, #tpu.memory_space<hbm>>
    tpu.enqueue_dma source(%dma_start3A_80 : memref<1280xi32, #tpu.memory_space<hbm>>) target(%dma_start3A_79 : memref<1280xi32, #tpu.memory_space<vmem>>) target_semaphore(%arg12 : memref<!tpu.dma_semaphore, #tpu.memory_space<semaphore_mem>>)
    %dma_start3A_81 = arith.constant 0 : i32
    %dma_start3A_82 = tpu.memref_slice %arg6[%dma_start3A_81] : memref<2560xi32, #tpu.memory_space<vmem>> -> memref<1280xi32, #tpu.memory_space<vmem>>
    %dma_start3A_83 = tpu.memref_slice %arg3[%add3A_74] : memref<320000xi32, #tpu.memory_space<hbm>> -> memref<1280xi32, #tpu.memory_space<hbm>>
    %dma_start3A_84 = arith.constant 0 : i32
    %dma_start3A_85 = tpu.memref_slice %arg6[%dma_start3A_84] : memref<2560xi32, #tpu.memory_space<vmem>> -> memref<1280xi32, #tpu.memory_space<vmem>>
    %dma_start3A_86 = tpu.memref_slice %arg3[%add3A_74] : memref<320000xi32, #tpu.memory_space<hbm>> -> memref<1280xi32, #tpu.memory_space<hbm>>
    tpu.enqueue_dma source(%dma_start3A_86 : memref<1280xi32, #tpu.memory_space<hbm>>) target(%dma_start3A_85 : memref<1280xi32, #tpu.memory_space<vmem>>) target_semaphore(%arg12 : memref<!tpu.dma_semaphore, #tpu.memory_space<semaphore_mem>>)
    %add3A_87 = arith.constant 1280 : i32
    %add3A_88 = arith.addi %mul3A_2, %add3A_87 : i32
    %dma_start3A_89 = arith.constant 1280 : i32
    %dma_start3A_90 = tpu.memref_slice %arg5[%dma_start3A_89] : memref<2560xi32, #tpu.memory_space<vmem>> -> memref<1280xi32, #tpu.memory_space<vmem>>
    %dma_start3A_91 = tpu.memref_slice %arg2[%add3A_88] : memref<320000xi32, #tpu.memory_space<hbm>> -> memref<1280xi32, #tpu.memory_space<hbm>>
    %dma_start3A_92 = arith.constant 1280 : i32
    %dma_start3A_93 = tpu.memref_slice %arg5[%dma_start3A_92] : memref<2560xi32, #tpu.memory_space<vmem>> -> memref<1280xi32, #tpu.memory_space<vmem>>
    %dma_start3A_94 = tpu.memref_slice %arg2[%add3A_88] : memref<320000xi32, #tpu.memory_space<hbm>> -> memref<1280xi32, #tpu.memory_space<hbm>>
    tpu.enqueue_dma source(%dma_start3A_94 : memref<1280xi32, #tpu.memory_space<hbm>>) target(%dma_start3A_93 : memref<1280xi32, #tpu.memory_space<vmem>>) target_semaphore(%arg13 : memref<!tpu.dma_semaphore, #tpu.memory_space<semaphore_mem>>)
    %dma_start3A_95 = arith.constant 1280 : i32
    %dma_start3A_96 = tpu.memref_slice %arg6[%dma_start3A_95] : memref<2560xi32, #tpu.memory_space<vmem>> -> memref<1280xi32, #tpu.memory_space<vmem>>
    %dma_start3A_97 = tpu.memref_slice %arg3[%add3A_88] : memref<320000xi32, #tpu.memory_space<hbm>> -> memref<1280xi32, #tpu.memory_space<hbm>>
    %dma_start3A_98 = arith.constant 1280 : i32
    %dma_start3A_99 = tpu.memref_slice %arg6[%dma_start3A_98] : memref<2560xi32, #tpu.memory_space<vmem>> -> memref<1280xi32, #tpu.memory_space<vmem>>
    %dma_start3A_100 = tpu.memref_slice %arg3[%add3A_88] : memref<320000xi32, #tpu.memory_space<hbm>> -> memref<1280xi32, #tpu.memory_space<hbm>>
    tpu.enqueue_dma source(%dma_start3A_100 : memref<1280xi32, #tpu.memory_space<hbm>>) target(%dma_start3A_99 : memref<1280xi32, #tpu.memory_space<vmem>>) target_semaphore(%arg13 : memref<!tpu.dma_semaphore, #tpu.memory_space<semaphore_mem>>)
    %dma_wait3A = arith.constant 0 : i32
    %dma_wait3A_101 = tpu.memref_slice %arg5[%dma_wait3A] : memref<2560xi32, #tpu.memory_space<vmem>> -> memref<1280xi32, #tpu.memory_space<vmem>>
    %dma_wait3A_102 = tpu.memref_slice %arg2[%add3A_74] : memref<320000xi32, #tpu.memory_space<hbm>> -> memref<1280xi32, #tpu.memory_space<hbm>>
    %dma_wait3A_103 = arith.constant 0 : i32
    %dma_wait3A_104 = tpu.memref_slice %arg5[%dma_wait3A_103] : memref<2560xi32, #tpu.memory_space<vmem>> -> memref<1280xi32, #tpu.memory_space<vmem>>
    %dma_wait3A_105 = tpu.memref_slice %arg2[%add3A_74] : memref<320000xi32, #tpu.memory_space<hbm>> -> memref<1280xi32, #tpu.memory_space<hbm>>
    tpu.wait_dma2 semaphore(%arg12 : memref<!tpu.dma_semaphore, #tpu.memory_space<semaphore_mem>>) src(%dma_wait3A_105 : memref<1280xi32, #tpu.memory_space<hbm>>) dst(%dma_wait3A_104 : memref<1280xi32, #tpu.memory_space<vmem>>)
    %dma_wait3A_106 = arith.constant 0 : i32
    %dma_wait3A_107 = tpu.memref_slice %arg6[%dma_wait3A_106] : memref<2560xi32, #tpu.memory_space<vmem>> -> memref<1280xi32, #tpu.memory_space<vmem>>
    %dma_wait3A_108 = tpu.memref_slice %arg3[%add3A_74] : memref<320000xi32, #tpu.memory_space<hbm>> -> memref<1280xi32, #tpu.memory_space<hbm>>
    %dma_wait3A_109 = arith.constant 0 : i32
    %dma_wait3A_110 = tpu.memref_slice %arg6[%dma_wait3A_109] : memref<2560xi32, #tpu.memory_space<vmem>> -> memref<1280xi32, #tpu.memory_space<vmem>>
    %dma_wait3A_111 = tpu.memref_slice %arg3[%add3A_74] : memref<320000xi32, #tpu.memory_space<hbm>> -> memref<1280xi32, #tpu.memory_space<hbm>>
    tpu.wait_dma2 semaphore(%arg12 : memref<!tpu.dma_semaphore, #tpu.memory_space<semaphore_mem>>) src(%dma_wait3A_111 : memref<1280xi32, #tpu.memory_space<hbm>>) dst(%dma_wait3A_110 : memref<1280xi32, #tpu.memory_space<vmem>>)
    %scan3A_112 = arith.constant 0 : i32
    %scan3A_113 = arith.constant 0 : i32
    %scan3A_114 = arith.constant 80 : i32
    %scan3A_115 = arith.addi %scan3A_113, %scan3A_114 : i32
    %scan3A_116 = arith.constant 1 : i32
    scf.for %scan3A_1291 = %scan3A_113 to %scan3A_115 step %scan3A_116  : i32 {
      %mul3A_1292 = arith.constant 16 : i32
      %mul3A_1293 = arith.muli %scan3A_1291, %mul3A_1292 : i32
      %add3A_1294 = arith.constant 0 : i32
      %add3A_1295 = arith.addi %add3A_1294, %mul3A_1293 : i32
      %get3A = arith.index_cast %add3A_1295 : i32 to index
      %get3A_1296 = tpu.vector_load %arg5[%get3A] {strides = array<i32>} : memref<2560xi32, #tpu.memory_space<vmem>>, vector<16xi32>,
      %get3A_1297 = vector.shape_cast %get3A_1296 : vector<16xi32> to vector<16xi32>
      %add3A_1298 = arith.constant 0 : i32
      %add3A_1299 = arith.addi %add3A_1298, %mul3A_1293 : i32
      %get3A_1300 = arith.index_cast %add3A_1299 : i32 to index
      %get3A_1301 = tpu.vector_load %arg6[%get3A_1300] {strides = array<i32>} : memref<2560xi32, #tpu.memory_space<vmem>>, vector<16xi32>,
      %get3A_1302 = vector.shape_cast %get3A_1301 : vector<16xi32> to vector<16xi32>
      %mul3A_1303 = arith.constant 100000 : i32
      %mul3A_1304 = vector.broadcast %mul3A_1303 : i32 to vector<16xi32>
      %mul3A_1305 = arith.muli %get3A_1302, %mul3A_1304 : vector<16xi32>
      %add3A_1306 = arith.addi %mul3A_1305, %get3A_1297 : vector<16xi32>
      %add3A_1307 = arith.constant 0 : i32
      %add3A_1308 = arith.addi %add3A_1307, %mul3A_1293 : i32
      %swap3A_1309 = arith.index_cast %add3A_1308 : i32 to index
      %swap3A_1310 = tpu.vector_load %arg7[%swap3A_1309] {strides = array<i32>} : memref<10240xi32, #tpu.memory_space<vmem>>, vector<16xi32>,
      %swap3A_1311 = vector.shape_cast %swap3A_1310 : vector<16xi32> to vector<16xi32>
      %swap3A_1312 = vector.shape_cast %add3A_1306 : vector<16xi32> to vector<16xi32>
      tpu.vector_store %arg7[%swap3A_1309], %swap3A_1312 {strides = array<i32>} : memref<10240xi32, #tpu.memory_space<vmem>>, vector<16xi32>,
    }
    %scan3A_117 = arith.constant 80 : i32
    %add3A_118 = arith.constant 2560 : i32
    %add3A_119 = arith.addi %mul3A_2, %add3A_118 : i32
    %dma_start3A_120 = arith.constant 0 : i32
    %dma_start3A_121 = tpu.memref_slice %arg5[%dma_start3A_120] : memref<2560xi32, #tpu.memory_space<vmem>> -> memref<1280xi32, #tpu.memory_space<vmem>>
    %dma_start3A_122 = tpu.memref_slice %arg2[%add3A_119] : memref<320000xi32, #tpu.memory_space<hbm>> -> memref<1280xi32, #tpu.memory_space<hbm>>
    %dma_start3A_123 = arith.constant 0 : i32
    %dma_start3A_124 = tpu.memref_slice %arg5[%dma_start3A_123] : memref<2560xi32, #tpu.memory_space<vmem>> -> memref<1280xi32, #tpu.memory_space<vmem>>
    %dma_start3A_125 = tpu.memref_slice %arg2[%add3A_119] : memref<320000xi32, #tpu.memory_space<hbm>> -> memref<1280xi32, #tpu.memory_space<hbm>>
    tpu.enqueue_dma source(%dma_start3A_125 : memref<1280xi32, #tpu.memory_space<hbm>>) target(%dma_start3A_124 : memref<1280xi32, #tpu.memory_space<vmem>>) target_semaphore(%arg12 : memref<!tpu.dma_semaphore, #tpu.memory_space<semaphore_mem>>)
    %dma_start3A_126 = arith.constant 0 : i32
    %dma_start3A_127 = tpu.memref_slice %arg6[%dma_start3A_126] : memref<2560xi32, #tpu.memory_space<vmem>> -> memref<1280xi32, #tpu.memory_space<vmem>>
    %dma_start3A_128 = tpu.memref_slice %arg3[%add3A_119] : memref<320000xi32, #tpu.memory_space<hbm>> -> memref<1280xi32, #tpu.memory_space<hbm>>
    %dma_start3A_129 = arith.constant 0 : i32
    %dma_start3A_130 = tpu.memref_slice %arg6[%dma_start3A_129] : memref<2560xi32, #tpu.memory_space<vmem>> -> memref<1280xi32, #tpu.memory_space<vmem>>
    %dma_start3A_131 = tpu.memref_slice %arg3[%add3A_119] : memref<320000xi32, #tpu.memory_space<hbm>> -> memref<1280xi32, #tpu.memory_space<hbm>>
    tpu.enqueue_dma source(%dma_start3A_131 : memref<1280xi32, #tpu.memory_space<hbm>>) target(%dma_start3A_130 : memref<1280xi32, #tpu.memory_space<vmem>>) target_semaphore(%arg12 : memref<!tpu.dma_semaphore, #tpu.memory_space<semaphore_mem>>)
    %dma_wait3A_132 = arith.constant 1280 : i32
    %dma_wait3A_133 = tpu.memref_slice %arg5[%dma_wait3A_132] : memref<2560xi32, #tpu.memory_space<vmem>> -> memref<1280xi32, #tpu.memory_space<vmem>>
    %dma_wait3A_134 = tpu.memref_slice %arg2[%add3A_88] : memref<320000xi32, #tpu.memory_space<hbm>> -> memref<1280xi32, #tpu.memory_space<hbm>>
    %dma_wait3A_135 = arith.constant 1280 : i32
    %dma_wait3A_136 = tpu.memref_slice %arg5[%dma_wait3A_135] : memref<2560xi32, #tpu.memory_space<vmem>> -> memref<1280xi32, #tpu.memory_space<vmem>>
    %dma_wait3A_137 = tpu.memref_slice %arg2[%add3A_88] : memref<320000xi32, #tpu.memory_space<hbm>> -> memref<1280xi32, #tpu.memory_space<hbm>>
    tpu.wait_dma2 semaphore(%arg13 : memref<!tpu.dma_semaphore, #tpu.memory_space<semaphore_mem>>) src(%dma_wait3A_137 : memref<1280xi32, #tpu.memory_space<hbm>>) dst(%dma_wait3A_136 : memref<1280xi32, #tpu.memory_space<vmem>>)
    %dma_wait3A_138 = arith.constant 1280 : i32
    %dma_wait3A_139 = tpu.memref_slice %arg6[%dma_wait3A_138] : memref<2560xi32, #tpu.memory_space<vmem>> -> memref<1280xi32, #tpu.memory_space<vmem>>
    %dma_wait3A_140 = tpu.memref_slice %arg3[%add3A_88] : memref<320000xi32, #tpu.memory_space<hbm>> -> memref<1280xi32, #tpu.memory_space<hbm>>
    %dma_wait3A_141 = arith.constant 1280 : i32
    %dma_wait3A_142 = tpu.memref_slice %arg6[%dma_wait3A_141] : memref<2560xi32, #tpu.memory_space<vmem>> -> memref<1280xi32, #tpu.memory_space<vmem>>
    %dma_wait3A_143 = tpu.memref_slice %arg3[%add3A_88] : memref<320000xi32, #tpu.memory_space<hbm>> -> memref<1280xi32, #tpu.memory_space<hbm>>
    tpu.wait_dma2 semaphore(%arg13 : memref<!tpu.dma_semaphore, #tpu.memory_space<semaphore_mem>>) src(%dma_wait3A_143 : memref<1280xi32, #tpu.memory_space<hbm>>) dst(%dma_wait3A_142 : memref<1280xi32, #tpu.memory_space<vmem>>)
    %scan3A_144 = arith.constant 0 : i32
    %scan3A_145 = arith.constant 0 : i32
    %scan3A_146 = arith.constant 80 : i32
    %scan3A_147 = arith.addi %scan3A_145, %scan3A_146 : i32
    %scan3A_148 = arith.constant 1 : i32
    scf.for %scan3A_1291 = %scan3A_145 to %scan3A_147 step %scan3A_148  : i32 {
      %mul3A_1292 = arith.constant 16 : i32
      %mul3A_1293 = arith.muli %scan3A_1291, %mul3A_1292 : i32
      %add3A_1294 = arith.constant 1280 : i32
      %add3A_1295 = arith.addi %add3A_1294, %mul3A_1293 : i32
      %get3A = arith.index_cast %add3A_1295 : i32 to index
      %get3A_1296 = tpu.vector_load %arg5[%get3A] {strides = array<i32>} : memref<2560xi32, #tpu.memory_space<vmem>>, vector<16xi32>,
      %get3A_1297 = vector.shape_cast %get3A_1296 : vector<16xi32> to vector<16xi32>
      %add3A_1298 = arith.constant 1280 : i32
      %add3A_1299 = arith.addi %add3A_1298, %mul3A_1293 : i32
      %get3A_1300 = arith.index_cast %add3A_1299 : i32 to index
      %get3A_1301 = tpu.vector_load %arg6[%get3A_1300] {strides = array<i32>} : memref<2560xi32, #tpu.memory_space<vmem>>, vector<16xi32>,
      %get3A_1302 = vector.shape_cast %get3A_1301 : vector<16xi32> to vector<16xi32>
      %mul3A_1303 = arith.constant 100000 : i32
      %mul3A_1304 = vector.broadcast %mul3A_1303 : i32 to vector<16xi32>
      %mul3A_1305 = arith.muli %get3A_1302, %mul3A_1304 : vector<16xi32>
      %add3A_1306 = arith.addi %mul3A_1305, %get3A_1297 : vector<16xi32>
      %add3A_1307 = arith.constant 1280 : i32
      %add3A_1308 = arith.addi %add3A_1307, %mul3A_1293 : i32
      %swap3A_1309 = arith.index_cast %add3A_1308 : i32 to index
      %swap3A_1310 = tpu.vector_load %arg7[%swap3A_1309] {strides = array<i32>} : memref<10240xi32, #tpu.memory_space<vmem>>, vector<16xi32>,
      %swap3A_1311 = vector.shape_cast %swap3A_1310 : vector<16xi32> to vector<16xi32>
      %swap3A_1312 = vector.shape_cast %add3A_1306 : vector<16xi32> to vector<16xi32>
      tpu.vector_store %arg7[%swap3A_1309], %swap3A_1312 {strides = array<i32>} : memref<10240xi32, #tpu.memory_space<vmem>>, vector<16xi32>,
    }
    %scan3A_149 = arith.constant 80 : i32
    %add3A_150 = arith.constant 3840 : i32
    %add3A_151 = arith.addi %mul3A_2, %add3A_150 : i32
    %dma_start3A_152 = arith.constant 1280 : i32
    %dma_start3A_153 = tpu.memref_slice %arg5[%dma_start3A_152] : memref<2560xi32, #tpu.memory_space<vmem>> -> memref<1280xi32, #tpu.memory_space<vmem>>
    %dma_start3A_154 = tpu.memref_slice %arg2[%add3A_151] : memref<320000xi32, #tpu.memory_space<hbm>> -> memref<1280xi32, #tpu.memory_space<hbm>>
    %dma_start3A_155 = arith.constant 1280 : i32
    %dma_start3A_156 = tpu.memref_slice %arg5[%dma_start3A_155] : memref<2560xi32, #tpu.memory_space<vmem>> -> memref<1280xi32, #tpu.memory_space<vmem>>
    %dma_start3A_157 = tpu.memref_slice %arg2[%add3A_151] : memref<320000xi32, #tpu.memory_space<hbm>> -> memref<1280xi32, #tpu.memory_space<hbm>>
    tpu.enqueue_dma source(%dma_start3A_157 : memref<1280xi32, #tpu.memory_space<hbm>>) target(%dma_start3A_156 : memref<1280xi32, #tpu.memory_space<vmem>>) target_semaphore(%arg13 : memref<!tpu.dma_semaphore, #tpu.memory_space<semaphore_mem>>)
    %dma_start3A_158 = arith.constant 1280 : i32
    %dma_start3A_159 = tpu.memref_slice %arg6[%dma_start3A_158] : memref<2560xi32, #tpu.memory_space<vmem>> -> memref<1280xi32, #tpu.memory_space<vmem>>
    %dma_start3A_160 = tpu.memref_slice %arg3[%add3A_151] : memref<320000xi32, #tpu.memory_space<hbm>> -> memref<1280xi32, #tpu.memory_space<hbm>>
    %dma_start3A_161 = arith.constant 1280 : i32
    %dma_start3A_162 = tpu.memref_slice %arg6[%dma_start3A_161] : memref<2560xi32, #tpu.memory_space<vmem>> -> memref<1280xi32, #tpu.memory_space<vmem>>
    %dma_start3A_163 = tpu.memref_slice %arg3[%add3A_151] : memref<320000xi32, #tpu.memory_space<hbm>> -> memref<1280xi32, #tpu.memory_space<hbm>>
    tpu.enqueue_dma source(%dma_start3A_163 : memref<1280xi32, #tpu.memory_space<hbm>>) target(%dma_start3A_162 : memref<1280xi32, #tpu.memory_space<vmem>>) target_semaphore(%arg13 : memref<!tpu.dma_semaphore, #tpu.memory_space<semaphore_mem>>)
    %dma_wait3A_164 = arith.constant 0 : i32
    %dma_wait3A_165 = tpu.memref_slice %arg5[%dma_wait3A_164] : memref<2560xi32, #tpu.memory_space<vmem>> -> memref<1280xi32, #tpu.memory_space<vmem>>
    %dma_wait3A_166 = tpu.memref_slice %arg2[%add3A_119] : memref<320000xi32, #tpu.memory_space<hbm>> -> memref<1280xi32, #tpu.memory_space<hbm>>
    %dma_wait3A_167 = arith.constant 0 : i32
    %dma_wait3A_168 = tpu.memref_slice %arg5[%dma_wait3A_167] : memref<2560xi32, #tpu.memory_space<vmem>> -> memref<1280xi32, #tpu.memory_space<vmem>>
    %dma_wait3A_169 = tpu.memref_slice %arg2[%add3A_119] : memref<320000xi32, #tpu.memory_space<hbm>> -> memref<1280xi32, #tpu.memory_space<hbm>>
    tpu.wait_dma2 semaphore(%arg12 : memref<!tpu.dma_semaphore, #tpu.memory_space<semaphore_mem>>) src(%dma_wait3A_169 : memref<1280xi32, #tpu.memory_space<hbm>>) dst(%dma_wait3A_168 : memref<1280xi32, #tpu.memory_space<vmem>>)
    %dma_wait3A_170 = arith.constant 0 : i32
    %dma_wait3A_171 = tpu.memref_slice %arg6[%dma_wait3A_170] : memref<2560xi32, #tpu.memory_space<vmem>> -> memref<1280xi32, #tpu.memory_space<vmem>>
    %dma_wait3A_172 = tpu.memref_slice %arg3[%add3A_119] : memref<320000xi32, #tpu.memory_space<hbm>> -> memref<1280xi32, #tpu.memory_space<hbm>>
    %dma_wait3A_173 = arith.constant 0 : i32
    %dma_wait3A_174 = tpu.memref_slice %arg6[%dma_wait3A_173] : memref<2560xi32, #tpu.memory_space<vmem>> -> memref<1280xi32, #tpu.memory_space<vmem>>
    %dma_wait3A_175 = tpu.memref_slice %arg3[%add3A_119] : memref<320000xi32, #tpu.memory_space<hbm>> -> memref<1280xi32, #tpu.memory_space<hbm>>
    tpu.wait_dma2 semaphore(%arg12 : memref<!tpu.dma_semaphore, #tpu.memory_space<semaphore_mem>>) src(%dma_wait3A_175 : memref<1280xi32, #tpu.memory_space<hbm>>) dst(%dma_wait3A_174 : memref<1280xi32, #tpu.memory_space<vmem>>)
    %scan3A_176 = arith.constant 0 : i32
    %scan3A_177 = arith.constant 0 : i32
    %scan3A_178 = arith.constant 80 : i32
    %scan3A_179 = arith.addi %scan3A_177, %scan3A_178 : i32
    %scan3A_180 = arith.constant 1 : i32
    scf.for %scan3A_1291 = %scan3A_177 to %scan3A_179 step %scan3A_180  : i32 {
      %mul3A_1292 = arith.constant 16 : i32
      %mul3A_1293 = arith.muli %scan3A_1291, %mul3A_1292 : i32
      %add3A_1294 = arith.constant 0 : i32
      %add3A_1295 = arith.addi %add3A_1294, %mul3A_1293 : i32
      %get3A = arith.index_cast %add3A_1295 : i32 to index
      %get3A_1296 = tpu.vector_load %arg5[%get3A] {strides = array<i32>} : memref<2560xi32, #tpu.memory_space<vmem>>, vector<16xi32>,
      %get3A_1297 = vector.shape_cast %get3A_1296 : vector<16xi32> to vector<16xi32>
      %add3A_1298 = arith.constant 0 : i32
      %add3A_1299 = arith.addi %add3A_1298, %mul3A_1293 : i32
      %get3A_1300 = arith.index_cast %add3A_1299 : i32 to index
      %get3A_1301 = tpu.vector_load %arg6[%get3A_1300] {strides = array<i32>} : memref<2560xi32, #tpu.memory_space<vmem>>, vector<16xi32>,
      %get3A_1302 = vector.shape_cast %get3A_1301 : vector<16xi32> to vector<16xi32>
      %mul3A_1303 = arith.constant 100000 : i32
      %mul3A_1304 = vector.broadcast %mul3A_1303 : i32 to vector<16xi32>
      %mul3A_1305 = arith.muli %get3A_1302, %mul3A_1304 : vector<16xi32>
      %add3A_1306 = arith.addi %mul3A_1305, %get3A_1297 : vector<16xi32>
      %add3A_1307 = arith.constant 2560 : i32
      %add3A_1308 = arith.addi %add3A_1307, %mul3A_1293 : i32
      %swap3A_1309 = arith.index_cast %add3A_1308 : i32 to index
      %swap3A_1310 = tpu.vector_load %arg7[%swap3A_1309] {strides = array<i32>} : memref<10240xi32, #tpu.memory_space<vmem>>, vector<16xi32>,
      %swap3A_1311 = vector.shape_cast %swap3A_1310 : vector<16xi32> to vector<16xi32>
      %swap3A_1312 = vector.shape_cast %add3A_1306 : vector<16xi32> to vector<16xi32>
      tpu.vector_store %arg7[%swap3A_1309], %swap3A_1312 {strides = array<i32>} : memref<10240xi32, #tpu.memory_space<vmem>>, vector<16xi32>,
    }
    %scan3A_181 = arith.constant 80 : i32
    %add3A_182 = arith.constant 5120 : i32
    %add3A_183 = arith.addi %mul3A_2, %add3A_182 : i32
    %dma_start3A_184 = arith.constant 0 : i32
    %dma_start3A_185 = tpu.memref_slice %arg5[%dma_start3A_184] : memref<2560xi32, #tpu.memory_space<vmem>> -> memref<1280xi32, #tpu.memory_space<vmem>>
    %dma_start3A_186 = tpu.memref_slice %arg2[%add3A_183] : memref<320000xi32, #tpu.memory_space<hbm>> -> memref<1280xi32, #tpu.memory_space<hbm>>
    %dma_start3A_187 = arith.constant 0 : i32
    %dma_start3A_188 = tpu.memref_slice %arg5[%dma_start3A_187] : memref<2560xi32, #tpu.memory_space<vmem>> -> memref<1280xi32, #tpu.memory_space<vmem>>
    %dma_start3A_189 = tpu.memref_slice %arg2[%add3A_183] : memref<320000xi32, #tpu.memory_space<hbm>> -> memref<1280xi32, #tpu.memory_space<hbm>>
    tpu.enqueue_dma source(%dma_start3A_189 : memref<1280xi32, #tpu.memory_space<hbm>>) target(%dma_start3A_188 : memref<1280xi32, #tpu.memory_space<vmem>>) target_semaphore(%arg12 : memref<!tpu.dma_semaphore, #tpu.memory_space<semaphore_mem>>)
    %dma_start3A_190 = arith.constant 0 : i32
    %dma_start3A_191 = tpu.memref_slice %arg6[%dma_start3A_190] : memref<2560xi32, #tpu.memory_space<vmem>> -> memref<1280xi32, #tpu.memory_space<vmem>>
    %dma_start3A_192 = tpu.memref_slice %arg3[%add3A_183] : memref<320000xi32, #tpu.memory_space<hbm>> -> memref<1280xi32, #tpu.memory_space<hbm>>
    %dma_start3A_193 = arith.constant 0 : i32
    %dma_start3A_194 = tpu.memref_slice %arg6[%dma_start3A_193] : memref<2560xi32, #tpu.memory_space<vmem>> -> memref<1280xi32, #tpu.memory_space<vmem>>
    %dma_start3A_195 = tpu.memref_slice %arg3[%add3A_183] : memref<320000xi32, #tpu.memory_space<hbm>> -> memref<1280xi32, #tpu.memory_space<hbm>>
    tpu.enqueue_dma source(%dma_start3A_195 : memref<1280xi32, #tpu.memory_space<hbm>>) target(%dma_start3A_194 : memref<1280xi32, #tpu.memory_space<vmem>>) target_semaphore(%arg12 : memref<!tpu.dma_semaphore, #tpu.memory_space<semaphore_mem>>)
    %dma_wait3A_196 = arith.constant 1280 : i32
    %dma_wait3A_197 = tpu.memref_slice %arg5[%dma_wait3A_196] : memref<2560xi32, #tpu.memory_space<vmem>> -> memref<1280xi32, #tpu.memory_space<vmem>>
    %dma_wait3A_198 = tpu.memref_slice %arg2[%add3A_151] : memref<320000xi32, #tpu.memory_space<hbm>> -> memref<1280xi32, #tpu.memory_space<hbm>>
    %dma_wait3A_199 = arith.constant 1280 : i32
    %dma_wait3A_200 = tpu.memref_slice %arg5[%dma_wait3A_199] : memref<2560xi32, #tpu.memory_space<vmem>> -> memref<1280xi32, #tpu.memory_space<vmem>>
    %dma_wait3A_201 = tpu.memref_slice %arg2[%add3A_151] : memref<320000xi32, #tpu.memory_space<hbm>> -> memref<1280xi32, #tpu.memory_space<hbm>>
    tpu.wait_dma2 semaphore(%arg13 : memref<!tpu.dma_semaphore, #tpu.memory_space<semaphore_mem>>) src(%dma_wait3A_201 : memref<1280xi32, #tpu.memory_space<hbm>>) dst(%dma_wait3A_200 : memref<1280xi32, #tpu.memory_space<vmem>>)
    %dma_wait3A_202 = arith.constant 1280 : i32
    %dma_wait3A_203 = tpu.memref_slice %arg6[%dma_wait3A_202] : memref<2560xi32, #tpu.memory_space<vmem>> -> memref<1280xi32, #tpu.memory_space<vmem>>
    %dma_wait3A_204 = tpu.memref_slice %arg3[%add3A_151] : memref<320000xi32, #tpu.memory_space<hbm>> -> memref<1280xi32, #tpu.memory_space<hbm>>
    %dma_wait3A_205 = arith.constant 1280 : i32
    %dma_wait3A_206 = tpu.memref_slice %arg6[%dma_wait3A_205] : memref<2560xi32, #tpu.memory_space<vmem>> -> memref<1280xi32, #tpu.memory_space<vmem>>
    %dma_wait3A_207 = tpu.memref_slice %arg3[%add3A_151] : memref<320000xi32, #tpu.memory_space<hbm>> -> memref<1280xi32, #tpu.memory_space<hbm>>
    tpu.wait_dma2 semaphore(%arg13 : memref<!tpu.dma_semaphore, #tpu.memory_space<semaphore_mem>>) src(%dma_wait3A_207 : memref<1280xi32, #tpu.memory_space<hbm>>) dst(%dma_wait3A_206 : memref<1280xi32, #tpu.memory_space<vmem>>)
    %scan3A_208 = arith.constant 0 : i32
    %scan3A_209 = arith.constant 0 : i32
    %scan3A_210 = arith.constant 80 : i32
    %scan3A_211 = arith.addi %scan3A_209, %scan3A_210 : i32
    %scan3A_212 = arith.constant 1 : i32
    scf.for %scan3A_1291 = %scan3A_209 to %scan3A_211 step %scan3A_212  : i32 {
      %mul3A_1292 = arith.constant 16 : i32
      %mul3A_1293 = arith.muli %scan3A_1291, %mul3A_1292 : i32
      %add3A_1294 = arith.constant 1280 : i32
      %add3A_1295 = arith.addi %add3A_1294, %mul3A_1293 : i32
      %get3A = arith.index_cast %add3A_1295 : i32 to index
      %get3A_1296 = tpu.vector_load %arg5[%get3A] {strides = array<i32>} : memref<2560xi32, #tpu.memory_space<vmem>>, vector<16xi32>,
      %get3A_1297 = vector.shape_cast %get3A_1296 : vector<16xi32> to vector<16xi32>
      %add3A_1298 = arith.constant 1280 : i32
      %add3A_1299 = arith.addi %add3A_1298, %mul3A_1293 : i32
      %get3A_1300 = arith.index_cast %add3A_1299 : i32 to index
      %get3A_1301 = tpu.vector_load %arg6[%get3A_1300] {strides = array<i32>} : memref<2560xi32, #tpu.memory_space<vmem>>, vector<16xi32>,
      %get3A_1302 = vector.shape_cast %get3A_1301 : vector<16xi32> to vector<16xi32>
      %mul3A_1303 = arith.constant 100000 : i32
      %mul3A_1304 = vector.broadcast %mul3A_1303 : i32 to vector<16xi32>
      %mul3A_1305 = arith.muli %get3A_1302, %mul3A_1304 : vector<16xi32>
      %add3A_1306 = arith.addi %mul3A_1305, %get3A_1297 : vector<16xi32>
      %add3A_1307 = arith.constant 3840 : i32
      %add3A_1308 = arith.addi %add3A_1307, %mul3A_1293 : i32
      %swap3A_1309 = arith.index_cast %add3A_1308 : i32 to index
      %swap3A_1310 = tpu.vector_load %arg7[%swap3A_1309] {strides = array<i32>} : memref<10240xi32, #tpu.memory_space<vmem>>, vector<16xi32>,
      %swap3A_1311 = vector.shape_cast %swap3A_1310 : vector<16xi32> to vector<16xi32>
      %swap3A_1312 = vector.shape_cast %add3A_1306 : vector<16xi32> to vector<16xi32>
      tpu.vector_store %arg7[%swap3A_1309], %swap3A_1312 {strides = array<i32>} : memref<10240xi32, #tpu.memory_space<vmem>>, vector<16xi32>,
    }
    %scan3A_213 = arith.constant 80 : i32
    %add3A_214 = arith.constant 6400 : i32
    %add3A_215 = arith.addi %mul3A_2, %add3A_214 : i32
    %dma_start3A_216 = arith.constant 1280 : i32
    %dma_start3A_217 = tpu.memref_slice %arg5[%dma_start3A_216] : memref<2560xi32, #tpu.memory_space<vmem>> -> memref<1280xi32, #tpu.memory_space<vmem>>
    %dma_start3A_218 = tpu.memref_slice %arg2[%add3A_215] : memref<320000xi32, #tpu.memory_space<hbm>> -> memref<1280xi32, #tpu.memory_space<hbm>>
    %dma_start3A_219 = arith.constant 1280 : i32
    %dma_start3A_220 = tpu.memref_slice %arg5[%dma_start3A_219] : memref<2560xi32, #tpu.memory_space<vmem>> -> memref<1280xi32, #tpu.memory_space<vmem>>
    %dma_start3A_221 = tpu.memref_slice %arg2[%add3A_215] : memref<320000xi32, #tpu.memory_space<hbm>> -> memref<1280xi32, #tpu.memory_space<hbm>>
    tpu.enqueue_dma source(%dma_start3A_221 : memref<1280xi32, #tpu.memory_space<hbm>>) target(%dma_start3A_220 : memref<1280xi32, #tpu.memory_space<vmem>>) target_semaphore(%arg13 : memref<!tpu.dma_semaphore, #tpu.memory_space<semaphore_mem>>)
    %dma_start3A_222 = arith.constant 1280 : i32
    %dma_start3A_223 = tpu.memref_slice %arg6[%dma_start3A_222] : memref<2560xi32, #tpu.memory_space<vmem>> -> memref<1280xi32, #tpu.memory_space<vmem>>
    %dma_start3A_224 = tpu.memref_slice %arg3[%add3A_215] : memref<320000xi32, #tpu.memory_space<hbm>> -> memref<1280xi32, #tpu.memory_space<hbm>>
    %dma_start3A_225 = arith.constant 1280 : i32
    %dma_start3A_226 = tpu.memref_slice %arg6[%dma_start3A_225] : memref<2560xi32, #tpu.memory_space<vmem>> -> memref<1280xi32, #tpu.memory_space<vmem>>
    %dma_start3A_227 = tpu.memref_slice %arg3[%add3A_215] : memref<320000xi32, #tpu.memory_space<hbm>> -> memref<1280xi32, #tpu.memory_space<hbm>>
    tpu.enqueue_dma source(%dma_start3A_227 : memref<1280xi32, #tpu.memory_space<hbm>>) target(%dma_start3A_226 : memref<1280xi32, #tpu.memory_space<vmem>>) target_semaphore(%arg13 : memref<!tpu.dma_semaphore, #tpu.memory_space<semaphore_mem>>)
    %dma_wait3A_228 = arith.constant 0 : i32
    %dma_wait3A_229 = tpu.memref_slice %arg5[%dma_wait3A_228] : memref<2560xi32, #tpu.memory_space<vmem>> -> memref<1280xi32, #tpu.memory_space<vmem>>
    %dma_wait3A_230 = tpu.memref_slice %arg2[%add3A_183] : memref<320000xi32, #tpu.memory_space<hbm>> -> memref<1280xi32, #tpu.memory_space<hbm>>
    %dma_wait3A_231 = arith.constant 0 : i32
    %dma_wait3A_232 = tpu.memref_slice %arg5[%dma_wait3A_231] : memref<2560xi32, #tpu.memory_space<vmem>> -> memref<1280xi32, #tpu.memory_space<vmem>>
    %dma_wait3A_233 = tpu.memref_slice %arg2[%add3A_183] : memref<320000xi32, #tpu.memory_space<hbm>> -> memref<1280xi32, #tpu.memory_space<hbm>>
    tpu.wait_dma2 semaphore(%arg12 : memref<!tpu.dma_semaphore, #tpu.memory_space<semaphore_mem>>) src(%dma_wait3A_233 : memref<1280xi32, #tpu.memory_space<hbm>>) dst(%dma_wait3A_232 : memref<1280xi32, #tpu.memory_space<vmem>>)
    %dma_wait3A_234 = arith.constant 0 : i32
    %dma_wait3A_235 = tpu.memref_slice %arg6[%dma_wait3A_234] : memref<2560xi32, #tpu.memory_space<vmem>> -> memref<1280xi32, #tpu.memory_space<vmem>>
    %dma_wait3A_236 = tpu.memref_slice %arg3[%add3A_183] : memref<320000xi32, #tpu.memory_space<hbm>> -> memref<1280xi32, #tpu.memory_space<hbm>>
    %dma_wait3A_237 = arith.constant 0 : i32
    %dma_wait3A_238 = tpu.memref_slice %arg6[%dma_wait3A_237] : memref<2560xi32, #tpu.memory_space<vmem>> -> memref<1280xi32, #tpu.memory_space<vmem>>
    %dma_wait3A_239 = tpu.memref_slice %arg3[%add3A_183] : memref<320000xi32, #tpu.memory_space<hbm>> -> memref<1280xi32, #tpu.memory_space<hbm>>
    tpu.wait_dma2 semaphore(%arg12 : memref<!tpu.dma_semaphore, #tpu.memory_space<semaphore_mem>>) src(%dma_wait3A_239 : memref<1280xi32, #tpu.memory_space<hbm>>) dst(%dma_wait3A_238 : memref<1280xi32, #tpu.memory_space<vmem>>)
    %scan3A_240 = arith.constant 0 : i32
    %scan3A_241 = arith.constant 0 : i32
    %scan3A_242 = arith.constant 80 : i32
    %scan3A_243 = arith.addi %scan3A_241, %scan3A_242 : i32
    %scan3A_244 = arith.constant 1 : i32
    scf.for %scan3A_1291 = %scan3A_241 to %scan3A_243 step %scan3A_244  : i32 {
      %mul3A_1292 = arith.constant 16 : i32
      %mul3A_1293 = arith.muli %scan3A_1291, %mul3A_1292 : i32
      %add3A_1294 = arith.constant 0 : i32
      %add3A_1295 = arith.addi %add3A_1294, %mul3A_1293 : i32
      %get3A = arith.index_cast %add3A_1295 : i32 to index
      %get3A_1296 = tpu.vector_load %arg5[%get3A] {strides = array<i32>} : memref<2560xi32, #tpu.memory_space<vmem>>, vector<16xi32>,
      %get3A_1297 = vector.shape_cast %get3A_1296 : vector<16xi32> to vector<16xi32>
      %add3A_1298 = arith.constant 0 : i32
      %add3A_1299 = arith.addi %add3A_1298, %mul3A_1293 : i32
      %get3A_1300 = arith.index_cast %add3A_1299 : i32 to index
      %get3A_1301 = tpu.vector_load %arg6[%get3A_1300] {strides = array<i32>} : memref<2560xi32, #tpu.memory_space<vmem>>, vector<16xi32>,
      %get3A_1302 = vector.shape_cast %get3A_1301 : vector<16xi32> to vector<16xi32>
      %mul3A_1303 = arith.constant 100000 : i32
      %mul3A_1304 = vector.broadcast %mul3A_1303 : i32 to vector<16xi32>
      %mul3A_1305 = arith.muli %get3A_1302, %mul3A_1304 : vector<16xi32>
      %add3A_1306 = arith.addi %mul3A_1305, %get3A_1297 : vector<16xi32>
      %add3A_1307 = arith.constant 5120 : i32
      %add3A_1308 = arith.addi %add3A_1307, %mul3A_1293 : i32
      %swap3A_1309 = arith.index_cast %add3A_1308 : i32 to index
      %swap3A_1310 = tpu.vector_load %arg7[%swap3A_1309] {strides = array<i32>} : memref<10240xi32, #tpu.memory_space<vmem>>, vector<16xi32>,
      %swap3A_1311 = vector.shape_cast %swap3A_1310 : vector<16xi32> to vector<16xi32>
      %swap3A_1312 = vector.shape_cast %add3A_1306 : vector<16xi32> to vector<16xi32>
      tpu.vector_store %arg7[%swap3A_1309], %swap3A_1312 {strides = array<i32>} : memref<10240xi32, #tpu.memory_space<vmem>>, vector<16xi32>,
    }
    %scan3A_245 = arith.constant 80 : i32
    %add3A_246 = arith.constant 7680 : i32
    %add3A_247 = arith.addi %mul3A_2, %add3A_246 : i32
    %dma_start3A_248 = arith.constant 0 : i32
    %dma_start3A_249 = tpu.memref_slice %arg5[%dma_start3A_248] : memref<2560xi32, #tpu.memory_space<vmem>> -> memref<1280xi32, #tpu.memory_space<vmem>>
    %dma_start3A_250 = tpu.memref_slice %arg2[%add3A_247] : memref<320000xi32, #tpu.memory_space<hbm>> -> memref<1280xi32, #tpu.memory_space<hbm>>
    %dma_start3A_251 = arith.constant 0 : i32
    %dma_start3A_252 = tpu.memref_slice %arg5[%dma_start3A_251] : memref<2560xi32, #tpu.memory_space<vmem>> -> memref<1280xi32, #tpu.memory_space<vmem>>
    %dma_start3A_253 = tpu.memref_slice %arg2[%add3A_247] : memref<320000xi32, #tpu.memory_space<hbm>> -> memref<1280xi32, #tpu.memory_space<hbm>>
    tpu.enqueue_dma source(%dma_start3A_253 : memref<1280xi32, #tpu.memory_space<hbm>>) target(%dma_start3A_252 : memref<1280xi32, #tpu.memory_space<vmem>>) target_semaphore(%arg12 : memref<!tpu.dma_semaphore, #tpu.memory_space<semaphore_mem>>)
    %dma_start3A_254 = arith.constant 0 : i32
    %dma_start3A_255 = tpu.memref_slice %arg6[%dma_start3A_254] : memref<2560xi32, #tpu.memory_space<vmem>> -> memref<1280xi32, #tpu.memory_space<vmem>>
    %dma_start3A_256 = tpu.memref_slice %arg3[%add3A_247] : memref<320000xi32, #tpu.memory_space<hbm>> -> memref<1280xi32, #tpu.memory_space<hbm>>
    %dma_start3A_257 = arith.constant 0 : i32
    %dma_start3A_258 = tpu.memref_slice %arg6[%dma_start3A_257] : memref<2560xi32, #tpu.memory_space<vmem>> -> memref<1280xi32, #tpu.memory_space<vmem>>
    %dma_start3A_259 = tpu.memref_slice %arg3[%add3A_247] : memref<320000xi32, #tpu.memory_space<hbm>> -> memref<1280xi32, #tpu.memory_space<hbm>>
    tpu.enqueue_dma source(%dma_start3A_259 : memref<1280xi32, #tpu.memory_space<hbm>>) target(%dma_start3A_258 : memref<1280xi32, #tpu.memory_space<vmem>>) target_semaphore(%arg12 : memref<!tpu.dma_semaphore, #tpu.memory_space<semaphore_mem>>)
    %dma_wait3A_260 = arith.constant 1280 : i32
    %dma_wait3A_261 = tpu.memref_slice %arg5[%dma_wait3A_260] : memref<2560xi32, #tpu.memory_space<vmem>> -> memref<1280xi32, #tpu.memory_space<vmem>>
    %dma_wait3A_262 = tpu.memref_slice %arg2[%add3A_215] : memref<320000xi32, #tpu.memory_space<hbm>> -> memref<1280xi32, #tpu.memory_space<hbm>>
    %dma_wait3A_263 = arith.constant 1280 : i32
    %dma_wait3A_264 = tpu.memref_slice %arg5[%dma_wait3A_263] : memref<2560xi32, #tpu.memory_space<vmem>> -> memref<1280xi32, #tpu.memory_space<vmem>>
    %dma_wait3A_265 = tpu.memref_slice %arg2[%add3A_215] : memref<320000xi32, #tpu.memory_space<hbm>> -> memref<1280xi32, #tpu.memory_space<hbm>>
    tpu.wait_dma2 semaphore(%arg13 : memref<!tpu.dma_semaphore, #tpu.memory_space<semaphore_mem>>) src(%dma_wait3A_265 : memref<1280xi32, #tpu.memory_space<hbm>>) dst(%dma_wait3A_264 : memref<1280xi32, #tpu.memory_space<vmem>>)
    %dma_wait3A_266 = arith.constant 1280 : i32
    %dma_wait3A_267 = tpu.memref_slice %arg6[%dma_wait3A_266] : memref<2560xi32, #tpu.memory_space<vmem>> -> memref<1280xi32, #tpu.memory_space<vmem>>
    %dma_wait3A_268 = tpu.memref_slice %arg3[%add3A_215] : memref<320000xi32, #tpu.memory_space<hbm>> -> memref<1280xi32, #tpu.memory_space<hbm>>
    %dma_wait3A_269 = arith.constant 1280 : i32
    %dma_wait3A_270 = tpu.memref_slice %arg6[%dma_wait3A_269] : memref<2560xi32, #tpu.memory_space<vmem>> -> memref<1280xi32, #tpu.memory_space<vmem>>
    %dma_wait3A_271 = tpu.memref_slice %arg3[%add3A_215] : memref<320000xi32, #tpu.memory_space<hbm>> -> memref<1280xi32, #tpu.memory_space<hbm>>
    tpu.wait_dma2 semaphore(%arg13 : memref<!tpu.dma_semaphore, #tpu.memory_space<semaphore_mem>>) src(%dma_wait3A_271 : memref<1280xi32, #tpu.memory_space<hbm>>) dst(%dma_wait3A_270 : memref<1280xi32, #tpu.memory_space<vmem>>)
    %scan3A_272 = arith.constant 0 : i32
    %scan3A_273 = arith.constant 0 : i32
    %scan3A_274 = arith.constant 80 : i32
    %scan3A_275 = arith.addi %scan3A_273, %scan3A_274 : i32
    %scan3A_276 = arith.constant 1 : i32
    scf.for %scan3A_1291 = %scan3A_273 to %scan3A_275 step %scan3A_276  : i32 {
      %mul3A_1292 = arith.constant 16 : i32
      %mul3A_1293 = arith.muli %scan3A_1291, %mul3A_1292 : i32
      %add3A_1294 = arith.constant 1280 : i32
      %add3A_1295 = arith.addi %add3A_1294, %mul3A_1293 : i32
      %get3A = arith.index_cast %add3A_1295 : i32 to index
      %get3A_1296 = tpu.vector_load %arg5[%get3A] {strides = array<i32>} : memref<2560xi32, #tpu.memory_space<vmem>>, vector<16xi32>,
      %get3A_1297 = vector.shape_cast %get3A_1296 : vector<16xi32> to vector<16xi32>
      %add3A_1298 = arith.constant 1280 : i32
      %add3A_1299 = arith.addi %add3A_1298, %mul3A_1293 : i32
      %get3A_1300 = arith.index_cast %add3A_1299 : i32 to index
      %get3A_1301 = tpu.vector_load %arg6[%get3A_1300] {strides = array<i32>} : memref<2560xi32, #tpu.memory_space<vmem>>, vector<16xi32>,
      %get3A_1302 = vector.shape_cast %get3A_1301 : vector<16xi32> to vector<16xi32>
      %mul3A_1303 = arith.constant 100000 : i32
      %mul3A_1304 = vector.broadcast %mul3A_1303 : i32 to vector<16xi32>
      %mul3A_1305 = arith.muli %get3A_1302, %mul3A_1304 : vector<16xi32>
      %add3A_1306 = arith.addi %mul3A_1305, %get3A_1297 : vector<16xi32>
      %add3A_1307 = arith.constant 6400 : i32
      %add3A_1308 = arith.addi %add3A_1307, %mul3A_1293 : i32
      %swap3A_1309 = arith.index_cast %add3A_1308 : i32 to index
      %swap3A_1310 = tpu.vector_load %arg7[%swap3A_1309] {strides = array<i32>} : memref<10240xi32, #tpu.memory_space<vmem>>, vector<16xi32>,
      %swap3A_1311 = vector.shape_cast %swap3A_1310 : vector<16xi32> to vector<16xi32>
      %swap3A_1312 = vector.shape_cast %add3A_1306 : vector<16xi32> to vector<16xi32>
      tpu.vector_store %arg7[%swap3A_1309], %swap3A_1312 {strides = array<i32>} : memref<10240xi32, #tpu.memory_space<vmem>>, vector<16xi32>,
    }
    %scan3A_277 = arith.constant 80 : i32
    %add3A_278 = arith.constant 8960 : i32
    %add3A_279 = arith.addi %mul3A_2, %add3A_278 : i32
    %dma_start3A_280 = arith.constant 1280 : i32
    %dma_start3A_281 = tpu.memref_slice %arg5[%dma_start3A_280] : memref<2560xi32, #tpu.memory_space<vmem>> -> memref<1040xi32, #tpu.memory_space<vmem>>
    %dma_start3A_282 = tpu.memref_slice %arg2[%add3A_279] : memref<320000xi32, #tpu.memory_space<hbm>> -> memref<1040xi32, #tpu.memory_space<hbm>>
    %dma_start3A_283 = arith.constant 1280 : i32
    %dma_start3A_284 = tpu.memref_slice %arg5[%dma_start3A_283] : memref<2560xi32, #tpu.memory_space<vmem>> -> memref<1040xi32, #tpu.memory_space<vmem>>
    %dma_start3A_285 = tpu.memref_slice %arg2[%add3A_279] : memref<320000xi32, #tpu.memory_space<hbm>> -> memref<1040xi32, #tpu.memory_space<hbm>>
    tpu.enqueue_dma source(%dma_start3A_285 : memref<1040xi32, #tpu.memory_space<hbm>>) target(%dma_start3A_284 : memref<1040xi32, #tpu.memory_space<vmem>>) target_semaphore(%arg13 : memref<!tpu.dma_semaphore, #tpu.memory_space<semaphore_mem>>)
    %dma_start3A_286 = arith.constant 1280 : i32
    %dma_start3A_287 = tpu.memref_slice %arg6[%dma_start3A_286] : memref<2560xi32, #tpu.memory_space<vmem>> -> memref<1040xi32, #tpu.memory_space<vmem>>
    %dma_start3A_288 = tpu.memref_slice %arg3[%add3A_279] : memref<320000xi32, #tpu.memory_space<hbm>> -> memref<1040xi32, #tpu.memory_space<hbm>>
    %dma_start3A_289 = arith.constant 1280 : i32
    %dma_start3A_290 = tpu.memref_slice %arg6[%dma_start3A_289] : memref<2560xi32, #tpu.memory_space<vmem>> -> memref<1040xi32, #tpu.memory_space<vmem>>
    %dma_start3A_291 = tpu.memref_slice %arg3[%add3A_279] : memref<320000xi32, #tpu.memory_space<hbm>> -> memref<1040xi32, #tpu.memory_space<hbm>>
    tpu.enqueue_dma source(%dma_start3A_291 : memref<1040xi32, #tpu.memory_space<hbm>>) target(%dma_start3A_290 : memref<1040xi32, #tpu.memory_space<vmem>>) target_semaphore(%arg13 : memref<!tpu.dma_semaphore, #tpu.memory_space<semaphore_mem>>)
    %dma_wait3A_292 = arith.constant 0 : i32
    %dma_wait3A_293 = tpu.memref_slice %arg5[%dma_wait3A_292] : memref<2560xi32, #tpu.memory_space<vmem>> -> memref<1280xi32, #tpu.memory_space<vmem>>
    %dma_wait3A_294 = tpu.memref_slice %arg2[%add3A_247] : memref<320000xi32, #tpu.memory_space<hbm>> -> memref<1280xi32, #tpu.memory_space<hbm>>
    %dma_wait3A_295 = arith.constant 0 : i32
    %dma_wait3A_296 = tpu.memref_slice %arg5[%dma_wait3A_295] : memref<2560xi32, #tpu.memory_space<vmem>> -> memref<1280xi32, #tpu.memory_space<vmem>>
    %dma_wait3A_297 = tpu.memref_slice %arg2[%add3A_247] : memref<320000xi32, #tpu.memory_space<hbm>> -> memref<1280xi32, #tpu.memory_space<hbm>>
    tpu.wait_dma2 semaphore(%arg12 : memref<!tpu.dma_semaphore, #tpu.memory_space<semaphore_mem>>) src(%dma_wait3A_297 : memref<1280xi32, #tpu.memory_space<hbm>>) dst(%dma_wait3A_296 : memref<1280xi32, #tpu.memory_space<vmem>>)
    %dma_wait3A_298 = arith.constant 0 : i32
    %dma_wait3A_299 = tpu.memref_slice %arg6[%dma_wait3A_298] : memref<2560xi32, #tpu.memory_space<vmem>> -> memref<1280xi32, #tpu.memory_space<vmem>>
    %dma_wait3A_300 = tpu.memref_slice %arg3[%add3A_247] : memref<320000xi32, #tpu.memory_space<hbm>> -> memref<1280xi32, #tpu.memory_space<hbm>>
    %dma_wait3A_301 = arith.constant 0 : i32
    %dma_wait3A_302 = tpu.memref_slice %arg6[%dma_wait3A_301] : memref<2560xi32, #tpu.memory_space<vmem>> -> memref<1280xi32, #tpu.memory_space<vmem>>
    %dma_wait3A_303 = tpu.memref_slice %arg3[%add3A_247] : memref<320000xi32, #tpu.memory_space<hbm>> -> memref<1280xi32, #tpu.memory_space<hbm>>
    tpu.wait_dma2 semaphore(%arg12 : memref<!tpu.dma_semaphore, #tpu.memory_space<semaphore_mem>>) src(%dma_wait3A_303 : memref<1280xi32, #tpu.memory_space<hbm>>) dst(%dma_wait3A_302 : memref<1280xi32, #tpu.memory_space<vmem>>)
    %scan3A_304 = arith.constant 0 : i32
    %scan3A_305 = arith.constant 0 : i32
    %scan3A_306 = arith.constant 80 : i32
    %scan3A_307 = arith.addi %scan3A_305, %scan3A_306 : i32
    %scan3A_308 = arith.constant 1 : i32
    scf.for %scan3A_1291 = %scan3A_305 to %scan3A_307 step %scan3A_308  : i32 {
      %mul3A_1292 = arith.constant 16 : i32
      %mul3A_1293 = arith.muli %scan3A_1291, %mul3A_1292 : i32
      %add3A_1294 = arith.constant 0 : i32
      %add3A_1295 = arith.addi %add3A_1294, %mul3A_1293 : i32
      %get3A = arith.index_cast %add3A_1295 : i32 to index
      %get3A_1296 = tpu.vector_load %arg5[%get3A] {strides = array<i32>} : memref<2560xi32, #tpu.memory_space<vmem>>, vector<16xi32>,
      %get3A_1297 = vector.shape_cast %get3A_1296 : vector<16xi32> to vector<16xi32>
      %add3A_1298 = arith.constant 0 : i32
      %add3A_1299 = arith.addi %add3A_1298, %mul3A_1293 : i32
      %get3A_1300 = arith.index_cast %add3A_1299 : i32 to index
      %get3A_1301 = tpu.vector_load %arg6[%get3A_1300] {strides = array<i32>} : memref<2560xi32, #tpu.memory_space<vmem>>, vector<16xi32>,
      %get3A_1302 = vector.shape_cast %get3A_1301 : vector<16xi32> to vector<16xi32>
      %mul3A_1303 = arith.constant 100000 : i32
      %mul3A_1304 = vector.broadcast %mul3A_1303 : i32 to vector<16xi32>
      %mul3A_1305 = arith.muli %get3A_1302, %mul3A_1304 : vector<16xi32>
      %add3A_1306 = arith.addi %mul3A_1305, %get3A_1297 : vector<16xi32>
      %add3A_1307 = arith.constant 7680 : i32
      %add3A_1308 = arith.addi %add3A_1307, %mul3A_1293 : i32
      %swap3A_1309 = arith.index_cast %add3A_1308 : i32 to index
      %swap3A_1310 = tpu.vector_load %arg7[%swap3A_1309] {strides = array<i32>} : memref<10240xi32, #tpu.memory_space<vmem>>, vector<16xi32>,
      %swap3A_1311 = vector.shape_cast %swap3A_1310 : vector<16xi32> to vector<16xi32>
      %swap3A_1312 = vector.shape_cast %add3A_1306 : vector<16xi32> to vector<16xi32>
      tpu.vector_store %arg7[%swap3A_1309], %swap3A_1312 {strides = array<i32>} : memref<10240xi32, #tpu.memory_space<vmem>>, vector<16xi32>,
    }
    %scan3A_309 = arith.constant 80 : i32
    %dma_wait3A_310 = arith.constant 1280 : i32
    %dma_wait3A_311 = tpu.memref_slice %arg5[%dma_wait3A_310] : memref<2560xi32, #tpu.memory_space<vmem>> -> memref<1040xi32, #tpu.memory_space<vmem>>
    %dma_wait3A_312 = tpu.memref_slice %arg2[%add3A_279] : memref<320000xi32, #tpu.memory_space<hbm>> -> memref<1040xi32, #tpu.memory_space<hbm>>
    %dma_wait3A_313 = arith.constant 1280 : i32
    %dma_wait3A_314 = tpu.memref_slice %arg5[%dma_wait3A_313] : memref<2560xi32, #tpu.memory_space<vmem>> -> memref<1040xi32, #tpu.memory_space<vmem>>
    %dma_wait3A_315 = tpu.memref_slice %arg2[%add3A_279] : memref<320000xi32, #tpu.memory_space<hbm>> -> memref<1040xi32, #tpu.memory_space<hbm>>
    tpu.wait_dma2 semaphore(%arg13 : memref<!tpu.dma_semaphore, #tpu.memory_space<semaphore_mem>>) src(%dma_wait3A_315 : memref<1040xi32, #tpu.memory_space<hbm>>) dst(%dma_wait3A_314 : memref<1040xi32, #tpu.memory_space<vmem>>)
    %dma_wait3A_316 = arith.constant 1280 : i32
    %dma_wait3A_317 = tpu.memref_slice %arg6[%dma_wait3A_316] : memref<2560xi32, #tpu.memory_space<vmem>> -> memref<1040xi32, #tpu.memory_space<vmem>>
    %dma_wait3A_318 = tpu.memref_slice %arg3[%add3A_279] : memref<320000xi32, #tpu.memory_space<hbm>> -> memref<1040xi32, #tpu.memory_space<hbm>>
    %dma_wait3A_319 = arith.constant 1280 : i32
    %dma_wait3A_320 = tpu.memref_slice %arg6[%dma_wait3A_319] : memref<2560xi32, #tpu.memory_space<vmem>> -> memref<1040xi32, #tpu.memory_space<vmem>>
    %dma_wait3A_321 = tpu.memref_slice %arg3[%add3A_279] : memref<320000xi32, #tpu.memory_space<hbm>> -> memref<1040xi32, #tpu.memory_space<hbm>>
    tpu.wait_dma2 semaphore(%arg13 : memref<!tpu.dma_semaphore, #tpu.memory_space<semaphore_mem>>) src(%dma_wait3A_321 : memref<1040xi32, #tpu.memory_space<hbm>>) dst(%dma_wait3A_320 : memref<1040xi32, #tpu.memory_space<vmem>>)
    %broadcast_in_dim3A = arith.constant 0 : i32
    %broadcast_in_dim3A_322 = vector.broadcast %broadcast_in_dim3A : i32 to vector<16xi32>
    %swap3A = arith.constant 2320 : index
    %swap3A_323 = tpu.vector_load %arg5[%swap3A] {strides = array<i32>} : memref<2560xi32, #tpu.memory_space<vmem>>, vector<16xi32>,
    %swap3A_324 = vector.shape_cast %swap3A_323 : vector<16xi32> to vector<16xi32>
    %swap3A_325 = vector.shape_cast %broadcast_in_dim3A_322 : vector<16xi32> to vector<16xi32>
    tpu.vector_store %arg5[%swap3A], %swap3A_325 {strides = array<i32>} : memref<2560xi32, #tpu.memory_space<vmem>>, vector<16xi32>,
    %broadcast_in_dim3A_326 = arith.constant 16 : i32
    %broadcast_in_dim3A_327 = vector.broadcast %broadcast_in_dim3A_326 : i32 to vector<16xi32>
    %swap3A_328 = arith.constant 2320 : index
    %swap3A_329 = tpu.vector_load %arg6[%swap3A_328] {strides = array<i32>} : memref<2560xi32, #tpu.memory_space<vmem>>, vector<16xi32>,
    %swap3A_330 = vector.shape_cast %swap3A_329 : vector<16xi32> to vector<16xi32>
    %swap3A_331 = vector.shape_cast %broadcast_in_dim3A_327 : vector<16xi32> to vector<16xi32>
    tpu.vector_store %arg6[%swap3A_328], %swap3A_331 {strides = array<i32>} : memref<2560xi32, #tpu.memory_space<vmem>>, vector<16xi32>,
    %broadcast_in_dim3A_332 = arith.constant 0 : i32
    %broadcast_in_dim3A_333 = vector.broadcast %broadcast_in_dim3A_332 : i32 to vector<16xi32>
    %swap3A_334 = arith.constant 2336 : index
    %swap3A_335 = tpu.vector_load %arg5[%swap3A_334] {strides = array<i32>} : memref<2560xi32, #tpu.memory_space<vmem>>, vector<16xi32>,
    %swap3A_336 = vector.shape_cast %swap3A_335 : vector<16xi32> to vector<16xi32>
    %swap3A_337 = vector.shape_cast %broadcast_in_dim3A_333 : vector<16xi32> to vector<16xi32>
    tpu.vector_store %arg5[%swap3A_334], %swap3A_337 {strides = array<i32>} : memref<2560xi32, #tpu.memory_space<vmem>>, vector<16xi32>,
    %broadcast_in_dim3A_338 = arith.constant 16 : i32
    %broadcast_in_dim3A_339 = vector.broadcast %broadcast_in_dim3A_338 : i32 to vector<16xi32>
    %swap3A_340 = arith.constant 2336 : index
    %swap3A_341 = tpu.vector_load %arg6[%swap3A_340] {strides = array<i32>} : memref<2560xi32, #tpu.memory_space<vmem>>, vector<16xi32>,
    %swap3A_342 = vector.shape_cast %swap3A_341 : vector<16xi32> to vector<16xi32>
    %swap3A_343 = vector.shape_cast %broadcast_in_dim3A_339 : vector<16xi32> to vector<16xi32>
    tpu.vector_store %arg6[%swap3A_340], %swap3A_343 {strides = array<i32>} : memref<2560xi32, #tpu.memory_space<vmem>>, vector<16xi32>,
    %broadcast_in_dim3A_344 = arith.constant 0 : i32
    %broadcast_in_dim3A_345 = vector.broadcast %broadcast_in_dim3A_344 : i32 to vector<16xi32>
    %swap3A_346 = arith.constant 2352 : index
    %swap3A_347 = tpu.vector_load %arg5[%swap3A_346] {strides = array<i32>} : memref<2560xi32, #tpu.memory_space<vmem>>, vector<16xi32>,
    %swap3A_348 = vector.shape_cast %swap3A_347 : vector<16xi32> to vector<16xi32>
    %swap3A_349 = vector.shape_cast %broadcast_in_dim3A_345 : vector<16xi32> to vector<16xi32>
    tpu.vector_store %arg5[%swap3A_346], %swap3A_349 {strides = array<i32>} : memref<2560xi32, #tpu.memory_space<vmem>>, vector<16xi32>,
    %broadcast_in_dim3A_350 = arith.constant 16 : i32
    %broadcast_in_dim3A_351 = vector.broadcast %broadcast_in_dim3A_350 : i32 to vector<16xi32>
    %swap3A_352 = arith.constant 2352 : index
    %swap3A_353 = tpu.vector_load %arg6[%swap3A_352] {strides = array<i32>} : memref<2560xi32, #tpu.memory_space<vmem>>, vector<16xi32>,
    %swap3A_354 = vector.shape_cast %swap3A_353 : vector<16xi32> to vector<16xi32>
    %swap3A_355 = vector.shape_cast %broadcast_in_dim3A_351 : vector<16xi32> to vector<16xi32>
    tpu.vector_store %arg6[%swap3A_352], %swap3A_355 {strides = array<i32>} : memref<2560xi32, #tpu.memory_space<vmem>>, vector<16xi32>,
    %broadcast_in_dim3A_356 = arith.constant 0 : i32
    %broadcast_in_dim3A_357 = vector.broadcast %broadcast_in_dim3A_356 : i32 to vector<16xi32>
    %swap3A_358 = arith.constant 2368 : index
    %swap3A_359 = tpu.vector_load %arg5[%swap3A_358] {strides = array<i32>} : memref<2560xi32, #tpu.memory_space<vmem>>, vector<16xi32>,
    %swap3A_360 = vector.shape_cast %swap3A_359 : vector<16xi32> to vector<16xi32>
    %swap3A_361 = vector.shape_cast %broadcast_in_dim3A_357 : vector<16xi32> to vector<16xi32>
    tpu.vector_store %arg5[%swap3A_358], %swap3A_361 {strides = array<i32>} : memref<2560xi32, #tpu.memory_space<vmem>>, vector<16xi32>,
    %broadcast_in_dim3A_362 = arith.constant 16 : i32
    %broadcast_in_dim3A_363 = vector.broadcast %broadcast_in_dim3A_362 : i32 to vector<16xi32>
    %swap3A_364 = arith.constant 2368 : index
    %swap3A_365 = tpu.vector_load %arg6[%swap3A_364] {strides = array<i32>} : memref<2560xi32, #tpu.memory_space<vmem>>, vector<16xi32>,
    %swap3A_366 = vector.shape_cast %swap3A_365 : vector<16xi32> to vector<16xi32>
    %swap3A_367 = vector.shape_cast %broadcast_in_dim3A_363 : vector<16xi32> to vector<16xi32>
    tpu.vector_store %arg6[%swap3A_364], %swap3A_367 {strides = array<i32>} : memref<2560xi32, #tpu.memory_space<vmem>>, vector<16xi32>,
    %broadcast_in_dim3A_368 = arith.constant 0 : i32
    %broadcast_in_dim3A_369 = vector.broadcast %broadcast_in_dim3A_368 : i32 to vector<16xi32>
    %swap3A_370 = arith.constant 2384 : index
    %swap3A_371 = tpu.vector_load %arg5[%swap3A_370] {strides = array<i32>} : memref<2560xi32, #tpu.memory_space<vmem>>, vector<16xi32>,
    %swap3A_372 = vector.shape_cast %swap3A_371 : vector<16xi32> to vector<16xi32>
    %swap3A_373 = vector.shape_cast %broadcast_in_dim3A_369 : vector<16xi32> to vector<16xi32>
    tpu.vector_store %arg5[%swap3A_370], %swap3A_373 {strides = array<i32>} : memref<2560xi32, #tpu.memory_space<vmem>>, vector<16xi32>,
    %broadcast_in_dim3A_374 = arith.constant 16 : i32
    %broadcast_in_dim3A_375 = vector.broadcast %broadcast_in_dim3A_374 : i32 to vector<16xi32>
    %swap3A_376 = arith.constant 2384 : index
    %swap3A_377 = tpu.vector_load %arg6[%swap3A_376] {strides = array<i32>} : memref<2560xi32, #tpu.memory_space<vmem>>, vector<16xi32>,
    %swap3A_378 = vector.shape_cast %swap3A_377 : vector<16xi32> to vector<16xi32>
    %swap3A_379 = vector.shape_cast %broadcast_in_dim3A_375 : vector<16xi32> to vector<16xi32>
    tpu.vector_store %arg6[%swap3A_376], %swap3A_379 {strides = array<i32>} : memref<2560xi32, #tpu.memory_space<vmem>>, vector<16xi32>,
    %broadcast_in_dim3A_380 = arith.constant 0 : i32
    %broadcast_in_dim3A_381 = vector.broadcast %broadcast_in_dim3A_380 : i32 to vector<16xi32>
    %swap3A_382 = arith.constant 2400 : index
    %swap3A_383 = tpu.vector_load %arg5[%swap3A_382] {strides = array<i32>} : memref<2560xi32, #tpu.memory_space<vmem>>, vector<16xi32>,
    %swap3A_384 = vector.shape_cast %swap3A_383 : vector<16xi32> to vector<16xi32>
    %swap3A_385 = vector.shape_cast %broadcast_in_dim3A_381 : vector<16xi32> to vector<16xi32>
    tpu.vector_store %arg5[%swap3A_382], %swap3A_385 {strides = array<i32>} : memref<2560xi32, #tpu.memory_space<vmem>>, vector<16xi32>,
    %broadcast_in_dim3A_386 = arith.constant 16 : i32
    %broadcast_in_dim3A_387 = vector.broadcast %broadcast_in_dim3A_386 : i32 to vector<16xi32>
    %swap3A_388 = arith.constant 2400 : index
    %swap3A_389 = tpu.vector_load %arg6[%swap3A_388] {strides = array<i32>} : memref<2560xi32, #tpu.memory_space<vmem>>, vector<16xi32>,
    %swap3A_390 = vector.shape_cast %swap3A_389 : vector<16xi32> to vector<16xi32>
    %swap3A_391 = vector.shape_cast %broadcast_in_dim3A_387 : vector<16xi32> to vector<16xi32>
    tpu.vector_store %arg6[%swap3A_388], %swap3A_391 {strides = array<i32>} : memref<2560xi32, #tpu.memory_space<vmem>>, vector<16xi32>,
    %broadcast_in_dim3A_392 = arith.constant 0 : i32
    %broadcast_in_dim3A_393 = vector.broadcast %broadcast_in_dim3A_392 : i32 to vector<16xi32>
    %swap3A_394 = arith.constant 2416 : index
    %swap3A_395 = tpu.vector_load %arg5[%swap3A_394] {strides = array<i32>} : memref<2560xi32, #tpu.memory_space<vmem>>, vector<16xi32>,
    %swap3A_396 = vector.shape_cast %swap3A_395 : vector<16xi32> to vector<16xi32>
    %swap3A_397 = vector.shape_cast %broadcast_in_dim3A_393 : vector<16xi32> to vector<16xi32>
    tpu.vector_store %arg5[%swap3A_394], %swap3A_397 {strides = array<i32>} : memref<2560xi32, #tpu.memory_space<vmem>>, vector<16xi32>,
    %broadcast_in_dim3A_398 = arith.constant 16 : i32
    %broadcast_in_dim3A_399 = vector.broadcast %broadcast_in_dim3A_398 : i32 to vector<16xi32>
    %swap3A_400 = arith.constant 2416 : index
    %swap3A_401 = tpu.vector_load %arg6[%swap3A_400] {strides = array<i32>} : memref<2560xi32, #tpu.memory_space<vmem>>, vector<16xi32>,
    %swap3A_402 = vector.shape_cast %swap3A_401 : vector<16xi32> to vector<16xi32>
    %swap3A_403 = vector.shape_cast %broadcast_in_dim3A_399 : vector<16xi32> to vector<16xi32>
    tpu.vector_store %arg6[%swap3A_400], %swap3A_403 {strides = array<i32>} : memref<2560xi32, #tpu.memory_space<vmem>>, vector<16xi32>,
    %broadcast_in_dim3A_404 = arith.constant 0 : i32
    %broadcast_in_dim3A_405 = vector.broadcast %broadcast_in_dim3A_404 : i32 to vector<16xi32>
    %swap3A_406 = arith.constant 2432 : index
    %swap3A_407 = tpu.vector_load %arg5[%swap3A_406] {strides = array<i32>} : memref<2560xi32, #tpu.memory_space<vmem>>, vector<16xi32>,
    %swap3A_408 = vector.shape_cast %swap3A_407 : vector<16xi32> to vector<16xi32>
    %swap3A_409 = vector.shape_cast %broadcast_in_dim3A_405 : vector<16xi32> to vector<16xi32>
    tpu.vector_store %arg5[%swap3A_406], %swap3A_409 {strides = array<i32>} : memref<2560xi32, #tpu.memory_space<vmem>>, vector<16xi32>,
    %broadcast_in_dim3A_410 = arith.constant 16 : i32
    %broadcast_in_dim3A_411 = vector.broadcast %broadcast_in_dim3A_410 : i32 to vector<16xi32>
    %swap3A_412 = arith.constant 2432 : index
    %swap3A_413 = tpu.vector_load %arg6[%swap3A_412] {strides = array<i32>} : memref<2560xi32, #tpu.memory_space<vmem>>, vector<16xi32>,
    %swap3A_414 = vector.shape_cast %swap3A_413 : vector<16xi32> to vector<16xi32>
    %swap3A_415 = vector.shape_cast %broadcast_in_dim3A_411 : vector<16xi32> to vector<16xi32>
    tpu.vector_store %arg6[%swap3A_412], %swap3A_415 {strides = array<i32>} : memref<2560xi32, #tpu.memory_space<vmem>>, vector<16xi32>,
    %broadcast_in_dim3A_416 = arith.constant 0 : i32
    %broadcast_in_dim3A_417 = vector.broadcast %broadcast_in_dim3A_416 : i32 to vector<16xi32>
    %swap3A_418 = arith.constant 2448 : index
    %swap3A_419 = tpu.vector_load %arg5[%swap3A_418] {strides = array<i32>} : memref<2560xi32, #tpu.memory_space<vmem>>, vector<16xi32>,
    %swap3A_420 = vector.shape_cast %swap3A_419 : vector<16xi32> to vector<16xi32>
    %swap3A_421 = vector.shape_cast %broadcast_in_dim3A_417 : vector<16xi32> to vector<16xi32>
    tpu.vector_store %arg5[%swap3A_418], %swap3A_421 {strides = array<i32>} : memref<2560xi32, #tpu.memory_space<vmem>>, vector<16xi32>,
    %broadcast_in_dim3A_422 = arith.constant 16 : i32
    %broadcast_in_dim3A_423 = vector.broadcast %broadcast_in_dim3A_422 : i32 to vector<16xi32>
    %swap3A_424 = arith.constant 2448 : index
    %swap3A_425 = tpu.vector_load %arg6[%swap3A_424] {strides = array<i32>} : memref<2560xi32, #tpu.memory_space<vmem>>, vector<16xi32>,
    %swap3A_426 = vector.shape_cast %swap3A_425 : vector<16xi32> to vector<16xi32>
    %swap3A_427 = vector.shape_cast %broadcast_in_dim3A_423 : vector<16xi32> to vector<16xi32>
    tpu.vector_store %arg6[%swap3A_424], %swap3A_427 {strides = array<i32>} : memref<2560xi32, #tpu.memory_space<vmem>>, vector<16xi32>,
    %broadcast_in_dim3A_428 = arith.constant 0 : i32
    %broadcast_in_dim3A_429 = vector.broadcast %broadcast_in_dim3A_428 : i32 to vector<16xi32>
    %swap3A_430 = arith.constant 2464 : index
    %swap3A_431 = tpu.vector_load %arg5[%swap3A_430] {strides = array<i32>} : memref<2560xi32, #tpu.memory_space<vmem>>, vector<16xi32>,
    %swap3A_432 = vector.shape_cast %swap3A_431 : vector<16xi32> to vector<16xi32>
    %swap3A_433 = vector.shape_cast %broadcast_in_dim3A_429 : vector<16xi32> to vector<16xi32>
    tpu.vector_store %arg5[%swap3A_430], %swap3A_433 {strides = array<i32>} : memref<2560xi32, #tpu.memory_space<vmem>>, vector<16xi32>,
    %broadcast_in_dim3A_434 = arith.constant 16 : i32
    %broadcast_in_dim3A_435 = vector.broadcast %broadcast_in_dim3A_434 : i32 to vector<16xi32>
    %swap3A_436 = arith.constant 2464 : index
    %swap3A_437 = tpu.vector_load %arg6[%swap3A_436] {strides = array<i32>} : memref<2560xi32, #tpu.memory_space<vmem>>, vector<16xi32>,
    %swap3A_438 = vector.shape_cast %swap3A_437 : vector<16xi32> to vector<16xi32>
    %swap3A_439 = vector.shape_cast %broadcast_in_dim3A_435 : vector<16xi32> to vector<16xi32>
    tpu.vector_store %arg6[%swap3A_436], %swap3A_439 {strides = array<i32>} : memref<2560xi32, #tpu.memory_space<vmem>>, vector<16xi32>,
    %broadcast_in_dim3A_440 = arith.constant 0 : i32
    %broadcast_in_dim3A_441 = vector.broadcast %broadcast_in_dim3A_440 : i32 to vector<16xi32>
    %swap3A_442 = arith.constant 2480 : index
    %swap3A_443 = tpu.vector_load %arg5[%swap3A_442] {strides = array<i32>} : memref<2560xi32, #tpu.memory_space<vmem>>, vector<16xi32>,
    %swap3A_444 = vector.shape_cast %swap3A_443 : vector<16xi32> to vector<16xi32>
    %swap3A_445 = vector.shape_cast %broadcast_in_dim3A_441 : vector<16xi32> to vector<16xi32>
    tpu.vector_store %arg5[%swap3A_442], %swap3A_445 {strides = array<i32>} : memref<2560xi32, #tpu.memory_space<vmem>>, vector<16xi32>,
    %broadcast_in_dim3A_446 = arith.constant 16 : i32
    %broadcast_in_dim3A_447 = vector.broadcast %broadcast_in_dim3A_446 : i32 to vector<16xi32>
    %swap3A_448 = arith.constant 2480 : index
    %swap3A_449 = tpu.vector_load %arg6[%swap3A_448] {strides = array<i32>} : memref<2560xi32, #tpu.memory_space<vmem>>, vector<16xi32>,
    %swap3A_450 = vector.shape_cast %swap3A_449 : vector<16xi32> to vector<16xi32>
    %swap3A_451 = vector.shape_cast %broadcast_in_dim3A_447 : vector<16xi32> to vector<16xi32>
    tpu.vector_store %arg6[%swap3A_448], %swap3A_451 {strides = array<i32>} : memref<2560xi32, #tpu.memory_space<vmem>>, vector<16xi32>,
    %broadcast_in_dim3A_452 = arith.constant 0 : i32
    %broadcast_in_dim3A_453 = vector.broadcast %broadcast_in_dim3A_452 : i32 to vector<16xi32>
    %swap3A_454 = arith.constant 2496 : index
    %swap3A_455 = tpu.vector_load %arg5[%swap3A_454] {strides = array<i32>} : memref<2560xi32, #tpu.memory_space<vmem>>, vector<16xi32>,
    %swap3A_456 = vector.shape_cast %swap3A_455 : vector<16xi32> to vector<16xi32>
    %swap3A_457 = vector.shape_cast %broadcast_in_dim3A_453 : vector<16xi32> to vector<16xi32>
    tpu.vector_store %arg5[%swap3A_454], %swap3A_457 {strides = array<i32>} : memref<2560xi32, #tpu.memory_space<vmem>>, vector<16xi32>,
    %broadcast_in_dim3A_458 = arith.constant 16 : i32
    %broadcast_in_dim3A_459 = vector.broadcast %broadcast_in_dim3A_458 : i32 to vector<16xi32>
    %swap3A_460 = arith.constant 2496 : index
    %swap3A_461 = tpu.vector_load %arg6[%swap3A_460] {strides = array<i32>} : memref<2560xi32, #tpu.memory_space<vmem>>, vector<16xi32>,
    %swap3A_462 = vector.shape_cast %swap3A_461 : vector<16xi32> to vector<16xi32>
    %swap3A_463 = vector.shape_cast %broadcast_in_dim3A_459 : vector<16xi32> to vector<16xi32>
    tpu.vector_store %arg6[%swap3A_460], %swap3A_463 {strides = array<i32>} : memref<2560xi32, #tpu.memory_space<vmem>>, vector<16xi32>,
    %broadcast_in_dim3A_464 = arith.constant 0 : i32
    %broadcast_in_dim3A_465 = vector.broadcast %broadcast_in_dim3A_464 : i32 to vector<16xi32>
    %swap3A_466 = arith.constant 2512 : index
    %swap3A_467 = tpu.vector_load %arg5[%swap3A_466] {strides = array<i32>} : memref<2560xi32, #tpu.memory_space<vmem>>, vector<16xi32>,
    %swap3A_468 = vector.shape_cast %swap3A_467 : vector<16xi32> to vector<16xi32>
    %swap3A_469 = vector.shape_cast %broadcast_in_dim3A_465 : vector<16xi32> to vector<16xi32>
    tpu.vector_store %arg5[%swap3A_466], %swap3A_469 {strides = array<i32>} : memref<2560xi32, #tpu.memory_space<vmem>>, vector<16xi32>,
    %broadcast_in_dim3A_470 = arith.constant 16 : i32
    %broadcast_in_dim3A_471 = vector.broadcast %broadcast_in_dim3A_470 : i32 to vector<16xi32>
    %swap3A_472 = arith.constant 2512 : index
    %swap3A_473 = tpu.vector_load %arg6[%swap3A_472] {strides = array<i32>} : memref<2560xi32, #tpu.memory_space<vmem>>, vector<16xi32>,
    %swap3A_474 = vector.shape_cast %swap3A_473 : vector<16xi32> to vector<16xi32>
    %swap3A_475 = vector.shape_cast %broadcast_in_dim3A_471 : vector<16xi32> to vector<16xi32>
    tpu.vector_store %arg6[%swap3A_472], %swap3A_475 {strides = array<i32>} : memref<2560xi32, #tpu.memory_space<vmem>>, vector<16xi32>,
    %broadcast_in_dim3A_476 = arith.constant 0 : i32
    %broadcast_in_dim3A_477 = vector.broadcast %broadcast_in_dim3A_476 : i32 to vector<16xi32>
    %swap3A_478 = arith.constant 2528 : index
    %swap3A_479 = tpu.vector_load %arg5[%swap3A_478] {strides = array<i32>} : memref<2560xi32, #tpu.memory_space<vmem>>, vector<16xi32>,
    %swap3A_480 = vector.shape_cast %swap3A_479 : vector<16xi32> to vector<16xi32>
    %swap3A_481 = vector.shape_cast %broadcast_in_dim3A_477 : vector<16xi32> to vector<16xi32>
    tpu.vector_store %arg5[%swap3A_478], %swap3A_481 {strides = array<i32>} : memref<2560xi32, #tpu.memory_space<vmem>>, vector<16xi32>,
    %broadcast_in_dim3A_482 = arith.constant 16 : i32
    %broadcast_in_dim3A_483 = vector.broadcast %broadcast_in_dim3A_482 : i32 to vector<16xi32>
    %swap3A_484 = arith.constant 2528 : index
    %swap3A_485 = tpu.vector_load %arg6[%swap3A_484] {strides = array<i32>} : memref<2560xi32, #tpu.memory_space<vmem>>, vector<16xi32>,
    %swap3A_486 = vector.shape_cast %swap3A_485 : vector<16xi32> to vector<16xi32>
    %swap3A_487 = vector.shape_cast %broadcast_in_dim3A_483 : vector<16xi32> to vector<16xi32>
    tpu.vector_store %arg6[%swap3A_484], %swap3A_487 {strides = array<i32>} : memref<2560xi32, #tpu.memory_space<vmem>>, vector<16xi32>,
    %broadcast_in_dim3A_488 = arith.constant 0 : i32
    %broadcast_in_dim3A_489 = vector.broadcast %broadcast_in_dim3A_488 : i32 to vector<16xi32>
    %swap3A_490 = arith.constant 2544 : index
    %swap3A_491 = tpu.vector_load %arg5[%swap3A_490] {strides = array<i32>} : memref<2560xi32, #tpu.memory_space<vmem>>, vector<16xi32>,
    %swap3A_492 = vector.shape_cast %swap3A_491 : vector<16xi32> to vector<16xi32>
    %swap3A_493 = vector.shape_cast %broadcast_in_dim3A_489 : vector<16xi32> to vector<16xi32>
    tpu.vector_store %arg5[%swap3A_490], %swap3A_493 {strides = array<i32>} : memref<2560xi32, #tpu.memory_space<vmem>>, vector<16xi32>,
    %broadcast_in_dim3A_494 = arith.constant 16 : i32
    %broadcast_in_dim3A_495 = vector.broadcast %broadcast_in_dim3A_494 : i32 to vector<16xi32>
    %swap3A_496 = arith.constant 2544 : index
    %swap3A_497 = tpu.vector_load %arg6[%swap3A_496] {strides = array<i32>} : memref<2560xi32, #tpu.memory_space<vmem>>, vector<16xi32>,
    %swap3A_498 = vector.shape_cast %swap3A_497 : vector<16xi32> to vector<16xi32>
    %swap3A_499 = vector.shape_cast %broadcast_in_dim3A_495 : vector<16xi32> to vector<16xi32>
    tpu.vector_store %arg6[%swap3A_496], %swap3A_499 {strides = array<i32>} : memref<2560xi32, #tpu.memory_space<vmem>>, vector<16xi32>,
    %scan3A_500 = arith.constant 0 : i32
    %scan3A_501 = arith.constant 0 : i32
    %scan3A_502 = arith.constant 80 : i32
    %scan3A_503 = arith.addi %scan3A_501, %scan3A_502 : i32
    %scan3A_504 = arith.constant 1 : i32
    scf.for %scan3A_1291 = %scan3A_501 to %scan3A_503 step %scan3A_504  : i32 {
      %mul3A_1292 = arith.constant 16 : i32
      %mul3A_1293 = arith.muli %scan3A_1291, %mul3A_1292 : i32
      %add3A_1294 = arith.constant 1280 : i32
      %add3A_1295 = arith.addi %add3A_1294, %mul3A_1293 : i32
      %get3A = arith.index_cast %add3A_1295 : i32 to index
      %get3A_1296 = tpu.vector_load %arg5[%get3A] {strides = array<i32>} : memref<2560xi32, #tpu.memory_space<vmem>>, vector<16xi32>,
      %get3A_1297 = vector.shape_cast %get3A_1296 : vector<16xi32> to vector<16xi32>
      %add3A_1298 = arith.constant 1280 : i32
      %add3A_1299 = arith.addi %add3A_1298, %mul3A_1293 : i32
      %get3A_1300 = arith.index_cast %add3A_1299 : i32 to index
      %get3A_1301 = tpu.vector_load %arg6[%get3A_1300] {strides = array<i32>} : memref<2560xi32, #tpu.memory_space<vmem>>, vector<16xi32>,
      %get3A_1302 = vector.shape_cast %get3A_1301 : vector<16xi32> to vector<16xi32>
      %mul3A_1303 = arith.constant 100000 : i32
      %mul3A_1304 = vector.broadcast %mul3A_1303 : i32 to vector<16xi32>
      %mul3A_1305 = arith.muli %get3A_1302, %mul3A_1304 : vector<16xi32>
      %add3A_1306 = arith.addi %mul3A_1305, %get3A_1297 : vector<16xi32>
      %add3A_1307 = arith.constant 8960 : i32
      %add3A_1308 = arith.addi %add3A_1307, %mul3A_1293 : i32
      %swap3A_1309 = arith.index_cast %add3A_1308 : i32 to index
      %swap3A_1310 = tpu.vector_load %arg7[%swap3A_1309] {strides = array<i32>} : memref<10240xi32, #tpu.memory_space<vmem>>, vector<16xi32>,
      %swap3A_1311 = vector.shape_cast %swap3A_1310 : vector<16xi32> to vector<16xi32>
      %swap3A_1312 = vector.shape_cast %add3A_1306 : vector<16xi32> to vector<16xi32>
      tpu.vector_store %arg7[%swap3A_1309], %swap3A_1312 {strides = array<i32>} : memref<10240xi32, #tpu.memory_space<vmem>>, vector<16xi32>,
    }
    %scan3A_505 = arith.constant 80 : i32
    %dma_wait3A_506 = tpu.memref_slice %arg10[%add3A_11] : memref<1638400xf32, #tpu.memory_space<vmem_shared>> -> memref<10240xf32, #tpu.memory_space<vmem_shared>>
    %dma_wait3A_507 = tpu.memref_slice %arg10[%add3A_11] : memref<1638400xf32, #tpu.memory_space<vmem_shared>> -> memref<10240xf32, #tpu.memory_space<vmem_shared>>
    tpu.wait_dma2 semaphore(%arg11 : memref<!tpu.dma_semaphore, #tpu.memory_space<semaphore_mem>>) src(%arg9 : memref<10240xf32, #tpu.memory_space<vmem>>) dst(%dma_wait3A_507 : memref<10240xf32, #tpu.memory_space<vmem_shared>>)
    %dma_wait3A_508 = tpu.memref_slice %arg10[%add3A_16] : memref<1638400xf32, #tpu.memory_space<vmem_shared>> -> memref<10240xf32, #tpu.memory_space<vmem_shared>>
    %dma_wait3A_509 = tpu.memref_slice %arg10[%add3A_16] : memref<1638400xf32, #tpu.memory_space<vmem_shared>> -> memref<10240xf32, #tpu.memory_space<vmem_shared>>
    tpu.wait_dma2 semaphore(%arg11 : memref<!tpu.dma_semaphore, #tpu.memory_space<semaphore_mem>>) src(%arg9 : memref<10240xf32, #tpu.memory_space<vmem>>) dst(%dma_wait3A_509 : memref<10240xf32, #tpu.memory_space<vmem_shared>>)
    %dma_wait3A_510 = tpu.memref_slice %arg10[%add3A_22] : memref<1638400xf32, #tpu.memory_space<vmem_shared>> -> memref<10240xf32, #tpu.memory_space<vmem_shared>>
    %dma_wait3A_511 = tpu.memref_slice %arg10[%add3A_22] : memref<1638400xf32, #tpu.memory_space<vmem_shared>> -> memref<10240xf32, #tpu.memory_space<vmem_shared>>
    tpu.wait_dma2 semaphore(%arg11 : memref<!tpu.dma_semaphore, #tpu.memory_space<semaphore_mem>>) src(%arg9 : memref<10240xf32, #tpu.memory_space<vmem>>) dst(%dma_wait3A_511 : memref<10240xf32, #tpu.memory_space<vmem_shared>>)
    %dma_wait3A_512 = tpu.memref_slice %arg10[%add3A_28] : memref<1638400xf32, #tpu.memory_space<vmem_shared>> -> memref<10240xf32, #tpu.memory_space<vmem_shared>>
    %dma_wait3A_513 = tpu.memref_slice %arg10[%add3A_28] : memref<1638400xf32, #tpu.memory_space<vmem_shared>> -> memref<10240xf32, #tpu.memory_space<vmem_shared>>
    tpu.wait_dma2 semaphore(%arg11 : memref<!tpu.dma_semaphore, #tpu.memory_space<semaphore_mem>>) src(%arg9 : memref<10240xf32, #tpu.memory_space<vmem>>) dst(%dma_wait3A_513 : memref<10240xf32, #tpu.memory_space<vmem_shared>>)
    %dma_wait3A_514 = tpu.memref_slice %arg10[%add3A_34] : memref<1638400xf32, #tpu.memory_space<vmem_shared>> -> memref<10240xf32, #tpu.memory_space<vmem_shared>>
    %dma_wait3A_515 = tpu.memref_slice %arg10[%add3A_34] : memref<1638400xf32, #tpu.memory_space<vmem_shared>> -> memref<10240xf32, #tpu.memory_space<vmem_shared>>
    tpu.wait_dma2 semaphore(%arg11 : memref<!tpu.dma_semaphore, #tpu.memory_space<semaphore_mem>>) src(%arg9 : memref<10240xf32, #tpu.memory_space<vmem>>) dst(%dma_wait3A_515 : memref<10240xf32, #tpu.memory_space<vmem_shared>>)
    %dma_wait3A_516 = tpu.memref_slice %arg10[%add3A_40] : memref<1638400xf32, #tpu.memory_space<vmem_shared>> -> memref<10240xf32, #tpu.memory_space<vmem_shared>>
    %dma_wait3A_517 = tpu.memref_slice %arg10[%add3A_40] : memref<1638400xf32, #tpu.memory_space<vmem_shared>> -> memref<10240xf32, #tpu.memory_space<vmem_shared>>
    tpu.wait_dma2 semaphore(%arg11 : memref<!tpu.dma_semaphore, #tpu.memory_space<semaphore_mem>>) src(%arg9 : memref<10240xf32, #tpu.memory_space<vmem>>) dst(%dma_wait3A_517 : memref<10240xf32, #tpu.memory_space<vmem_shared>>)
    %dma_wait3A_518 = tpu.memref_slice %arg10[%add3A_46] : memref<1638400xf32, #tpu.memory_space<vmem_shared>> -> memref<10240xf32, #tpu.memory_space<vmem_shared>>
    %dma_wait3A_519 = tpu.memref_slice %arg10[%add3A_46] : memref<1638400xf32, #tpu.memory_space<vmem_shared>> -> memref<10240xf32, #tpu.memory_space<vmem_shared>>
    tpu.wait_dma2 semaphore(%arg11 : memref<!tpu.dma_semaphore, #tpu.memory_space<semaphore_mem>>) src(%arg9 : memref<10240xf32, #tpu.memory_space<vmem>>) dst(%dma_wait3A_519 : memref<10240xf32, #tpu.memory_space<vmem_shared>>)
    %dma_wait3A_520 = tpu.memref_slice %arg10[%add3A_52] : memref<1638400xf32, #tpu.memory_space<vmem_shared>> -> memref<10240xf32, #tpu.memory_space<vmem_shared>>
    %dma_wait3A_521 = tpu.memref_slice %arg10[%add3A_52] : memref<1638400xf32, #tpu.memory_space<vmem_shared>> -> memref<10240xf32, #tpu.memory_space<vmem_shared>>
    tpu.wait_dma2 semaphore(%arg11 : memref<!tpu.dma_semaphore, #tpu.memory_space<semaphore_mem>>) src(%arg9 : memref<10240xf32, #tpu.memory_space<vmem>>) dst(%dma_wait3A_521 : memref<10240xf32, #tpu.memory_space<vmem_shared>>)
    %dma_wait3A_522 = tpu.memref_slice %arg10[%add3A_58] : memref<1638400xf32, #tpu.memory_space<vmem_shared>> -> memref<10240xf32, #tpu.memory_space<vmem_shared>>
    %dma_wait3A_523 = tpu.memref_slice %arg10[%add3A_58] : memref<1638400xf32, #tpu.memory_space<vmem_shared>> -> memref<10240xf32, #tpu.memory_space<vmem_shared>>
    tpu.wait_dma2 semaphore(%arg11 : memref<!tpu.dma_semaphore, #tpu.memory_space<semaphore_mem>>) src(%arg9 : memref<10240xf32, #tpu.memory_space<vmem>>) dst(%dma_wait3A_523 : memref<10240xf32, #tpu.memory_space<vmem_shared>>)
    %dma_wait3A_524 = tpu.memref_slice %arg10[%add3A_64] : memref<1638400xf32, #tpu.memory_space<vmem_shared>> -> memref<10240xf32, #tpu.memory_space<vmem_shared>>
    %dma_wait3A_525 = tpu.memref_slice %arg10[%add3A_64] : memref<1638400xf32, #tpu.memory_space<vmem_shared>> -> memref<10240xf32, #tpu.memory_space<vmem_shared>>
    tpu.wait_dma2 semaphore(%arg11 : memref<!tpu.dma_semaphore, #tpu.memory_space<semaphore_mem>>) src(%arg9 : memref<10240xf32, #tpu.memory_space<vmem>>) dst(%dma_wait3A_525 : memref<10240xf32, #tpu.memory_space<vmem_shared>>)
    %barrier3A = arith.constant 0 : index
    tpu.barrier barrier_id(%barrier3A)
    %dma_start3A_526 = arith.constant 0 : i32
    %dma_start3A_527 = tpu.memref_slice %arg7[%dma_start3A_526] : memref<10240xi32, #tpu.memory_space<vmem>> -> memref<1280xi32, #tpu.memory_space<vmem>>
    %dma_start3A_528 = arith.constant 0 : i32
    %dma_start3A_529 = tpu.memref_slice %arg10[%dma_start3A_528] : memref<1638400xf32, #tpu.memory_space<vmem_shared>> -> memref<1638400xf32, #tpu.memory_space<vmem_shared>>
    tpu.enqueue_indirect_dma source(%arg8 : memref<1280xf32, #tpu.memory_space<vmem>>) target(%dma_start3A_529 : memref<1638400xf32, #tpu.memory_space<vmem_shared>>) offsets(%dma_start3A_527 : memref<1280xi32, #tpu.memory_space<vmem>>) semaphore(%arg11 : memref<!tpu.dma_semaphore, #tpu.memory_space<semaphore_mem>>) {add = true}
    %dma_start3A_530 = arith.constant 1280 : i32
    %dma_start3A_531 = tpu.memref_slice %arg7[%dma_start3A_530] : memref<10240xi32, #tpu.memory_space<vmem>> -> memref<1280xi32, #tpu.memory_space<vmem>>
    %dma_start3A_532 = arith.constant 0 : i32
    %dma_start3A_533 = tpu.memref_slice %arg10[%dma_start3A_532] : memref<1638400xf32, #tpu.memory_space<vmem_shared>> -> memref<1638400xf32, #tpu.memory_space<vmem_shared>>
    tpu.enqueue_indirect_dma source(%arg8 : memref<1280xf32, #tpu.memory_space<vmem>>) target(%dma_start3A_533 : memref<1638400xf32, #tpu.memory_space<vmem_shared>>) offsets(%dma_start3A_531 : memref<1280xi32, #tpu.memory_space<vmem>>) semaphore(%arg11 : memref<!tpu.dma_semaphore, #tpu.memory_space<semaphore_mem>>) {add = true}
    %dma_start3A_534 = arith.constant 2560 : i32
    %dma_start3A_535 = tpu.memref_slice %arg7[%dma_start3A_534] : memref<10240xi32, #tpu.memory_space<vmem>> -> memref<1280xi32, #tpu.memory_space<vmem>>
    %dma_start3A_536 = arith.constant 0 : i32
    %dma_start3A_537 = tpu.memref_slice %arg10[%dma_start3A_536] : memref<1638400xf32, #tpu.memory_space<vmem_shared>> -> memref<1638400xf32, #tpu.memory_space<vmem_shared>>
    tpu.enqueue_indirect_dma source(%arg8 : memref<1280xf32, #tpu.memory_space<vmem>>) target(%dma_start3A_537 : memref<1638400xf32, #tpu.memory_space<vmem_shared>>) offsets(%dma_start3A_535 : memref<1280xi32, #tpu.memory_space<vmem>>) semaphore(%arg11 : memref<!tpu.dma_semaphore, #tpu.memory_space<semaphore_mem>>) {add = true}
    %dma_start3A_538 = arith.constant 3840 : i32
    %dma_start3A_539 = tpu.memref_slice %arg7[%dma_start3A_538] : memref<10240xi32, #tpu.memory_space<vmem>> -> memref<1280xi32, #tpu.memory_space<vmem>>
    %dma_start3A_540 = arith.constant 0 : i32
    %dma_start3A_541 = tpu.memref_slice %arg10[%dma_start3A_540] : memref<1638400xf32, #tpu.memory_space<vmem_shared>> -> memref<1638400xf32, #tpu.memory_space<vmem_shared>>
    tpu.enqueue_indirect_dma source(%arg8 : memref<1280xf32, #tpu.memory_space<vmem>>) target(%dma_start3A_541 : memref<1638400xf32, #tpu.memory_space<vmem_shared>>) offsets(%dma_start3A_539 : memref<1280xi32, #tpu.memory_space<vmem>>) semaphore(%arg11 : memref<!tpu.dma_semaphore, #tpu.memory_space<semaphore_mem>>) {add = true}
    %dma_start3A_542 = arith.constant 5120 : i32
    %dma_start3A_543 = tpu.memref_slice %arg7[%dma_start3A_542] : memref<10240xi32, #tpu.memory_space<vmem>> -> memref<1280xi32, #tpu.memory_space<vmem>>
    %dma_start3A_544 = arith.constant 0 : i32
    %dma_start3A_545 = tpu.memref_slice %arg10[%dma_start3A_544] : memref<1638400xf32, #tpu.memory_space<vmem_shared>> -> memref<1638400xf32, #tpu.memory_space<vmem_shared>>
    tpu.enqueue_indirect_dma source(%arg8 : memref<1280xf32, #tpu.memory_space<vmem>>) target(%dma_start3A_545 : memref<1638400xf32, #tpu.memory_space<vmem_shared>>) offsets(%dma_start3A_543 : memref<1280xi32, #tpu.memory_space<vmem>>) semaphore(%arg11 : memref<!tpu.dma_semaphore, #tpu.memory_space<semaphore_mem>>) {add = true}
    %dma_start3A_546 = arith.constant 6400 : i32
    %dma_start3A_547 = tpu.memref_slice %arg7[%dma_start3A_546] : memref<10240xi32, #tpu.memory_space<vmem>> -> memref<1280xi32, #tpu.memory_space<vmem>>
    %dma_start3A_548 = arith.constant 0 : i32
    %dma_start3A_549 = tpu.memref_slice %arg10[%dma_start3A_548] : memref<1638400xf32, #tpu.memory_space<vmem_shared>> -> memref<1638400xf32, #tpu.memory_space<vmem_shared>>
    tpu.enqueue_indirect_dma source(%arg8 : memref<1280xf32, #tpu.memory_space<vmem>>) target(%dma_start3A_549 : memref<1638400xf32, #tpu.memory_space<vmem_shared>>) offsets(%dma_start3A_547 : memref<1280xi32, #tpu.memory_space<vmem>>) semaphore(%arg11 : memref<!tpu.dma_semaphore, #tpu.memory_space<semaphore_mem>>) {add = true}
    %dma_start3A_550 = arith.constant 7680 : i32
    %dma_start3A_551 = tpu.memref_slice %arg7[%dma_start3A_550] : memref<10240xi32, #tpu.memory_space<vmem>> -> memref<1280xi32, #tpu.memory_space<vmem>>
    %dma_start3A_552 = arith.constant 0 : i32
    %dma_start3A_553 = tpu.memref_slice %arg10[%dma_start3A_552] : memref<1638400xf32, #tpu.memory_space<vmem_shared>> -> memref<1638400xf32, #tpu.memory_space<vmem_shared>>
    tpu.enqueue_indirect_dma source(%arg8 : memref<1280xf32, #tpu.memory_space<vmem>>) target(%dma_start3A_553 : memref<1638400xf32, #tpu.memory_space<vmem_shared>>) offsets(%dma_start3A_551 : memref<1280xi32, #tpu.memory_space<vmem>>) semaphore(%arg11 : memref<!tpu.dma_semaphore, #tpu.memory_space<semaphore_mem>>) {add = true}
    %dma_start3A_554 = arith.constant 8960 : i32
    %dma_start3A_555 = tpu.memref_slice %arg7[%dma_start3A_554] : memref<10240xi32, #tpu.memory_space<vmem>> -> memref<1280xi32, #tpu.memory_space<vmem>>
    %dma_start3A_556 = arith.constant 0 : i32
    %dma_start3A_557 = tpu.memref_slice %arg10[%dma_start3A_556] : memref<1638400xf32, #tpu.memory_space<vmem_shared>> -> memref<1638400xf32, #tpu.memory_space<vmem_shared>>
    tpu.enqueue_indirect_dma source(%arg8 : memref<1280xf32, #tpu.memory_space<vmem>>) target(%dma_start3A_557 : memref<1638400xf32, #tpu.memory_space<vmem_shared>>) offsets(%dma_start3A_555 : memref<1280xi32, #tpu.memory_space<vmem>>) semaphore(%arg11 : memref<!tpu.dma_semaphore, #tpu.memory_space<semaphore_mem>>) {add = true}
    %dma_wait3A_558 = arith.constant 0 : i32
    %dma_wait3A_559 = tpu.memref_slice %arg7[%dma_wait3A_558] : memref<10240xi32, #tpu.memory_space<vmem>> -> memref<1280xi32, #tpu.memory_space<vmem>>
    %dma_wait3A_560 = arith.constant 0 : i32
    %dma_wait3A_561 = tpu.memref_slice %arg10[%dma_wait3A_560] : memref<1638400xf32, #tpu.memory_space<vmem_shared>> -> memref<1638400xf32, #tpu.memory_space<vmem_shared>>
    tpu.wait_indirect_dma semaphore(%arg11 : memref<!tpu.dma_semaphore, #tpu.memory_space<semaphore_mem>>) src(%arg8 : memref<1280xf32, #tpu.memory_space<vmem>>) dst(%dma_wait3A_561 : memref<1638400xf32, #tpu.memory_space<vmem_shared>>)
    %dma_wait3A_562 = arith.constant 1280 : i32
    %dma_wait3A_563 = tpu.memref_slice %arg7[%dma_wait3A_562] : memref<10240xi32, #tpu.memory_space<vmem>> -> memref<1280xi32, #tpu.memory_space<vmem>>
    %dma_wait3A_564 = arith.constant 0 : i32
    %dma_wait3A_565 = tpu.memref_slice %arg10[%dma_wait3A_564] : memref<1638400xf32, #tpu.memory_space<vmem_shared>> -> memref<1638400xf32, #tpu.memory_space<vmem_shared>>
    tpu.wait_indirect_dma semaphore(%arg11 : memref<!tpu.dma_semaphore, #tpu.memory_space<semaphore_mem>>) src(%arg8 : memref<1280xf32, #tpu.memory_space<vmem>>) dst(%dma_wait3A_565 : memref<1638400xf32, #tpu.memory_space<vmem_shared>>)
    %dma_wait3A_566 = arith.constant 2560 : i32
    %dma_wait3A_567 = tpu.memref_slice %arg7[%dma_wait3A_566] : memref<10240xi32, #tpu.memory_space<vmem>> -> memref<1280xi32, #tpu.memory_space<vmem>>
    %dma_wait3A_568 = arith.constant 0 : i32
    %dma_wait3A_569 = tpu.memref_slice %arg10[%dma_wait3A_568] : memref<1638400xf32, #tpu.memory_space<vmem_shared>> -> memref<1638400xf32, #tpu.memory_space<vmem_shared>>
    tpu.wait_indirect_dma semaphore(%arg11 : memref<!tpu.dma_semaphore, #tpu.memory_space<semaphore_mem>>) src(%arg8 : memref<1280xf32, #tpu.memory_space<vmem>>) dst(%dma_wait3A_569 : memref<1638400xf32, #tpu.memory_space<vmem_shared>>)
    %dma_wait3A_570 = arith.constant 3840 : i32
    %dma_wait3A_571 = tpu.memref_slice %arg7[%dma_wait3A_570] : memref<10240xi32, #tpu.memory_space<vmem>> -> memref<1280xi32, #tpu.memory_space<vmem>>
    %dma_wait3A_572 = arith.constant 0 : i32
    %dma_wait3A_573 = tpu.memref_slice %arg10[%dma_wait3A_572] : memref<1638400xf32, #tpu.memory_space<vmem_shared>> -> memref<1638400xf32, #tpu.memory_space<vmem_shared>>
    tpu.wait_indirect_dma semaphore(%arg11 : memref<!tpu.dma_semaphore, #tpu.memory_space<semaphore_mem>>) src(%arg8 : memref<1280xf32, #tpu.memory_space<vmem>>) dst(%dma_wait3A_573 : memref<1638400xf32, #tpu.memory_space<vmem_shared>>)
    %dma_wait3A_574 = arith.constant 5120 : i32
    %dma_wait3A_575 = tpu.memref_slice %arg7[%dma_wait3A_574] : memref<10240xi32, #tpu.memory_space<vmem>> -> memref<1280xi32, #tpu.memory_space<vmem>>
    %dma_wait3A_576 = arith.constant 0 : i32
    %dma_wait3A_577 = tpu.memref_slice %arg10[%dma_wait3A_576] : memref<1638400xf32, #tpu.memory_space<vmem_shared>> -> memref<1638400xf32, #tpu.memory_space<vmem_shared>>
    tpu.wait_indirect_dma semaphore(%arg11 : memref<!tpu.dma_semaphore, #tpu.memory_space<semaphore_mem>>) src(%arg8 : memref<1280xf32, #tpu.memory_space<vmem>>) dst(%dma_wait3A_577 : memref<1638400xf32, #tpu.memory_space<vmem_shared>>)
    %dma_wait3A_578 = arith.constant 6400 : i32
    %dma_wait3A_579 = tpu.memref_slice %arg7[%dma_wait3A_578] : memref<10240xi32, #tpu.memory_space<vmem>> -> memref<1280xi32, #tpu.memory_space<vmem>>
    %dma_wait3A_580 = arith.constant 0 : i32
    %dma_wait3A_581 = tpu.memref_slice %arg10[%dma_wait3A_580] : memref<1638400xf32, #tpu.memory_space<vmem_shared>> -> memref<1638400xf32, #tpu.memory_space<vmem_shared>>
    tpu.wait_indirect_dma semaphore(%arg11 : memref<!tpu.dma_semaphore, #tpu.memory_space<semaphore_mem>>) src(%arg8 : memref<1280xf32, #tpu.memory_space<vmem>>) dst(%dma_wait3A_581 : memref<1638400xf32, #tpu.memory_space<vmem_shared>>)
    %dma_wait3A_582 = arith.constant 7680 : i32
    %dma_wait3A_583 = tpu.memref_slice %arg7[%dma_wait3A_582] : memref<10240xi32, #tpu.memory_space<vmem>> -> memref<1280xi32, #tpu.memory_space<vmem>>
    %dma_wait3A_584 = arith.constant 0 : i32
    %dma_wait3A_585 = tpu.memref_slice %arg10[%dma_wait3A_584] : memref<1638400xf32, #tpu.memory_space<vmem_shared>> -> memref<1638400xf32, #tpu.memory_space<vmem_shared>>
    tpu.wait_indirect_dma semaphore(%arg11 : memref<!tpu.dma_semaphore, #tpu.memory_space<semaphore_mem>>) src(%arg8 : memref<1280xf32, #tpu.memory_space<vmem>>) dst(%dma_wait3A_585 : memref<1638400xf32, #tpu.memory_space<vmem_shared>>)
    %dma_wait3A_586 = arith.constant 8960 : i32
    %dma_wait3A_587 = tpu.memref_slice %arg7[%dma_wait3A_586] : memref<10240xi32, #tpu.memory_space<vmem>> -> memref<1280xi32, #tpu.memory_space<vmem>>
    %dma_wait3A_588 = arith.constant 0 : i32
    %dma_wait3A_589 = tpu.memref_slice %arg10[%dma_wait3A_588] : memref<1638400xf32, #tpu.memory_space<vmem_shared>> -> memref<1638400xf32, #tpu.memory_space<vmem_shared>>
    tpu.wait_indirect_dma semaphore(%arg11 : memref<!tpu.dma_semaphore, #tpu.memory_space<semaphore_mem>>) src(%arg8 : memref<1280xf32, #tpu.memory_space<vmem>>) dst(%dma_wait3A_589 : memref<1638400xf32, #tpu.memory_space<vmem_shared>>)
    %barrier3A_590 = arith.constant 0 : index
    tpu.barrier barrier_id(%barrier3A_590)
    %mul3A_591 = arith.constant 100000 : i32
    %mul3A_592 = arith.muli %arg1, %mul3A_591 : i32
    %add3A_593 = arith.constant 0 : i32
    %add3A_594 = arith.addi %mul3A_592, %add3A_593 : i32
    %dma_start3A_595 = arith.constant 0 : i32
    %dma_start3A_596 = tpu.memref_slice %arg9[%dma_start3A_595] : memref<10240xf32, #tpu.memory_space<vmem>> -> memref<5120xf32, #tpu.memory_space<vmem>>
    %dma_start3A_597 = tpu.memref_slice %arg10[%add3A_594] : memref<1638400xf32, #tpu.memory_space<vmem_shared>> -> memref<5120xf32, #tpu.memory_space<vmem_shared>>
    %dma_start3A_598 = arith.constant 0 : i32
    %dma_start3A_599 = tpu.memref_slice %arg9[%dma_start3A_598] : memref<10240xf32, #tpu.memory_space<vmem>> -> memref<5120xf32, #tpu.memory_space<vmem>>
    %dma_start3A_600 = tpu.memref_slice %arg10[%add3A_594] : memref<1638400xf32, #tpu.memory_space<vmem_shared>> -> memref<5120xf32, #tpu.memory_space<vmem_shared>>
    tpu.enqueue_dma source(%dma_start3A_600 : memref<5120xf32, #tpu.memory_space<vmem_shared>>) target(%dma_start3A_599 : memref<5120xf32, #tpu.memory_space<vmem>>) target_semaphore(%arg11 : memref<!tpu.dma_semaphore, #tpu.memory_space<semaphore_mem>>)
    %mul3A_601 = arith.constant 100000 : i32
    %mul3A_602 = arith.muli %arg1, %mul3A_601 : i32
    %add3A_603 = arith.constant 5120 : i32
    %add3A_604 = arith.addi %mul3A_602, %add3A_603 : i32
    %dma_start3A_605 = arith.constant 5120 : i32
    %dma_start3A_606 = tpu.memref_slice %arg9[%dma_start3A_605] : memref<10240xf32, #tpu.memory_space<vmem>> -> memref<5120xf32, #tpu.memory_space<vmem>>
    %dma_start3A_607 = tpu.memref_slice %arg10[%add3A_604] : memref<1638400xf32, #tpu.memory_space<vmem_shared>> -> memref<5120xf32, #tpu.memory_space<vmem_shared>>
    %dma_start3A_608 = arith.constant 5120 : i32
    %dma_start3A_609 = tpu.memref_slice %arg9[%dma_start3A_608] : memref<10240xf32, #tpu.memory_space<vmem>> -> memref<5120xf32, #tpu.memory_space<vmem>>
    %dma_start3A_610 = tpu.memref_slice %arg10[%add3A_604] : memref<1638400xf32, #tpu.memory_space<vmem_shared>> -> memref<5120xf32, #tpu.memory_space<vmem_shared>>
    tpu.enqueue_dma source(%dma_start3A_610 : memref<5120xf32, #tpu.memory_space<vmem_shared>>) target(%dma_start3A_609 : memref<5120xf32, #tpu.memory_space<vmem>>) target_semaphore(%arg11 : memref<!tpu.dma_semaphore, #tpu.memory_space<semaphore_mem>>)
    %dma_wait3A_611 = arith.constant 0 : i32
    %dma_wait3A_612 = tpu.memref_slice %arg9[%dma_wait3A_611] : memref<10240xf32, #tpu.memory_space<vmem>> -> memref<5120xf32, #tpu.memory_space<vmem>>
    %dma_wait3A_613 = tpu.memref_slice %arg10[%add3A_594] : memref<1638400xf32, #tpu.memory_space<vmem_shared>> -> memref<5120xf32, #tpu.memory_space<vmem_shared>>
    %dma_wait3A_614 = arith.constant 0 : i32
    %dma_wait3A_615 = tpu.memref_slice %arg9[%dma_wait3A_614] : memref<10240xf32, #tpu.memory_space<vmem>> -> memref<5120xf32, #tpu.memory_space<vmem>>
    %dma_wait3A_616 = tpu.memref_slice %arg10[%add3A_594] : memref<1638400xf32, #tpu.memory_space<vmem_shared>> -> memref<5120xf32, #tpu.memory_space<vmem_shared>>
    tpu.wait_dma2 semaphore(%arg11 : memref<!tpu.dma_semaphore, #tpu.memory_space<semaphore_mem>>) src(%dma_wait3A_616 : memref<5120xf32, #tpu.memory_space<vmem_shared>>) dst(%dma_wait3A_615 : memref<5120xf32, #tpu.memory_space<vmem>>)
    %mul3A_617 = arith.constant 1600000 : i32
    %mul3A_618 = arith.muli %arg0, %mul3A_617 : i32
    %mul3A_619 = arith.constant 100000 : i32
    %mul3A_620 = arith.muli %arg1, %mul3A_619 : i32
    %add3A_621 = arith.addi %mul3A_618, %mul3A_620 : i32
    %add3A_622 = arith.constant 0 : i32
    %add3A_623 = arith.addi %add3A_621, %add3A_622 : i32
    %dma_start3A_624 = arith.constant 0 : i32
    %dma_start3A_625 = tpu.memref_slice %arg9[%dma_start3A_624] : memref<10240xf32, #tpu.memory_space<vmem>> -> memref<5120xf32, #tpu.memory_space<vmem>>
    %dma_start3A_626 = tpu.memref_slice %arg4[%add3A_623] : memref<3200000xf32, #tpu.memory_space<hbm>> -> memref<5120xf32, #tpu.memory_space<hbm>>
    %dma_start3A_627 = tpu.memref_slice %arg4[%add3A_623] : memref<3200000xf32, #tpu.memory_space<hbm>> -> memref<5120xf32, #tpu.memory_space<hbm>>
    %dma_start3A_628 = arith.constant 0 : i32
    %dma_start3A_629 = tpu.memref_slice %arg9[%dma_start3A_628] : memref<10240xf32, #tpu.memory_space<vmem>> -> memref<5120xf32, #tpu.memory_space<vmem>>
    tpu.enqueue_dma source(%dma_start3A_629 : memref<5120xf32, #tpu.memory_space<vmem>>) target(%dma_start3A_627 : memref<5120xf32, #tpu.memory_space<hbm>>) target_semaphore(%arg12 : memref<!tpu.dma_semaphore, #tpu.memory_space<semaphore_mem>>)
    %dma_wait3A_630 = arith.constant 0 : i32
    %dma_wait3A_631 = tpu.memref_slice %arg9[%dma_wait3A_630] : memref<10240xf32, #tpu.memory_space<vmem>> -> memref<5120xf32, #tpu.memory_space<vmem>>
    %dma_wait3A_632 = tpu.memref_slice %arg4[%add3A_623] : memref<3200000xf32, #tpu.memory_space<hbm>> -> memref<5120xf32, #tpu.memory_space<hbm>>
    %dma_wait3A_633 = tpu.memref_slice %arg4[%add3A_623] : memref<3200000xf32, #tpu.memory_space<hbm>> -> memref<5120xf32, #tpu.memory_space<hbm>>
    %dma_wait3A_634 = arith.constant 0 : i32
    %dma_wait3A_635 = tpu.memref_slice %arg9[%dma_wait3A_634] : memref<10240xf32, #tpu.memory_space<vmem>> -> memref<5120xf32, #tpu.memory_space<vmem>>
    tpu.wait_dma2 semaphore(%arg12 : memref<!tpu.dma_semaphore, #tpu.memory_space<semaphore_mem>>) src(%dma_wait3A_635 : memref<5120xf32, #tpu.memory_space<vmem>>) dst(%dma_wait3A_633 : memref<5120xf32, #tpu.memory_space<hbm>>)
    %mul3A_636 = arith.constant 100000 : i32
    %mul3A_637 = arith.muli %arg1, %mul3A_636 : i32
    %add3A_638 = arith.constant 10240 : i32
    %add3A_639 = arith.addi %mul3A_637, %add3A_638 : i32
    %dma_start3A_640 = arith.constant 0 : i32
    %dma_start3A_641 = tpu.memref_slice %arg9[%dma_start3A_640] : memref<10240xf32, #tpu.memory_space<vmem>> -> memref<5120xf32, #tpu.memory_space<vmem>>
    %dma_start3A_642 = tpu.memref_slice %arg10[%add3A_639] : memref<1638400xf32, #tpu.memory_space<vmem_shared>> -> memref<5120xf32, #tpu.memory_space<vmem_shared>>
    %dma_start3A_643 = arith.constant 0 : i32
    %dma_start3A_644 = tpu.memref_slice %arg9[%dma_start3A_643] : memref<10240xf32, #tpu.memory_space<vmem>> -> memref<5120xf32, #tpu.memory_space<vmem>>
    %dma_start3A_645 = tpu.memref_slice %arg10[%add3A_639] : memref<1638400xf32, #tpu.memory_space<vmem_shared>> -> memref<5120xf32, #tpu.memory_space<vmem_shared>>
    tpu.enqueue_dma source(%dma_start3A_645 : memref<5120xf32, #tpu.memory_space<vmem_shared>>) target(%dma_start3A_644 : memref<5120xf32, #tpu.memory_space<vmem>>) target_semaphore(%arg11 : memref<!tpu.dma_semaphore, #tpu.memory_space<semaphore_mem>>)
    %dma_wait3A_646 = arith.constant 5120 : i32
    %dma_wait3A_647 = tpu.memref_slice %arg9[%dma_wait3A_646] : memref<10240xf32, #tpu.memory_space<vmem>> -> memref<5120xf32, #tpu.memory_space<vmem>>
    %dma_wait3A_648 = tpu.memref_slice %arg10[%add3A_604] : memref<1638400xf32, #tpu.memory_space<vmem_shared>> -> memref<5120xf32, #tpu.memory_space<vmem_shared>>
    %dma_wait3A_649 = arith.constant 5120 : i32
    %dma_wait3A_650 = tpu.memref_slice %arg9[%dma_wait3A_649] : memref<10240xf32, #tpu.memory_space<vmem>> -> memref<5120xf32, #tpu.memory_space<vmem>>
    %dma_wait3A_651 = tpu.memref_slice %arg10[%add3A_604] : memref<1638400xf32, #tpu.memory_space<vmem_shared>> -> memref<5120xf32, #tpu.memory_space<vmem_shared>>
    tpu.wait_dma2 semaphore(%arg11 : memref<!tpu.dma_semaphore, #tpu.memory_space<semaphore_mem>>) src(%dma_wait3A_651 : memref<5120xf32, #tpu.memory_space<vmem_shared>>) dst(%dma_wait3A_650 : memref<5120xf32, #tpu.memory_space<vmem>>)
    %mul3A_652 = arith.constant 1600000 : i32
    %mul3A_653 = arith.muli %arg0, %mul3A_652 : i32
    %mul3A_654 = arith.constant 100000 : i32
    %mul3A_655 = arith.muli %arg1, %mul3A_654 : i32
    %add3A_656 = arith.addi %mul3A_653, %mul3A_655 : i32
    %add3A_657 = arith.constant 5120 : i32
    %add3A_658 = arith.addi %add3A_656, %add3A_657 : i32
    %dma_start3A_659 = arith.constant 5120 : i32
    %dma_start3A_660 = tpu.memref_slice %arg9[%dma_start3A_659] : memref<10240xf32, #tpu.memory_space<vmem>> -> memref<5120xf32, #tpu.memory_space<vmem>>
    %dma_start3A_661 = tpu.memref_slice %arg4[%add3A_658] : memref<3200000xf32, #tpu.memory_space<hbm>> -> memref<5120xf32, #tpu.memory_space<hbm>>
    %dma_start3A_662 = tpu.memref_slice %arg4[%add3A_658] : memref<3200000xf32, #tpu.memory_space<hbm>> -> memref<5120xf32, #tpu.memory_space<hbm>>
    %dma_start3A_663 = arith.constant 5120 : i32
    %dma_start3A_664 = tpu.memref_slice %arg9[%dma_start3A_663] : memref<10240xf32, #tpu.memory_space<vmem>> -> memref<5120xf32, #tpu.memory_space<vmem>>
    tpu.enqueue_dma source(%dma_start3A_664 : memref<5120xf32, #tpu.memory_space<vmem>>) target(%dma_start3A_662 : memref<5120xf32, #tpu.memory_space<hbm>>) target_semaphore(%arg13 : memref<!tpu.dma_semaphore, #tpu.memory_space<semaphore_mem>>)
    %dma_wait3A_665 = arith.constant 5120 : i32
    %dma_wait3A_666 = tpu.memref_slice %arg9[%dma_wait3A_665] : memref<10240xf32, #tpu.memory_space<vmem>> -> memref<5120xf32, #tpu.memory_space<vmem>>
    %dma_wait3A_667 = tpu.memref_slice %arg4[%add3A_658] : memref<3200000xf32, #tpu.memory_space<hbm>> -> memref<5120xf32, #tpu.memory_space<hbm>>
    %dma_wait3A_668 = tpu.memref_slice %arg4[%add3A_658] : memref<3200000xf32, #tpu.memory_space<hbm>> -> memref<5120xf32, #tpu.memory_space<hbm>>
    %dma_wait3A_669 = arith.constant 5120 : i32
    %dma_wait3A_670 = tpu.memref_slice %arg9[%dma_wait3A_669] : memref<10240xf32, #tpu.memory_space<vmem>> -> memref<5120xf32, #tpu.memory_space<vmem>>
    tpu.wait_dma2 semaphore(%arg13 : memref<!tpu.dma_semaphore, #tpu.memory_space<semaphore_mem>>) src(%dma_wait3A_670 : memref<5120xf32, #tpu.memory_space<vmem>>) dst(%dma_wait3A_668 : memref<5120xf32, #tpu.memory_space<hbm>>)
    %mul3A_671 = arith.constant 100000 : i32
    %mul3A_672 = arith.muli %arg1, %mul3A_671 : i32
    %add3A_673 = arith.constant 15360 : i32
    %add3A_674 = arith.addi %mul3A_672, %add3A_673 : i32
    %dma_start3A_675 = arith.constant 5120 : i32
    %dma_start3A_676 = tpu.memref_slice %arg9[%dma_start3A_675] : memref<10240xf32, #tpu.memory_space<vmem>> -> memref<5120xf32, #tpu.memory_space<vmem>>
    %dma_start3A_677 = tpu.memref_slice %arg10[%add3A_674] : memref<1638400xf32, #tpu.memory_space<vmem_shared>> -> memref<5120xf32, #tpu.memory_space<vmem_shared>>
    %dma_start3A_678 = arith.constant 5120 : i32
    %dma_start3A_679 = tpu.memref_slice %arg9[%dma_start3A_678] : memref<10240xf32, #tpu.memory_space<vmem>> -> memref<5120xf32, #tpu.memory_space<vmem>>
    %dma_start3A_680 = tpu.memref_slice %arg10[%add3A_674] : memref<1638400xf32, #tpu.memory_space<vmem_shared>> -> memref<5120xf32, #tpu.memory_space<vmem_shared>>
    tpu.enqueue_dma source(%dma_start3A_680 : memref<5120xf32, #tpu.memory_space<vmem_shared>>) target(%dma_start3A_679 : memref<5120xf32, #tpu.memory_space<vmem>>) target_semaphore(%arg11 : memref<!tpu.dma_semaphore, #tpu.memory_space<semaphore_mem>>)
    %dma_wait3A_681 = arith.constant 0 : i32
    %dma_wait3A_682 = tpu.memref_slice %arg9[%dma_wait3A_681] : memref<10240xf32, #tpu.memory_space<vmem>> -> memref<5120xf32, #tpu.memory_space<vmem>>
    %dma_wait3A_683 = tpu.memref_slice %arg10[%add3A_639] : memref<1638400xf32, #tpu.memory_space<vmem_shared>> -> memref<5120xf32, #tpu.memory_space<vmem_shared>>
    %dma_wait3A_684 = arith.constant 0 : i32
    %dma_wait3A_685 = tpu.memref_slice %arg9[%dma_wait3A_684] : memref<10240xf32, #tpu.memory_space<vmem>> -> memref<5120xf32, #tpu.memory_space<vmem>>
    %dma_wait3A_686 = tpu.memref_slice %arg10[%add3A_639] : memref<1638400xf32, #tpu.memory_space<vmem_shared>> -> memref<5120xf32, #tpu.memory_space<vmem_shared>>
    tpu.wait_dma2 semaphore(%arg11 : memref<!tpu.dma_semaphore, #tpu.memory_space<semaphore_mem>>) src(%dma_wait3A_686 : memref<5120xf32, #tpu.memory_space<vmem_shared>>) dst(%dma_wait3A_685 : memref<5120xf32, #tpu.memory_space<vmem>>)
    %mul3A_687 = arith.constant 1600000 : i32
    %mul3A_688 = arith.muli %arg0, %mul3A_687 : i32
    %mul3A_689 = arith.constant 100000 : i32
    %mul3A_690 = arith.muli %arg1, %mul3A_689 : i32
    %add3A_691 = arith.addi %mul3A_688, %mul3A_690 : i32
    %add3A_692 = arith.constant 10240 : i32
    %add3A_693 = arith.addi %add3A_691, %add3A_692 : i32
    %dma_start3A_694 = arith.constant 0 : i32
    %dma_start3A_695 = tpu.memref_slice %arg9[%dma_start3A_694] : memref<10240xf32, #tpu.memory_space<vmem>> -> memref<5120xf32, #tpu.memory_space<vmem>>
    %dma_start3A_696 = tpu.memref_slice %arg4[%add3A_693] : memref<3200000xf32, #tpu.memory_space<hbm>> -> memref<5120xf32, #tpu.memory_space<hbm>>
    %dma_start3A_697 = tpu.memref_slice %arg4[%add3A_693] : memref<3200000xf32, #tpu.memory_space<hbm>> -> memref<5120xf32, #tpu.memory_space<hbm>>
    %dma_start3A_698 = arith.constant 0 : i32
    %dma_start3A_699 = tpu.memref_slice %arg9[%dma_start3A_698] : memref<10240xf32, #tpu.memory_space<vmem>> -> memref<5120xf32, #tpu.memory_space<vmem>>
    tpu.enqueue_dma source(%dma_start3A_699 : memref<5120xf32, #tpu.memory_space<vmem>>) target(%dma_start3A_697 : memref<5120xf32, #tpu.memory_space<hbm>>) target_semaphore(%arg12 : memref<!tpu.dma_semaphore, #tpu.memory_space<semaphore_mem>>)
    %dma_wait3A_700 = arith.constant 0 : i32
    %dma_wait3A_701 = tpu.memref_slice %arg9[%dma_wait3A_700] : memref<10240xf32, #tpu.memory_space<vmem>> -> memref<5120xf32, #tpu.memory_space<vmem>>
    %dma_wait3A_702 = tpu.memref_slice %arg4[%add3A_693] : memref<3200000xf32, #tpu.memory_space<hbm>> -> memref<5120xf32, #tpu.memory_space<hbm>>
    %dma_wait3A_703 = tpu.memref_slice %arg4[%add3A_693] : memref<3200000xf32, #tpu.memory_space<hbm>> -> memref<5120xf32, #tpu.memory_space<hbm>>
    %dma_wait3A_704 = arith.constant 0 : i32
    %dma_wait3A_705 = tpu.memref_slice %arg9[%dma_wait3A_704] : memref<10240xf32, #tpu.memory_space<vmem>> -> memref<5120xf32, #tpu.memory_space<vmem>>
    tpu.wait_dma2 semaphore(%arg12 : memref<!tpu.dma_semaphore, #tpu.memory_space<semaphore_mem>>) src(%dma_wait3A_705 : memref<5120xf32, #tpu.memory_space<vmem>>) dst(%dma_wait3A_703 : memref<5120xf32, #tpu.memory_space<hbm>>)
    %mul3A_706 = arith.constant 100000 : i32
    %mul3A_707 = arith.muli %arg1, %mul3A_706 : i32
    %add3A_708 = arith.constant 20480 : i32
    %add3A_709 = arith.addi %mul3A_707, %add3A_708 : i32
    %dma_start3A_710 = arith.constant 0 : i32
    %dma_start3A_711 = tpu.memref_slice %arg9[%dma_start3A_710] : memref<10240xf32, #tpu.memory_space<vmem>> -> memref<5120xf32, #tpu.memory_space<vmem>>
    %dma_start3A_712 = tpu.memref_slice %arg10[%add3A_709] : memref<1638400xf32, #tpu.memory_space<vmem_shared>> -> memref<5120xf32, #tpu.memory_space<vmem_shared>>
    %dma_start3A_713 = arith.constant 0 : i32
    %dma_start3A_714 = tpu.memref_slice %arg9[%dma_start3A_713] : memref<10240xf32, #tpu.memory_space<vmem>> -> memref<5120xf32, #tpu.memory_space<vmem>>
    %dma_start3A_715 = tpu.memref_slice %arg10[%add3A_709] : memref<1638400xf32, #tpu.memory_space<vmem_shared>> -> memref<5120xf32, #tpu.memory_space<vmem_shared>>
    tpu.enqueue_dma source(%dma_start3A_715 : memref<5120xf32, #tpu.memory_space<vmem_shared>>) target(%dma_start3A_714 : memref<5120xf32, #tpu.memory_space<vmem>>) target_semaphore(%arg11 : memref<!tpu.dma_semaphore, #tpu.memory_space<semaphore_mem>>)
    %dma_wait3A_716 = arith.constant 5120 : i32
    %dma_wait3A_717 = tpu.memref_slice %arg9[%dma_wait3A_716] : memref<10240xf32, #tpu.memory_space<vmem>> -> memref<5120xf32, #tpu.memory_space<vmem>>
    %dma_wait3A_718 = tpu.memref_slice %arg10[%add3A_674] : memref<1638400xf32, #tpu.memory_space<vmem_shared>> -> memref<5120xf32, #tpu.memory_space<vmem_shared>>
    %dma_wait3A_719 = arith.constant 5120 : i32
    %dma_wait3A_720 = tpu.memref_slice %arg9[%dma_wait3A_719] : memref<10240xf32, #tpu.memory_space<vmem>> -> memref<5120xf32, #tpu.memory_space<vmem>>
    %dma_wait3A_721 = tpu.memref_slice %arg10[%add3A_674] : memref<1638400xf32, #tpu.memory_space<vmem_shared>> -> memref<5120xf32, #tpu.memory_space<vmem_shared>>
    tpu.wait_dma2 semaphore(%arg11 : memref<!tpu.dma_semaphore, #tpu.memory_space<semaphore_mem>>) src(%dma_wait3A_721 : memref<5120xf32, #tpu.memory_space<vmem_shared>>) dst(%dma_wait3A_720 : memref<5120xf32, #tpu.memory_space<vmem>>)
    %mul3A_722 = arith.constant 1600000 : i32
    %mul3A_723 = arith.muli %arg0, %mul3A_722 : i32
    %mul3A_724 = arith.constant 100000 : i32
    %mul3A_725 = arith.muli %arg1, %mul3A_724 : i32
    %add3A_726 = arith.addi %mul3A_723, %mul3A_725 : i32
    %add3A_727 = arith.constant 15360 : i32
    %add3A_728 = arith.addi %add3A_726, %add3A_727 : i32
    %dma_start3A_729 = arith.constant 5120 : i32
    %dma_start3A_730 = tpu.memref_slice %arg9[%dma_start3A_729] : memref<10240xf32, #tpu.memory_space<vmem>> -> memref<5120xf32, #tpu.memory_space<vmem>>
    %dma_start3A_731 = tpu.memref_slice %arg4[%add3A_728] : memref<3200000xf32, #tpu.memory_space<hbm>> -> memref<5120xf32, #tpu.memory_space<hbm>>
    %dma_start3A_732 = tpu.memref_slice %arg4[%add3A_728] : memref<3200000xf32, #tpu.memory_space<hbm>> -> memref<5120xf32, #tpu.memory_space<hbm>>
    %dma_start3A_733 = arith.constant 5120 : i32
    %dma_start3A_734 = tpu.memref_slice %arg9[%dma_start3A_733] : memref<10240xf32, #tpu.memory_space<vmem>> -> memref<5120xf32, #tpu.memory_space<vmem>>
    tpu.enqueue_dma source(%dma_start3A_734 : memref<5120xf32, #tpu.memory_space<vmem>>) target(%dma_start3A_732 : memref<5120xf32, #tpu.memory_space<hbm>>) target_semaphore(%arg13 : memref<!tpu.dma_semaphore, #tpu.memory_space<semaphore_mem>>)
    %dma_wait3A_735 = arith.constant 5120 : i32
    %dma_wait3A_736 = tpu.memref_slice %arg9[%dma_wait3A_735] : memref<10240xf32, #tpu.memory_space<vmem>> -> memref<5120xf32, #tpu.memory_space<vmem>>
    %dma_wait3A_737 = tpu.memref_slice %arg4[%add3A_728] : memref<3200000xf32, #tpu.memory_space<hbm>> -> memref<5120xf32, #tpu.memory_space<hbm>>
    %dma_wait3A_738 = tpu.memref_slice %arg4[%add3A_728] : memref<3200000xf32, #tpu.memory_space<hbm>> -> memref<5120xf32, #tpu.memory_space<hbm>>
    %dma_wait3A_739 = arith.constant 5120 : i32
    %dma_wait3A_740 = tpu.memref_slice %arg9[%dma_wait3A_739] : memref<10240xf32, #tpu.memory_space<vmem>> -> memref<5120xf32, #tpu.memory_space<vmem>>
    tpu.wait_dma2 semaphore(%arg13 : memref<!tpu.dma_semaphore, #tpu.memory_space<semaphore_mem>>) src(%dma_wait3A_740 : memref<5120xf32, #tpu.memory_space<vmem>>) dst(%dma_wait3A_738 : memref<5120xf32, #tpu.memory_space<hbm>>)
    %mul3A_741 = arith.constant 100000 : i32
    %mul3A_742 = arith.muli %arg1, %mul3A_741 : i32
    %add3A_743 = arith.constant 25600 : i32
    %add3A_744 = arith.addi %mul3A_742, %add3A_743 : i32
    %dma_start3A_745 = arith.constant 5120 : i32
    %dma_start3A_746 = tpu.memref_slice %arg9[%dma_start3A_745] : memref<10240xf32, #tpu.memory_space<vmem>> -> memref<5120xf32, #tpu.memory_space<vmem>>
    %dma_start3A_747 = tpu.memref_slice %arg10[%add3A_744] : memref<1638400xf32, #tpu.memory_space<vmem_shared>> -> memref<5120xf32, #tpu.memory_space<vmem_shared>>
    %dma_start3A_748 = arith.constant 5120 : i32
    %dma_start3A_749 = tpu.memref_slice %arg9[%dma_start3A_748] : memref<10240xf32, #tpu.memory_space<vmem>> -> memref<5120xf32, #tpu.memory_space<vmem>>
    %dma_start3A_750 = tpu.memref_slice %arg10[%add3A_744] : memref<1638400xf32, #tpu.memory_space<vmem_shared>> -> memref<5120xf32, #tpu.memory_space<vmem_shared>>
    tpu.enqueue_dma source(%dma_start3A_750 : memref<5120xf32, #tpu.memory_space<vmem_shared>>) target(%dma_start3A_749 : memref<5120xf32, #tpu.memory_space<vmem>>) target_semaphore(%arg11 : memref<!tpu.dma_semaphore, #tpu.memory_space<semaphore_mem>>)
    %dma_wait3A_751 = arith.constant 0 : i32
    %dma_wait3A_752 = tpu.memref_slice %arg9[%dma_wait3A_751] : memref<10240xf32, #tpu.memory_space<vmem>> -> memref<5120xf32, #tpu.memory_space<vmem>>
    %dma_wait3A_753 = tpu.memref_slice %arg10[%add3A_709] : memref<1638400xf32, #tpu.memory_space<vmem_shared>> -> memref<5120xf32, #tpu.memory_space<vmem_shared>>
    %dma_wait3A_754 = arith.constant 0 : i32
    %dma_wait3A_755 = tpu.memref_slice %arg9[%dma_wait3A_754] : memref<10240xf32, #tpu.memory_space<vmem>> -> memref<5120xf32, #tpu.memory_space<vmem>>
    %dma_wait3A_756 = tpu.memref_slice %arg10[%add3A_709] : memref<1638400xf32, #tpu.memory_space<vmem_shared>> -> memref<5120xf32, #tpu.memory_space<vmem_shared>>
    tpu.wait_dma2 semaphore(%arg11 : memref<!tpu.dma_semaphore, #tpu.memory_space<semaphore_mem>>) src(%dma_wait3A_756 : memref<5120xf32, #tpu.memory_space<vmem_shared>>) dst(%dma_wait3A_755 : memref<5120xf32, #tpu.memory_space<vmem>>)
    %mul3A_757 = arith.constant 1600000 : i32
    %mul3A_758 = arith.muli %arg0, %mul3A_757 : i32
    %mul3A_759 = arith.constant 100000 : i32
    %mul3A_760 = arith.muli %arg1, %mul3A_759 : i32
    %add3A_761 = arith.addi %mul3A_758, %mul3A_760 : i32
    %add3A_762 = arith.constant 20480 : i32
    %add3A_763 = arith.addi %add3A_761, %add3A_762 : i32
    %dma_start3A_764 = arith.constant 0 : i32
    %dma_start3A_765 = tpu.memref_slice %arg9[%dma_start3A_764] : memref<10240xf32, #tpu.memory_space<vmem>> -> memref<5120xf32, #tpu.memory_space<vmem>>
    %dma_start3A_766 = tpu.memref_slice %arg4[%add3A_763] : memref<3200000xf32, #tpu.memory_space<hbm>> -> memref<5120xf32, #tpu.memory_space<hbm>>
    %dma_start3A_767 = tpu.memref_slice %arg4[%add3A_763] : memref<3200000xf32, #tpu.memory_space<hbm>> -> memref<5120xf32, #tpu.memory_space<hbm>>
    %dma_start3A_768 = arith.constant 0 : i32
    %dma_start3A_769 = tpu.memref_slice %arg9[%dma_start3A_768] : memref<10240xf32, #tpu.memory_space<vmem>> -> memref<5120xf32, #tpu.memory_space<vmem>>
    tpu.enqueue_dma source(%dma_start3A_769 : memref<5120xf32, #tpu.memory_space<vmem>>) target(%dma_start3A_767 : memref<5120xf32, #tpu.memory_space<hbm>>) target_semaphore(%arg12 : memref<!tpu.dma_semaphore, #tpu.memory_space<semaphore_mem>>)
    %dma_wait3A_770 = arith.constant 0 : i32
    %dma_wait3A_771 = tpu.memref_slice %arg9[%dma_wait3A_770] : memref<10240xf32, #tpu.memory_space<vmem>> -> memref<5120xf32, #tpu.memory_space<vmem>>
    %dma_wait3A_772 = tpu.memref_slice %arg4[%add3A_763] : memref<3200000xf32, #tpu.memory_space<hbm>> -> memref<5120xf32, #tpu.memory_space<hbm>>
    %dma_wait3A_773 = tpu.memref_slice %arg4[%add3A_763] : memref<3200000xf32, #tpu.memory_space<hbm>> -> memref<5120xf32, #tpu.memory_space<hbm>>
    %dma_wait3A_774 = arith.constant 0 : i32
    %dma_wait3A_775 = tpu.memref_slice %arg9[%dma_wait3A_774] : memref<10240xf32, #tpu.memory_space<vmem>> -> memref<5120xf32, #tpu.memory_space<vmem>>
    tpu.wait_dma2 semaphore(%arg12 : memref<!tpu.dma_semaphore, #tpu.memory_space<semaphore_mem>>) src(%dma_wait3A_775 : memref<5120xf32, #tpu.memory_space<vmem>>) dst(%dma_wait3A_773 : memref<5120xf32, #tpu.memory_space<hbm>>)
    %mul3A_776 = arith.constant 100000 : i32
    %mul3A_777 = arith.muli %arg1, %mul3A_776 : i32
    %add3A_778 = arith.constant 30720 : i32
    %add3A_779 = arith.addi %mul3A_777, %add3A_778 : i32
    %dma_start3A_780 = arith.constant 0 : i32
    %dma_start3A_781 = tpu.memref_slice %arg9[%dma_start3A_780] : memref<10240xf32, #tpu.memory_space<vmem>> -> memref<5120xf32, #tpu.memory_space<vmem>>
    %dma_start3A_782 = tpu.memref_slice %arg10[%add3A_779] : memref<1638400xf32, #tpu.memory_space<vmem_shared>> -> memref<5120xf32, #tpu.memory_space<vmem_shared>>
    %dma_start3A_783 = arith.constant 0 : i32
    %dma_start3A_784 = tpu.memref_slice %arg9[%dma_start3A_783] : memref<10240xf32, #tpu.memory_space<vmem>> -> memref<5120xf32, #tpu.memory_space<vmem>>
    %dma_start3A_785 = tpu.memref_slice %arg10[%add3A_779] : memref<1638400xf32, #tpu.memory_space<vmem_shared>> -> memref<5120xf32, #tpu.memory_space<vmem_shared>>
    tpu.enqueue_dma source(%dma_start3A_785 : memref<5120xf32, #tpu.memory_space<vmem_shared>>) target(%dma_start3A_784 : memref<5120xf32, #tpu.memory_space<vmem>>) target_semaphore(%arg11 : memref<!tpu.dma_semaphore, #tpu.memory_space<semaphore_mem>>)
    %dma_wait3A_786 = arith.constant 5120 : i32
    %dma_wait3A_787 = tpu.memref_slice %arg9[%dma_wait3A_786] : memref<10240xf32, #tpu.memory_space<vmem>> -> memref<5120xf32, #tpu.memory_space<vmem>>
    %dma_wait3A_788 = tpu.memref_slice %arg10[%add3A_744] : memref<1638400xf32, #tpu.memory_space<vmem_shared>> -> memref<5120xf32, #tpu.memory_space<vmem_shared>>
    %dma_wait3A_789 = arith.constant 5120 : i32
    %dma_wait3A_790 = tpu.memref_slice %arg9[%dma_wait3A_789] : memref<10240xf32, #tpu.memory_space<vmem>> -> memref<5120xf32, #tpu.memory_space<vmem>>
    %dma_wait3A_791 = tpu.memref_slice %arg10[%add3A_744] : memref<1638400xf32, #tpu.memory_space<vmem_shared>> -> memref<5120xf32, #tpu.memory_space<vmem_shared>>
    tpu.wait_dma2 semaphore(%arg11 : memref<!tpu.dma_semaphore, #tpu.memory_space<semaphore_mem>>) src(%dma_wait3A_791 : memref<5120xf32, #tpu.memory_space<vmem_shared>>) dst(%dma_wait3A_790 : memref<5120xf32, #tpu.memory_space<vmem>>)
    %mul3A_792 = arith.constant 1600000 : i32
    %mul3A_793 = arith.muli %arg0, %mul3A_792 : i32
    %mul3A_794 = arith.constant 100000 : i32
    %mul3A_795 = arith.muli %arg1, %mul3A_794 : i32
    %add3A_796 = arith.addi %mul3A_793, %mul3A_795 : i32
    %add3A_797 = arith.constant 25600 : i32
    %add3A_798 = arith.addi %add3A_796, %add3A_797 : i32
    %dma_start3A_799 = arith.constant 5120 : i32
    %dma_start3A_800 = tpu.memref_slice %arg9[%dma_start3A_799] : memref<10240xf32, #tpu.memory_space<vmem>> -> memref<5120xf32, #tpu.memory_space<vmem>>
    %dma_start3A_801 = tpu.memref_slice %arg4[%add3A_798] : memref<3200000xf32, #tpu.memory_space<hbm>> -> memref<5120xf32, #tpu.memory_space<hbm>>
    %dma_start3A_802 = tpu.memref_slice %arg4[%add3A_798] : memref<3200000xf32, #tpu.memory_space<hbm>> -> memref<5120xf32, #tpu.memory_space<hbm>>
    %dma_start3A_803 = arith.constant 5120 : i32
    %dma_start3A_804 = tpu.memref_slice %arg9[%dma_start3A_803] : memref<10240xf32, #tpu.memory_space<vmem>> -> memref<5120xf32, #tpu.memory_space<vmem>>
    tpu.enqueue_dma source(%dma_start3A_804 : memref<5120xf32, #tpu.memory_space<vmem>>) target(%dma_start3A_802 : memref<5120xf32, #tpu.memory_space<hbm>>) target_semaphore(%arg13 : memref<!tpu.dma_semaphore, #tpu.memory_space<semaphore_mem>>)
    %dma_wait3A_805 = arith.constant 5120 : i32
    %dma_wait3A_806 = tpu.memref_slice %arg9[%dma_wait3A_805] : memref<10240xf32, #tpu.memory_space<vmem>> -> memref<5120xf32, #tpu.memory_space<vmem>>
    %dma_wait3A_807 = tpu.memref_slice %arg4[%add3A_798] : memref<3200000xf32, #tpu.memory_space<hbm>> -> memref<5120xf32, #tpu.memory_space<hbm>>
    %dma_wait3A_808 = tpu.memref_slice %arg4[%add3A_798] : memref<3200000xf32, #tpu.memory_space<hbm>> -> memref<5120xf32, #tpu.memory_space<hbm>>
    %dma_wait3A_809 = arith.constant 5120 : i32
    %dma_wait3A_810 = tpu.memref_slice %arg9[%dma_wait3A_809] : memref<10240xf32, #tpu.memory_space<vmem>> -> memref<5120xf32, #tpu.memory_space<vmem>>
    tpu.wait_dma2 semaphore(%arg13 : memref<!tpu.dma_semaphore, #tpu.memory_space<semaphore_mem>>) src(%dma_wait3A_810 : memref<5120xf32, #tpu.memory_space<vmem>>) dst(%dma_wait3A_808 : memref<5120xf32, #tpu.memory_space<hbm>>)
    %mul3A_811 = arith.constant 100000 : i32
    %mul3A_812 = arith.muli %arg1, %mul3A_811 : i32
    %add3A_813 = arith.constant 35840 : i32
    %add3A_814 = arith.addi %mul3A_812, %add3A_813 : i32
    %dma_start3A_815 = arith.constant 5120 : i32
    %dma_start3A_816 = tpu.memref_slice %arg9[%dma_start3A_815] : memref<10240xf32, #tpu.memory_space<vmem>> -> memref<5120xf32, #tpu.memory_space<vmem>>
    %dma_start3A_817 = tpu.memref_slice %arg10[%add3A_814] : memref<1638400xf32, #tpu.memory_space<vmem_shared>> -> memref<5120xf32, #tpu.memory_space<vmem_shared>>
    %dma_start3A_818 = arith.constant 5120 : i32
    %dma_start3A_819 = tpu.memref_slice %arg9[%dma_start3A_818] : memref<10240xf32, #tpu.memory_space<vmem>> -> memref<5120xf32, #tpu.memory_space<vmem>>
    %dma_start3A_820 = tpu.memref_slice %arg10[%add3A_814] : memref<1638400xf32, #tpu.memory_space<vmem_shared>> -> memref<5120xf32, #tpu.memory_space<vmem_shared>>
    tpu.enqueue_dma source(%dma_start3A_820 : memref<5120xf32, #tpu.memory_space<vmem_shared>>) target(%dma_start3A_819 : memref<5120xf32, #tpu.memory_space<vmem>>) target_semaphore(%arg11 : memref<!tpu.dma_semaphore, #tpu.memory_space<semaphore_mem>>)
    %dma_wait3A_821 = arith.constant 0 : i32
    %dma_wait3A_822 = tpu.memref_slice %arg9[%dma_wait3A_821] : memref<10240xf32, #tpu.memory_space<vmem>> -> memref<5120xf32, #tpu.memory_space<vmem>>
    %dma_wait3A_823 = tpu.memref_slice %arg10[%add3A_779] : memref<1638400xf32, #tpu.memory_space<vmem_shared>> -> memref<5120xf32, #tpu.memory_space<vmem_shared>>
    %dma_wait3A_824 = arith.constant 0 : i32
    %dma_wait3A_825 = tpu.memref_slice %arg9[%dma_wait3A_824] : memref<10240xf32, #tpu.memory_space<vmem>> -> memref<5120xf32, #tpu.memory_space<vmem>>
    %dma_wait3A_826 = tpu.memref_slice %arg10[%add3A_779] : memref<1638400xf32, #tpu.memory_space<vmem_shared>> -> memref<5120xf32, #tpu.memory_space<vmem_shared>>
    tpu.wait_dma2 semaphore(%arg11 : memref<!tpu.dma_semaphore, #tpu.memory_space<semaphore_mem>>) src(%dma_wait3A_826 : memref<5120xf32, #tpu.memory_space<vmem_shared>>) dst(%dma_wait3A_825 : memref<5120xf32, #tpu.memory_space<vmem>>)
    %mul3A_827 = arith.constant 1600000 : i32
    %mul3A_828 = arith.muli %arg0, %mul3A_827 : i32
    %mul3A_829 = arith.constant 100000 : i32
    %mul3A_830 = arith.muli %arg1, %mul3A_829 : i32
    %add3A_831 = arith.addi %mul3A_828, %mul3A_830 : i32
    %add3A_832 = arith.constant 30720 : i32
    %add3A_833 = arith.addi %add3A_831, %add3A_832 : i32
    %dma_start3A_834 = arith.constant 0 : i32
    %dma_start3A_835 = tpu.memref_slice %arg9[%dma_start3A_834] : memref<10240xf32, #tpu.memory_space<vmem>> -> memref<5120xf32, #tpu.memory_space<vmem>>
    %dma_start3A_836 = tpu.memref_slice %arg4[%add3A_833] : memref<3200000xf32, #tpu.memory_space<hbm>> -> memref<5120xf32, #tpu.memory_space<hbm>>
    %dma_start3A_837 = tpu.memref_slice %arg4[%add3A_833] : memref<3200000xf32, #tpu.memory_space<hbm>> -> memref<5120xf32, #tpu.memory_space<hbm>>
    %dma_start3A_838 = arith.constant 0 : i32
    %dma_start3A_839 = tpu.memref_slice %arg9[%dma_start3A_838] : memref<10240xf32, #tpu.memory_space<vmem>> -> memref<5120xf32, #tpu.memory_space<vmem>>
    tpu.enqueue_dma source(%dma_start3A_839 : memref<5120xf32, #tpu.memory_space<vmem>>) target(%dma_start3A_837 : memref<5120xf32, #tpu.memory_space<hbm>>) target_semaphore(%arg12 : memref<!tpu.dma_semaphore, #tpu.memory_space<semaphore_mem>>)
    %dma_wait3A_840 = arith.constant 0 : i32
    %dma_wait3A_841 = tpu.memref_slice %arg9[%dma_wait3A_840] : memref<10240xf32, #tpu.memory_space<vmem>> -> memref<5120xf32, #tpu.memory_space<vmem>>
    %dma_wait3A_842 = tpu.memref_slice %arg4[%add3A_833] : memref<3200000xf32, #tpu.memory_space<hbm>> -> memref<5120xf32, #tpu.memory_space<hbm>>
    %dma_wait3A_843 = tpu.memref_slice %arg4[%add3A_833] : memref<3200000xf32, #tpu.memory_space<hbm>> -> memref<5120xf32, #tpu.memory_space<hbm>>
    %dma_wait3A_844 = arith.constant 0 : i32
    %dma_wait3A_845 = tpu.memref_slice %arg9[%dma_wait3A_844] : memref<10240xf32, #tpu.memory_space<vmem>> -> memref<5120xf32, #tpu.memory_space<vmem>>
    tpu.wait_dma2 semaphore(%arg12 : memref<!tpu.dma_semaphore, #tpu.memory_space<semaphore_mem>>) src(%dma_wait3A_845 : memref<5120xf32, #tpu.memory_space<vmem>>) dst(%dma_wait3A_843 : memref<5120xf32, #tpu.memory_space<hbm>>)
    %mul3A_846 = arith.constant 100000 : i32
    %mul3A_847 = arith.muli %arg1, %mul3A_846 : i32
    %add3A_848 = arith.constant 40960 : i32
    %add3A_849 = arith.addi %mul3A_847, %add3A_848 : i32
    %dma_start3A_850 = arith.constant 0 : i32
    %dma_start3A_851 = tpu.memref_slice %arg9[%dma_start3A_850] : memref<10240xf32, #tpu.memory_space<vmem>> -> memref<5120xf32, #tpu.memory_space<vmem>>
    %dma_start3A_852 = tpu.memref_slice %arg10[%add3A_849] : memref<1638400xf32, #tpu.memory_space<vmem_shared>> -> memref<5120xf32, #tpu.memory_space<vmem_shared>>
    %dma_start3A_853 = arith.constant 0 : i32
    %dma_start3A_854 = tpu.memref_slice %arg9[%dma_start3A_853] : memref<10240xf32, #tpu.memory_space<vmem>> -> memref<5120xf32, #tpu.memory_space<vmem>>
    %dma_start3A_855 = tpu.memref_slice %arg10[%add3A_849] : memref<1638400xf32, #tpu.memory_space<vmem_shared>> -> memref<5120xf32, #tpu.memory_space<vmem_shared>>
    tpu.enqueue_dma source(%dma_start3A_855 : memref<5120xf32, #tpu.memory_space<vmem_shared>>) target(%dma_start3A_854 : memref<5120xf32, #tpu.memory_space<vmem>>) target_semaphore(%arg11 : memref<!tpu.dma_semaphore, #tpu.memory_space<semaphore_mem>>)
    %dma_wait3A_856 = arith.constant 5120 : i32
    %dma_wait3A_857 = tpu.memref_slice %arg9[%dma_wait3A_856] : memref<10240xf32, #tpu.memory_space<vmem>> -> memref<5120xf32, #tpu.memory_space<vmem>>
    %dma_wait3A_858 = tpu.memref_slice %arg10[%add3A_814] : memref<1638400xf32, #tpu.memory_space<vmem_shared>> -> memref<5120xf32, #tpu.memory_space<vmem_shared>>
    %dma_wait3A_859 = arith.constant 5120 : i32
    %dma_wait3A_860 = tpu.memref_slice %arg9[%dma_wait3A_859] : memref<10240xf32, #tpu.memory_space<vmem>> -> memref<5120xf32, #tpu.memory_space<vmem>>
    %dma_wait3A_861 = tpu.memref_slice %arg10[%add3A_814] : memref<1638400xf32, #tpu.memory_space<vmem_shared>> -> memref<5120xf32, #tpu.memory_space<vmem_shared>>
    tpu.wait_dma2 semaphore(%arg11 : memref<!tpu.dma_semaphore, #tpu.memory_space<semaphore_mem>>) src(%dma_wait3A_861 : memref<5120xf32, #tpu.memory_space<vmem_shared>>) dst(%dma_wait3A_860 : memref<5120xf32, #tpu.memory_space<vmem>>)
    %mul3A_862 = arith.constant 1600000 : i32
    %mul3A_863 = arith.muli %arg0, %mul3A_862 : i32
    %mul3A_864 = arith.constant 100000 : i32
    %mul3A_865 = arith.muli %arg1, %mul3A_864 : i32
    %add3A_866 = arith.addi %mul3A_863, %mul3A_865 : i32
    %add3A_867 = arith.constant 35840 : i32
    %add3A_868 = arith.addi %add3A_866, %add3A_867 : i32
    %dma_start3A_869 = arith.constant 5120 : i32
    %dma_start3A_870 = tpu.memref_slice %arg9[%dma_start3A_869] : memref<10240xf32, #tpu.memory_space<vmem>> -> memref<5120xf32, #tpu.memory_space<vmem>>
    %dma_start3A_871 = tpu.memref_slice %arg4[%add3A_868] : memref<3200000xf32, #tpu.memory_space<hbm>> -> memref<5120xf32, #tpu.memory_space<hbm>>
    %dma_start3A_872 = tpu.memref_slice %arg4[%add3A_868] : memref<3200000xf32, #tpu.memory_space<hbm>> -> memref<5120xf32, #tpu.memory_space<hbm>>
    %dma_start3A_873 = arith.constant 5120 : i32
    %dma_start3A_874 = tpu.memref_slice %arg9[%dma_start3A_873] : memref<10240xf32, #tpu.memory_space<vmem>> -> memref<5120xf32, #tpu.memory_space<vmem>>
    tpu.enqueue_dma source(%dma_start3A_874 : memref<5120xf32, #tpu.memory_space<vmem>>) target(%dma_start3A_872 : memref<5120xf32, #tpu.memory_space<hbm>>) target_semaphore(%arg13 : memref<!tpu.dma_semaphore, #tpu.memory_space<semaphore_mem>>)
    %dma_wait3A_875 = arith.constant 5120 : i32
    %dma_wait3A_876 = tpu.memref_slice %arg9[%dma_wait3A_875] : memref<10240xf32, #tpu.memory_space<vmem>> -> memref<5120xf32, #tpu.memory_space<vmem>>
    %dma_wait3A_877 = tpu.memref_slice %arg4[%add3A_868] : memref<3200000xf32, #tpu.memory_space<hbm>> -> memref<5120xf32, #tpu.memory_space<hbm>>
    %dma_wait3A_878 = tpu.memref_slice %arg4[%add3A_868] : memref<3200000xf32, #tpu.memory_space<hbm>> -> memref<5120xf32, #tpu.memory_space<hbm>>
    %dma_wait3A_879 = arith.constant 5120 : i32
    %dma_wait3A_880 = tpu.memref_slice %arg9[%dma_wait3A_879] : memref<10240xf32, #tpu.memory_space<vmem>> -> memref<5120xf32, #tpu.memory_space<vmem>>
    tpu.wait_dma2 semaphore(%arg13 : memref<!tpu.dma_semaphore, #tpu.memory_space<semaphore_mem>>) src(%dma_wait3A_880 : memref<5120xf32, #tpu.memory_space<vmem>>) dst(%dma_wait3A_878 : memref<5120xf32, #tpu.memory_space<hbm>>)
    %mul3A_881 = arith.constant 100000 : i32
    %mul3A_882 = arith.muli %arg1, %mul3A_881 : i32
    %add3A_883 = arith.constant 46080 : i32
    %add3A_884 = arith.addi %mul3A_882, %add3A_883 : i32
    %dma_start3A_885 = arith.constant 5120 : i32
    %dma_start3A_886 = tpu.memref_slice %arg9[%dma_start3A_885] : memref<10240xf32, #tpu.memory_space<vmem>> -> memref<5120xf32, #tpu.memory_space<vmem>>
    %dma_start3A_887 = tpu.memref_slice %arg10[%add3A_884] : memref<1638400xf32, #tpu.memory_space<vmem_shared>> -> memref<5120xf32, #tpu.memory_space<vmem_shared>>
    %dma_start3A_888 = arith.constant 5120 : i32
    %dma_start3A_889 = tpu.memref_slice %arg9[%dma_start3A_888] : memref<10240xf32, #tpu.memory_space<vmem>> -> memref<5120xf32, #tpu.memory_space<vmem>>
    %dma_start3A_890 = tpu.memref_slice %arg10[%add3A_884] : memref<1638400xf32, #tpu.memory_space<vmem_shared>> -> memref<5120xf32, #tpu.memory_space<vmem_shared>>
    tpu.enqueue_dma source(%dma_start3A_890 : memref<5120xf32, #tpu.memory_space<vmem_shared>>) target(%dma_start3A_889 : memref<5120xf32, #tpu.memory_space<vmem>>) target_semaphore(%arg11 : memref<!tpu.dma_semaphore, #tpu.memory_space<semaphore_mem>>)
    %dma_wait3A_891 = arith.constant 0 : i32
    %dma_wait3A_892 = tpu.memref_slice %arg9[%dma_wait3A_891] : memref<10240xf32, #tpu.memory_space<vmem>> -> memref<5120xf32, #tpu.memory_space<vmem>>
    %dma_wait3A_893 = tpu.memref_slice %arg10[%add3A_849] : memref<1638400xf32, #tpu.memory_space<vmem_shared>> -> memref<5120xf32, #tpu.memory_space<vmem_shared>>
    %dma_wait3A_894 = arith.constant 0 : i32
    %dma_wait3A_895 = tpu.memref_slice %arg9[%dma_wait3A_894] : memref<10240xf32, #tpu.memory_space<vmem>> -> memref<5120xf32, #tpu.memory_space<vmem>>
    %dma_wait3A_896 = tpu.memref_slice %arg10[%add3A_849] : memref<1638400xf32, #tpu.memory_space<vmem_shared>> -> memref<5120xf32, #tpu.memory_space<vmem_shared>>
    tpu.wait_dma2 semaphore(%arg11 : memref<!tpu.dma_semaphore, #tpu.memory_space<semaphore_mem>>) src(%dma_wait3A_896 : memref<5120xf32, #tpu.memory_space<vmem_shared>>) dst(%dma_wait3A_895 : memref<5120xf32, #tpu.memory_space<vmem>>)
    %mul3A_897 = arith.constant 1600000 : i32
    %mul3A_898 = arith.muli %arg0, %mul3A_897 : i32
    %mul3A_899 = arith.constant 100000 : i32
    %mul3A_900 = arith.muli %arg1, %mul3A_899 : i32
    %add3A_901 = arith.addi %mul3A_898, %mul3A_900 : i32
    %add3A_902 = arith.constant 40960 : i32
    %add3A_903 = arith.addi %add3A_901, %add3A_902 : i32
    %dma_start3A_904 = arith.constant 0 : i32
    %dma_start3A_905 = tpu.memref_slice %arg9[%dma_start3A_904] : memref<10240xf32, #tpu.memory_space<vmem>> -> memref<5120xf32, #tpu.memory_space<vmem>>
    %dma_start3A_906 = tpu.memref_slice %arg4[%add3A_903] : memref<3200000xf32, #tpu.memory_space<hbm>> -> memref<5120xf32, #tpu.memory_space<hbm>>
    %dma_start3A_907 = tpu.memref_slice %arg4[%add3A_903] : memref<3200000xf32, #tpu.memory_space<hbm>> -> memref<5120xf32, #tpu.memory_space<hbm>>
    %dma_start3A_908 = arith.constant 0 : i32
    %dma_start3A_909 = tpu.memref_slice %arg9[%dma_start3A_908] : memref<10240xf32, #tpu.memory_space<vmem>> -> memref<5120xf32, #tpu.memory_space<vmem>>
    tpu.enqueue_dma source(%dma_start3A_909 : memref<5120xf32, #tpu.memory_space<vmem>>) target(%dma_start3A_907 : memref<5120xf32, #tpu.memory_space<hbm>>) target_semaphore(%arg12 : memref<!tpu.dma_semaphore, #tpu.memory_space<semaphore_mem>>)
    %dma_wait3A_910 = arith.constant 0 : i32
    %dma_wait3A_911 = tpu.memref_slice %arg9[%dma_wait3A_910] : memref<10240xf32, #tpu.memory_space<vmem>> -> memref<5120xf32, #tpu.memory_space<vmem>>
    %dma_wait3A_912 = tpu.memref_slice %arg4[%add3A_903] : memref<3200000xf32, #tpu.memory_space<hbm>> -> memref<5120xf32, #tpu.memory_space<hbm>>
    %dma_wait3A_913 = tpu.memref_slice %arg4[%add3A_903] : memref<3200000xf32, #tpu.memory_space<hbm>> -> memref<5120xf32, #tpu.memory_space<hbm>>
    %dma_wait3A_914 = arith.constant 0 : i32
    %dma_wait3A_915 = tpu.memref_slice %arg9[%dma_wait3A_914] : memref<10240xf32, #tpu.memory_space<vmem>> -> memref<5120xf32, #tpu.memory_space<vmem>>
    tpu.wait_dma2 semaphore(%arg12 : memref<!tpu.dma_semaphore, #tpu.memory_space<semaphore_mem>>) src(%dma_wait3A_915 : memref<5120xf32, #tpu.memory_space<vmem>>) dst(%dma_wait3A_913 : memref<5120xf32, #tpu.memory_space<hbm>>)
    %mul3A_916 = arith.constant 100000 : i32
    %mul3A_917 = arith.muli %arg1, %mul3A_916 : i32
    %add3A_918 = arith.constant 51200 : i32
    %add3A_919 = arith.addi %mul3A_917, %add3A_918 : i32
    %dma_start3A_920 = arith.constant 0 : i32
    %dma_start3A_921 = tpu.memref_slice %arg9[%dma_start3A_920] : memref<10240xf32, #tpu.memory_space<vmem>> -> memref<5120xf32, #tpu.memory_space<vmem>>
    %dma_start3A_922 = tpu.memref_slice %arg10[%add3A_919] : memref<1638400xf32, #tpu.memory_space<vmem_shared>> -> memref<5120xf32, #tpu.memory_space<vmem_shared>>
    %dma_start3A_923 = arith.constant 0 : i32
    %dma_start3A_924 = tpu.memref_slice %arg9[%dma_start3A_923] : memref<10240xf32, #tpu.memory_space<vmem>> -> memref<5120xf32, #tpu.memory_space<vmem>>
    %dma_start3A_925 = tpu.memref_slice %arg10[%add3A_919] : memref<1638400xf32, #tpu.memory_space<vmem_shared>> -> memref<5120xf32, #tpu.memory_space<vmem_shared>>
    tpu.enqueue_dma source(%dma_start3A_925 : memref<5120xf32, #tpu.memory_space<vmem_shared>>) target(%dma_start3A_924 : memref<5120xf32, #tpu.memory_space<vmem>>) target_semaphore(%arg11 : memref<!tpu.dma_semaphore, #tpu.memory_space<semaphore_mem>>)
    %dma_wait3A_926 = arith.constant 5120 : i32
    %dma_wait3A_927 = tpu.memref_slice %arg9[%dma_wait3A_926] : memref<10240xf32, #tpu.memory_space<vmem>> -> memref<5120xf32, #tpu.memory_space<vmem>>
    %dma_wait3A_928 = tpu.memref_slice %arg10[%add3A_884] : memref<1638400xf32, #tpu.memory_space<vmem_shared>> -> memref<5120xf32, #tpu.memory_space<vmem_shared>>
    %dma_wait3A_929 = arith.constant 5120 : i32
    %dma_wait3A_930 = tpu.memref_slice %arg9[%dma_wait3A_929] : memref<10240xf32, #tpu.memory_space<vmem>> -> memref<5120xf32, #tpu.memory_space<vmem>>
    %dma_wait3A_931 = tpu.memref_slice %arg10[%add3A_884] : memref<1638400xf32, #tpu.memory_space<vmem_shared>> -> memref<5120xf32, #tpu.memory_space<vmem_shared>>
    tpu.wait_dma2 semaphore(%arg11 : memref<!tpu.dma_semaphore, #tpu.memory_space<semaphore_mem>>) src(%dma_wait3A_931 : memref<5120xf32, #tpu.memory_space<vmem_shared>>) dst(%dma_wait3A_930 : memref<5120xf32, #tpu.memory_space<vmem>>)
    %mul3A_932 = arith.constant 1600000 : i32
    %mul3A_933 = arith.muli %arg0, %mul3A_932 : i32
    %mul3A_934 = arith.constant 100000 : i32
    %mul3A_935 = arith.muli %arg1, %mul3A_934 : i32
    %add3A_936 = arith.addi %mul3A_933, %mul3A_935 : i32
    %add3A_937 = arith.constant 46080 : i32
    %add3A_938 = arith.addi %add3A_936, %add3A_937 : i32
    %dma_start3A_939 = arith.constant 5120 : i32
    %dma_start3A_940 = tpu.memref_slice %arg9[%dma_start3A_939] : memref<10240xf32, #tpu.memory_space<vmem>> -> memref<5120xf32, #tpu.memory_space<vmem>>
    %dma_start3A_941 = tpu.memref_slice %arg4[%add3A_938] : memref<3200000xf32, #tpu.memory_space<hbm>> -> memref<5120xf32, #tpu.memory_space<hbm>>
    %dma_start3A_942 = tpu.memref_slice %arg4[%add3A_938] : memref<3200000xf32, #tpu.memory_space<hbm>> -> memref<5120xf32, #tpu.memory_space<hbm>>
    %dma_start3A_943 = arith.constant 5120 : i32
    %dma_start3A_944 = tpu.memref_slice %arg9[%dma_start3A_943] : memref<10240xf32, #tpu.memory_space<vmem>> -> memref<5120xf32, #tpu.memory_space<vmem>>
    tpu.enqueue_dma source(%dma_start3A_944 : memref<5120xf32, #tpu.memory_space<vmem>>) target(%dma_start3A_942 : memref<5120xf32, #tpu.memory_space<hbm>>) target_semaphore(%arg13 : memref<!tpu.dma_semaphore, #tpu.memory_space<semaphore_mem>>)
    %dma_wait3A_945 = arith.constant 5120 : i32
    %dma_wait3A_946 = tpu.memref_slice %arg9[%dma_wait3A_945] : memref<10240xf32, #tpu.memory_space<vmem>> -> memref<5120xf32, #tpu.memory_space<vmem>>
    %dma_wait3A_947 = tpu.memref_slice %arg4[%add3A_938] : memref<3200000xf32, #tpu.memory_space<hbm>> -> memref<5120xf32, #tpu.memory_space<hbm>>
    %dma_wait3A_948 = tpu.memref_slice %arg4[%add3A_938] : memref<3200000xf32, #tpu.memory_space<hbm>> -> memref<5120xf32, #tpu.memory_space<hbm>>
    %dma_wait3A_949 = arith.constant 5120 : i32
    %dma_wait3A_950 = tpu.memref_slice %arg9[%dma_wait3A_949] : memref<10240xf32, #tpu.memory_space<vmem>> -> memref<5120xf32, #tpu.memory_space<vmem>>
    tpu.wait_dma2 semaphore(%arg13 : memref<!tpu.dma_semaphore, #tpu.memory_space<semaphore_mem>>) src(%dma_wait3A_950 : memref<5120xf32, #tpu.memory_space<vmem>>) dst(%dma_wait3A_948 : memref<5120xf32, #tpu.memory_space<hbm>>)
    %mul3A_951 = arith.constant 100000 : i32
    %mul3A_952 = arith.muli %arg1, %mul3A_951 : i32
    %add3A_953 = arith.constant 56320 : i32
    %add3A_954 = arith.addi %mul3A_952, %add3A_953 : i32
    %dma_start3A_955 = arith.constant 5120 : i32
    %dma_start3A_956 = tpu.memref_slice %arg9[%dma_start3A_955] : memref<10240xf32, #tpu.memory_space<vmem>> -> memref<5120xf32, #tpu.memory_space<vmem>>
    %dma_start3A_957 = tpu.memref_slice %arg10[%add3A_954] : memref<1638400xf32, #tpu.memory_space<vmem_shared>> -> memref<5120xf32, #tpu.memory_space<vmem_shared>>
    %dma_start3A_958 = arith.constant 5120 : i32
    %dma_start3A_959 = tpu.memref_slice %arg9[%dma_start3A_958] : memref<10240xf32, #tpu.memory_space<vmem>> -> memref<5120xf32, #tpu.memory_space<vmem>>
    %dma_start3A_960 = tpu.memref_slice %arg10[%add3A_954] : memref<1638400xf32, #tpu.memory_space<vmem_shared>> -> memref<5120xf32, #tpu.memory_space<vmem_shared>>
    tpu.enqueue_dma source(%dma_start3A_960 : memref<5120xf32, #tpu.memory_space<vmem_shared>>) target(%dma_start3A_959 : memref<5120xf32, #tpu.memory_space<vmem>>) target_semaphore(%arg11 : memref<!tpu.dma_semaphore, #tpu.memory_space<semaphore_mem>>)
    %dma_wait3A_961 = arith.constant 0 : i32
    %dma_wait3A_962 = tpu.memref_slice %arg9[%dma_wait3A_961] : memref<10240xf32, #tpu.memory_space<vmem>> -> memref<5120xf32, #tpu.memory_space<vmem>>
    %dma_wait3A_963 = tpu.memref_slice %arg10[%add3A_919] : memref<1638400xf32, #tpu.memory_space<vmem_shared>> -> memref<5120xf32, #tpu.memory_space<vmem_shared>>
    %dma_wait3A_964 = arith.constant 0 : i32
    %dma_wait3A_965 = tpu.memref_slice %arg9[%dma_wait3A_964] : memref<10240xf32, #tpu.memory_space<vmem>> -> memref<5120xf32, #tpu.memory_space<vmem>>
    %dma_wait3A_966 = tpu.memref_slice %arg10[%add3A_919] : memref<1638400xf32, #tpu.memory_space<vmem_shared>> -> memref<5120xf32, #tpu.memory_space<vmem_shared>>
    tpu.wait_dma2 semaphore(%arg11 : memref<!tpu.dma_semaphore, #tpu.memory_space<semaphore_mem>>) src(%dma_wait3A_966 : memref<5120xf32, #tpu.memory_space<vmem_shared>>) dst(%dma_wait3A_965 : memref<5120xf32, #tpu.memory_space<vmem>>)
    %mul3A_967 = arith.constant 1600000 : i32
    %mul3A_968 = arith.muli %arg0, %mul3A_967 : i32
    %mul3A_969 = arith.constant 100000 : i32
    %mul3A_970 = arith.muli %arg1, %mul3A_969 : i32
    %add3A_971 = arith.addi %mul3A_968, %mul3A_970 : i32
    %add3A_972 = arith.constant 51200 : i32
    %add3A_973 = arith.addi %add3A_971, %add3A_972 : i32
    %dma_start3A_974 = arith.constant 0 : i32
    %dma_start3A_975 = tpu.memref_slice %arg9[%dma_start3A_974] : memref<10240xf32, #tpu.memory_space<vmem>> -> memref<5120xf32, #tpu.memory_space<vmem>>
    %dma_start3A_976 = tpu.memref_slice %arg4[%add3A_973] : memref<3200000xf32, #tpu.memory_space<hbm>> -> memref<5120xf32, #tpu.memory_space<hbm>>
    %dma_start3A_977 = tpu.memref_slice %arg4[%add3A_973] : memref<3200000xf32, #tpu.memory_space<hbm>> -> memref<5120xf32, #tpu.memory_space<hbm>>
    %dma_start3A_978 = arith.constant 0 : i32
    %dma_start3A_979 = tpu.memref_slice %arg9[%dma_start3A_978] : memref<10240xf32, #tpu.memory_space<vmem>> -> memref<5120xf32, #tpu.memory_space<vmem>>
    tpu.enqueue_dma source(%dma_start3A_979 : memref<5120xf32, #tpu.memory_space<vmem>>) target(%dma_start3A_977 : memref<5120xf32, #tpu.memory_space<hbm>>) target_semaphore(%arg12 : memref<!tpu.dma_semaphore, #tpu.memory_space<semaphore_mem>>)
    %dma_wait3A_980 = arith.constant 0 : i32
    %dma_wait3A_981 = tpu.memref_slice %arg9[%dma_wait3A_980] : memref<10240xf32, #tpu.memory_space<vmem>> -> memref<5120xf32, #tpu.memory_space<vmem>>
    %dma_wait3A_982 = tpu.memref_slice %arg4[%add3A_973] : memref<3200000xf32, #tpu.memory_space<hbm>> -> memref<5120xf32, #tpu.memory_space<hbm>>
    %dma_wait3A_983 = tpu.memref_slice %arg4[%add3A_973] : memref<3200000xf32, #tpu.memory_space<hbm>> -> memref<5120xf32, #tpu.memory_space<hbm>>
    %dma_wait3A_984 = arith.constant 0 : i32
    %dma_wait3A_985 = tpu.memref_slice %arg9[%dma_wait3A_984] : memref<10240xf32, #tpu.memory_space<vmem>> -> memref<5120xf32, #tpu.memory_space<vmem>>
    tpu.wait_dma2 semaphore(%arg12 : memref<!tpu.dma_semaphore, #tpu.memory_space<semaphore_mem>>) src(%dma_wait3A_985 : memref<5120xf32, #tpu.memory_space<vmem>>) dst(%dma_wait3A_983 : memref<5120xf32, #tpu.memory_space<hbm>>)
    %mul3A_986 = arith.constant 100000 : i32
    %mul3A_987 = arith.muli %arg1, %mul3A_986 : i32
    %add3A_988 = arith.constant 61440 : i32
    %add3A_989 = arith.addi %mul3A_987, %add3A_988 : i32
    %dma_start3A_990 = arith.constant 0 : i32
    %dma_start3A_991 = tpu.memref_slice %arg9[%dma_start3A_990] : memref<10240xf32, #tpu.memory_space<vmem>> -> memref<5120xf32, #tpu.memory_space<vmem>>
    %dma_start3A_992 = tpu.memref_slice %arg10[%add3A_989] : memref<1638400xf32, #tpu.memory_space<vmem_shared>> -> memref<5120xf32, #tpu.memory_space<vmem_shared>>
    %dma_start3A_993 = arith.constant 0 : i32
    %dma_start3A_994 = tpu.memref_slice %arg9[%dma_start3A_993] : memref<10240xf32, #tpu.memory_space<vmem>> -> memref<5120xf32, #tpu.memory_space<vmem>>
    %dma_start3A_995 = tpu.memref_slice %arg10[%add3A_989] : memref<1638400xf32, #tpu.memory_space<vmem_shared>> -> memref<5120xf32, #tpu.memory_space<vmem_shared>>
    tpu.enqueue_dma source(%dma_start3A_995 : memref<5120xf32, #tpu.memory_space<vmem_shared>>) target(%dma_start3A_994 : memref<5120xf32, #tpu.memory_space<vmem>>) target_semaphore(%arg11 : memref<!tpu.dma_semaphore, #tpu.memory_space<semaphore_mem>>)
    %dma_wait3A_996 = arith.constant 5120 : i32
    %dma_wait3A_997 = tpu.memref_slice %arg9[%dma_wait3A_996] : memref<10240xf32, #tpu.memory_space<vmem>> -> memref<5120xf32, #tpu.memory_space<vmem>>
    %dma_wait3A_998 = tpu.memref_slice %arg10[%add3A_954] : memref<1638400xf32, #tpu.memory_space<vmem_shared>> -> memref<5120xf32, #tpu.memory_space<vmem_shared>>
    %dma_wait3A_999 = arith.constant 5120 : i32
    %dma_wait3A_1000 = tpu.memref_slice %arg9[%dma_wait3A_999] : memref<10240xf32, #tpu.memory_space<vmem>> -> memref<5120xf32, #tpu.memory_space<vmem>>
    %dma_wait3A_1001 = tpu.memref_slice %arg10[%add3A_954] : memref<1638400xf32, #tpu.memory_space<vmem_shared>> -> memref<5120xf32, #tpu.memory_space<vmem_shared>>
    tpu.wait_dma2 semaphore(%arg11 : memref<!tpu.dma_semaphore, #tpu.memory_space<semaphore_mem>>) src(%dma_wait3A_1001 : memref<5120xf32, #tpu.memory_space<vmem_shared>>) dst(%dma_wait3A_1000 : memref<5120xf32, #tpu.memory_space<vmem>>)
    %mul3A_1002 = arith.constant 1600000 : i32
    %mul3A_1003 = arith.muli %arg0, %mul3A_1002 : i32
    %mul3A_1004 = arith.constant 100000 : i32
    %mul3A_1005 = arith.muli %arg1, %mul3A_1004 : i32
    %add3A_1006 = arith.addi %mul3A_1003, %mul3A_1005 : i32
    %add3A_1007 = arith.constant 56320 : i32
    %add3A_1008 = arith.addi %add3A_1006, %add3A_1007 : i32
    %dma_start3A_1009 = arith.constant 5120 : i32
    %dma_start3A_1010 = tpu.memref_slice %arg9[%dma_start3A_1009] : memref<10240xf32, #tpu.memory_space<vmem>> -> memref<5120xf32, #tpu.memory_space<vmem>>
    %dma_start3A_1011 = tpu.memref_slice %arg4[%add3A_1008] : memref<3200000xf32, #tpu.memory_space<hbm>> -> memref<5120xf32, #tpu.memory_space<hbm>>
    %dma_start3A_1012 = tpu.memref_slice %arg4[%add3A_1008] : memref<3200000xf32, #tpu.memory_space<hbm>> -> memref<5120xf32, #tpu.memory_space<hbm>>
    %dma_start3A_1013 = arith.constant 5120 : i32
    %dma_start3A_1014 = tpu.memref_slice %arg9[%dma_start3A_1013] : memref<10240xf32, #tpu.memory_space<vmem>> -> memref<5120xf32, #tpu.memory_space<vmem>>
    tpu.enqueue_dma source(%dma_start3A_1014 : memref<5120xf32, #tpu.memory_space<vmem>>) target(%dma_start3A_1012 : memref<5120xf32, #tpu.memory_space<hbm>>) target_semaphore(%arg13 : memref<!tpu.dma_semaphore, #tpu.memory_space<semaphore_mem>>)
    %dma_wait3A_1015 = arith.constant 5120 : i32
    %dma_wait3A_1016 = tpu.memref_slice %arg9[%dma_wait3A_1015] : memref<10240xf32, #tpu.memory_space<vmem>> -> memref<5120xf32, #tpu.memory_space<vmem>>
    %dma_wait3A_1017 = tpu.memref_slice %arg4[%add3A_1008] : memref<3200000xf32, #tpu.memory_space<hbm>> -> memref<5120xf32, #tpu.memory_space<hbm>>
    %dma_wait3A_1018 = tpu.memref_slice %arg4[%add3A_1008] : memref<3200000xf32, #tpu.memory_space<hbm>> -> memref<5120xf32, #tpu.memory_space<hbm>>
    %dma_wait3A_1019 = arith.constant 5120 : i32
    %dma_wait3A_1020 = tpu.memref_slice %arg9[%dma_wait3A_1019] : memref<10240xf32, #tpu.memory_space<vmem>> -> memref<5120xf32, #tpu.memory_space<vmem>>
    tpu.wait_dma2 semaphore(%arg13 : memref<!tpu.dma_semaphore, #tpu.memory_space<semaphore_mem>>) src(%dma_wait3A_1020 : memref<5120xf32, #tpu.memory_space<vmem>>) dst(%dma_wait3A_1018 : memref<5120xf32, #tpu.memory_space<hbm>>)
    %mul3A_1021 = arith.constant 100000 : i32
    %mul3A_1022 = arith.muli %arg1, %mul3A_1021 : i32
    %add3A_1023 = arith.constant 66560 : i32
    %add3A_1024 = arith.addi %mul3A_1022, %add3A_1023 : i32
    %dma_start3A_1025 = arith.constant 5120 : i32
    %dma_start3A_1026 = tpu.memref_slice %arg9[%dma_start3A_1025] : memref<10240xf32, #tpu.memory_space<vmem>> -> memref<5120xf32, #tpu.memory_space<vmem>>
    %dma_start3A_1027 = tpu.memref_slice %arg10[%add3A_1024] : memref<1638400xf32, #tpu.memory_space<vmem_shared>> -> memref<5120xf32, #tpu.memory_space<vmem_shared>>
    %dma_start3A_1028 = arith.constant 5120 : i32
    %dma_start3A_1029 = tpu.memref_slice %arg9[%dma_start3A_1028] : memref<10240xf32, #tpu.memory_space<vmem>> -> memref<5120xf32, #tpu.memory_space<vmem>>
    %dma_start3A_1030 = tpu.memref_slice %arg10[%add3A_1024] : memref<1638400xf32, #tpu.memory_space<vmem_shared>> -> memref<5120xf32, #tpu.memory_space<vmem_shared>>
    tpu.enqueue_dma source(%dma_start3A_1030 : memref<5120xf32, #tpu.memory_space<vmem_shared>>) target(%dma_start3A_1029 : memref<5120xf32, #tpu.memory_space<vmem>>) target_semaphore(%arg11 : memref<!tpu.dma_semaphore, #tpu.memory_space<semaphore_mem>>)
    %dma_wait3A_1031 = arith.constant 0 : i32
    %dma_wait3A_1032 = tpu.memref_slice %arg9[%dma_wait3A_1031] : memref<10240xf32, #tpu.memory_space<vmem>> -> memref<5120xf32, #tpu.memory_space<vmem>>
    %dma_wait3A_1033 = tpu.memref_slice %arg10[%add3A_989] : memref<1638400xf32, #tpu.memory_space<vmem_shared>> -> memref<5120xf32, #tpu.memory_space<vmem_shared>>
    %dma_wait3A_1034 = arith.constant 0 : i32
    %dma_wait3A_1035 = tpu.memref_slice %arg9[%dma_wait3A_1034] : memref<10240xf32, #tpu.memory_space<vmem>> -> memref<5120xf32, #tpu.memory_space<vmem>>
    %dma_wait3A_1036 = tpu.memref_slice %arg10[%add3A_989] : memref<1638400xf32, #tpu.memory_space<vmem_shared>> -> memref<5120xf32, #tpu.memory_space<vmem_shared>>
    tpu.wait_dma2 semaphore(%arg11 : memref<!tpu.dma_semaphore, #tpu.memory_space<semaphore_mem>>) src(%dma_wait3A_1036 : memref<5120xf32, #tpu.memory_space<vmem_shared>>) dst(%dma_wait3A_1035 : memref<5120xf32, #tpu.memory_space<vmem>>)
    %mul3A_1037 = arith.constant 1600000 : i32
    %mul3A_1038 = arith.muli %arg0, %mul3A_1037 : i32
    %mul3A_1039 = arith.constant 100000 : i32
    %mul3A_1040 = arith.muli %arg1, %mul3A_1039 : i32
    %add3A_1041 = arith.addi %mul3A_1038, %mul3A_1040 : i32
    %add3A_1042 = arith.constant 61440 : i32
    %add3A_1043 = arith.addi %add3A_1041, %add3A_1042 : i32
    %dma_start3A_1044 = arith.constant 0 : i32
    %dma_start3A_1045 = tpu.memref_slice %arg9[%dma_start3A_1044] : memref<10240xf32, #tpu.memory_space<vmem>> -> memref<5120xf32, #tpu.memory_space<vmem>>
    %dma_start3A_1046 = tpu.memref_slice %arg4[%add3A_1043] : memref<3200000xf32, #tpu.memory_space<hbm>> -> memref<5120xf32, #tpu.memory_space<hbm>>
    %dma_start3A_1047 = tpu.memref_slice %arg4[%add3A_1043] : memref<3200000xf32, #tpu.memory_space<hbm>> -> memref<5120xf32, #tpu.memory_space<hbm>>
    %dma_start3A_1048 = arith.constant 0 : i32
    %dma_start3A_1049 = tpu.memref_slice %arg9[%dma_start3A_1048] : memref<10240xf32, #tpu.memory_space<vmem>> -> memref<5120xf32, #tpu.memory_space<vmem>>
    tpu.enqueue_dma source(%dma_start3A_1049 : memref<5120xf32, #tpu.memory_space<vmem>>) target(%dma_start3A_1047 : memref<5120xf32, #tpu.memory_space<hbm>>) target_semaphore(%arg12 : memref<!tpu.dma_semaphore, #tpu.memory_space<semaphore_mem>>)
    %dma_wait3A_1050 = arith.constant 0 : i32
    %dma_wait3A_1051 = tpu.memref_slice %arg9[%dma_wait3A_1050] : memref<10240xf32, #tpu.memory_space<vmem>> -> memref<5120xf32, #tpu.memory_space<vmem>>
    %dma_wait3A_1052 = tpu.memref_slice %arg4[%add3A_1043] : memref<3200000xf32, #tpu.memory_space<hbm>> -> memref<5120xf32, #tpu.memory_space<hbm>>
    %dma_wait3A_1053 = tpu.memref_slice %arg4[%add3A_1043] : memref<3200000xf32, #tpu.memory_space<hbm>> -> memref<5120xf32, #tpu.memory_space<hbm>>
    %dma_wait3A_1054 = arith.constant 0 : i32
    %dma_wait3A_1055 = tpu.memref_slice %arg9[%dma_wait3A_1054] : memref<10240xf32, #tpu.memory_space<vmem>> -> memref<5120xf32, #tpu.memory_space<vmem>>
    tpu.wait_dma2 semaphore(%arg12 : memref<!tpu.dma_semaphore, #tpu.memory_space<semaphore_mem>>) src(%dma_wait3A_1055 : memref<5120xf32, #tpu.memory_space<vmem>>) dst(%dma_wait3A_1053 : memref<5120xf32, #tpu.memory_space<hbm>>)
    %mul3A_1056 = arith.constant 100000 : i32
    %mul3A_1057 = arith.muli %arg1, %mul3A_1056 : i32
    %add3A_1058 = arith.constant 71680 : i32
    %add3A_1059 = arith.addi %mul3A_1057, %add3A_1058 : i32
    %dma_start3A_1060 = arith.constant 0 : i32
    %dma_start3A_1061 = tpu.memref_slice %arg9[%dma_start3A_1060] : memref<10240xf32, #tpu.memory_space<vmem>> -> memref<5120xf32, #tpu.memory_space<vmem>>
    %dma_start3A_1062 = tpu.memref_slice %arg10[%add3A_1059] : memref<1638400xf32, #tpu.memory_space<vmem_shared>> -> memref<5120xf32, #tpu.memory_space<vmem_shared>>
    %dma_start3A_1063 = arith.constant 0 : i32
    %dma_start3A_1064 = tpu.memref_slice %arg9[%dma_start3A_1063] : memref<10240xf32, #tpu.memory_space<vmem>> -> memref<5120xf32, #tpu.memory_space<vmem>>
    %dma_start3A_1065 = tpu.memref_slice %arg10[%add3A_1059] : memref<1638400xf32, #tpu.memory_space<vmem_shared>> -> memref<5120xf32, #tpu.memory_space<vmem_shared>>
    tpu.enqueue_dma source(%dma_start3A_1065 : memref<5120xf32, #tpu.memory_space<vmem_shared>>) target(%dma_start3A_1064 : memref<5120xf32, #tpu.memory_space<vmem>>) target_semaphore(%arg11 : memref<!tpu.dma_semaphore, #tpu.memory_space<semaphore_mem>>)
    %dma_wait3A_1066 = arith.constant 5120 : i32
    %dma_wait3A_1067 = tpu.memref_slice %arg9[%dma_wait3A_1066] : memref<10240xf32, #tpu.memory_space<vmem>> -> memref<5120xf32, #tpu.memory_space<vmem>>
    %dma_wait3A_1068 = tpu.memref_slice %arg10[%add3A_1024] : memref<1638400xf32, #tpu.memory_space<vmem_shared>> -> memref<5120xf32, #tpu.memory_space<vmem_shared>>
    %dma_wait3A_1069 = arith.constant 5120 : i32
    %dma_wait3A_1070 = tpu.memref_slice %arg9[%dma_wait3A_1069] : memref<10240xf32, #tpu.memory_space<vmem>> -> memref<5120xf32, #tpu.memory_space<vmem>>
    %dma_wait3A_1071 = tpu.memref_slice %arg10[%add3A_1024] : memref<1638400xf32, #tpu.memory_space<vmem_shared>> -> memref<5120xf32, #tpu.memory_space<vmem_shared>>
    tpu.wait_dma2 semaphore(%arg11 : memref<!tpu.dma_semaphore, #tpu.memory_space<semaphore_mem>>) src(%dma_wait3A_1071 : memref<5120xf32, #tpu.memory_space<vmem_shared>>) dst(%dma_wait3A_1070 : memref<5120xf32, #tpu.memory_space<vmem>>)
    %mul3A_1072 = arith.constant 1600000 : i32
    %mul3A_1073 = arith.muli %arg0, %mul3A_1072 : i32
    %mul3A_1074 = arith.constant 100000 : i32
    %mul3A_1075 = arith.muli %arg1, %mul3A_1074 : i32
    %add3A_1076 = arith.addi %mul3A_1073, %mul3A_1075 : i32
    %add3A_1077 = arith.constant 66560 : i32
    %add3A_1078 = arith.addi %add3A_1076, %add3A_1077 : i32
    %dma_start3A_1079 = arith.constant 5120 : i32
    %dma_start3A_1080 = tpu.memref_slice %arg9[%dma_start3A_1079] : memref<10240xf32, #tpu.memory_space<vmem>> -> memref<5120xf32, #tpu.memory_space<vmem>>
    %dma_start3A_1081 = tpu.memref_slice %arg4[%add3A_1078] : memref<3200000xf32, #tpu.memory_space<hbm>> -> memref<5120xf32, #tpu.memory_space<hbm>>
    %dma_start3A_1082 = tpu.memref_slice %arg4[%add3A_1078] : memref<3200000xf32, #tpu.memory_space<hbm>> -> memref<5120xf32, #tpu.memory_space<hbm>>
    %dma_start3A_1083 = arith.constant 5120 : i32
    %dma_start3A_1084 = tpu.memref_slice %arg9[%dma_start3A_1083] : memref<10240xf32, #tpu.memory_space<vmem>> -> memref<5120xf32, #tpu.memory_space<vmem>>
    tpu.enqueue_dma source(%dma_start3A_1084 : memref<5120xf32, #tpu.memory_space<vmem>>) target(%dma_start3A_1082 : memref<5120xf32, #tpu.memory_space<hbm>>) target_semaphore(%arg13 : memref<!tpu.dma_semaphore, #tpu.memory_space<semaphore_mem>>)
    %dma_wait3A_1085 = arith.constant 5120 : i32
    %dma_wait3A_1086 = tpu.memref_slice %arg9[%dma_wait3A_1085] : memref<10240xf32, #tpu.memory_space<vmem>> -> memref<5120xf32, #tpu.memory_space<vmem>>
    %dma_wait3A_1087 = tpu.memref_slice %arg4[%add3A_1078] : memref<3200000xf32, #tpu.memory_space<hbm>> -> memref<5120xf32, #tpu.memory_space<hbm>>
    %dma_wait3A_1088 = tpu.memref_slice %arg4[%add3A_1078] : memref<3200000xf32, #tpu.memory_space<hbm>> -> memref<5120xf32, #tpu.memory_space<hbm>>
    %dma_wait3A_1089 = arith.constant 5120 : i32
    %dma_wait3A_1090 = tpu.memref_slice %arg9[%dma_wait3A_1089] : memref<10240xf32, #tpu.memory_space<vmem>> -> memref<5120xf32, #tpu.memory_space<vmem>>
    tpu.wait_dma2 semaphore(%arg13 : memref<!tpu.dma_semaphore, #tpu.memory_space<semaphore_mem>>) src(%dma_wait3A_1090 : memref<5120xf32, #tpu.memory_space<vmem>>) dst(%dma_wait3A_1088 : memref<5120xf32, #tpu.memory_space<hbm>>)
    %mul3A_1091 = arith.constant 100000 : i32
    %mul3A_1092 = arith.muli %arg1, %mul3A_1091 : i32
    %add3A_1093 = arith.constant 76800 : i32
    %add3A_1094 = arith.addi %mul3A_1092, %add3A_1093 : i32
    %dma_start3A_1095 = arith.constant 5120 : i32
    %dma_start3A_1096 = tpu.memref_slice %arg9[%dma_start3A_1095] : memref<10240xf32, #tpu.memory_space<vmem>> -> memref<5120xf32, #tpu.memory_space<vmem>>
    %dma_start3A_1097 = tpu.memref_slice %arg10[%add3A_1094] : memref<1638400xf32, #tpu.memory_space<vmem_shared>> -> memref<5120xf32, #tpu.memory_space<vmem_shared>>
    %dma_start3A_1098 = arith.constant 5120 : i32
    %dma_start3A_1099 = tpu.memref_slice %arg9[%dma_start3A_1098] : memref<10240xf32, #tpu.memory_space<vmem>> -> memref<5120xf32, #tpu.memory_space<vmem>>
    %dma_start3A_1100 = tpu.memref_slice %arg10[%add3A_1094] : memref<1638400xf32, #tpu.memory_space<vmem_shared>> -> memref<5120xf32, #tpu.memory_space<vmem_shared>>
    tpu.enqueue_dma source(%dma_start3A_1100 : memref<5120xf32, #tpu.memory_space<vmem_shared>>) target(%dma_start3A_1099 : memref<5120xf32, #tpu.memory_space<vmem>>) target_semaphore(%arg11 : memref<!tpu.dma_semaphore, #tpu.memory_space<semaphore_mem>>)
    %dma_wait3A_1101 = arith.constant 0 : i32
    %dma_wait3A_1102 = tpu.memref_slice %arg9[%dma_wait3A_1101] : memref<10240xf32, #tpu.memory_space<vmem>> -> memref<5120xf32, #tpu.memory_space<vmem>>
    %dma_wait3A_1103 = tpu.memref_slice %arg10[%add3A_1059] : memref<1638400xf32, #tpu.memory_space<vmem_shared>> -> memref<5120xf32, #tpu.memory_space<vmem_shared>>
    %dma_wait3A_1104 = arith.constant 0 : i32
    %dma_wait3A_1105 = tpu.memref_slice %arg9[%dma_wait3A_1104] : memref<10240xf32, #tpu.memory_space<vmem>> -> memref<5120xf32, #tpu.memory_space<vmem>>
    %dma_wait3A_1106 = tpu.memref_slice %arg10[%add3A_1059] : memref<1638400xf32, #tpu.memory_space<vmem_shared>> -> memref<5120xf32, #tpu.memory_space<vmem_shared>>
    tpu.wait_dma2 semaphore(%arg11 : memref<!tpu.dma_semaphore, #tpu.memory_space<semaphore_mem>>) src(%dma_wait3A_1106 : memref<5120xf32, #tpu.memory_space<vmem_shared>>) dst(%dma_wait3A_1105 : memref<5120xf32, #tpu.memory_space<vmem>>)
    %mul3A_1107 = arith.constant 1600000 : i32
    %mul3A_1108 = arith.muli %arg0, %mul3A_1107 : i32
    %mul3A_1109 = arith.constant 100000 : i32
    %mul3A_1110 = arith.muli %arg1, %mul3A_1109 : i32
    %add3A_1111 = arith.addi %mul3A_1108, %mul3A_1110 : i32
    %add3A_1112 = arith.constant 71680 : i32
    %add3A_1113 = arith.addi %add3A_1111, %add3A_1112 : i32
    %dma_start3A_1114 = arith.constant 0 : i32
    %dma_start3A_1115 = tpu.memref_slice %arg9[%dma_start3A_1114] : memref<10240xf32, #tpu.memory_space<vmem>> -> memref<5120xf32, #tpu.memory_space<vmem>>
    %dma_start3A_1116 = tpu.memref_slice %arg4[%add3A_1113] : memref<3200000xf32, #tpu.memory_space<hbm>> -> memref<5120xf32, #tpu.memory_space<hbm>>
    %dma_start3A_1117 = tpu.memref_slice %arg4[%add3A_1113] : memref<3200000xf32, #tpu.memory_space<hbm>> -> memref<5120xf32, #tpu.memory_space<hbm>>
    %dma_start3A_1118 = arith.constant 0 : i32
    %dma_start3A_1119 = tpu.memref_slice %arg9[%dma_start3A_1118] : memref<10240xf32, #tpu.memory_space<vmem>> -> memref<5120xf32, #tpu.memory_space<vmem>>
    tpu.enqueue_dma source(%dma_start3A_1119 : memref<5120xf32, #tpu.memory_space<vmem>>) target(%dma_start3A_1117 : memref<5120xf32, #tpu.memory_space<hbm>>) target_semaphore(%arg12 : memref<!tpu.dma_semaphore, #tpu.memory_space<semaphore_mem>>)
    %dma_wait3A_1120 = arith.constant 0 : i32
    %dma_wait3A_1121 = tpu.memref_slice %arg9[%dma_wait3A_1120] : memref<10240xf32, #tpu.memory_space<vmem>> -> memref<5120xf32, #tpu.memory_space<vmem>>
    %dma_wait3A_1122 = tpu.memref_slice %arg4[%add3A_1113] : memref<3200000xf32, #tpu.memory_space<hbm>> -> memref<5120xf32, #tpu.memory_space<hbm>>
    %dma_wait3A_1123 = tpu.memref_slice %arg4[%add3A_1113] : memref<3200000xf32, #tpu.memory_space<hbm>> -> memref<5120xf32, #tpu.memory_space<hbm>>
    %dma_wait3A_1124 = arith.constant 0 : i32
    %dma_wait3A_1125 = tpu.memref_slice %arg9[%dma_wait3A_1124] : memref<10240xf32, #tpu.memory_space<vmem>> -> memref<5120xf32, #tpu.memory_space<vmem>>
    tpu.wait_dma2 semaphore(%arg12 : memref<!tpu.dma_semaphore, #tpu.memory_space<semaphore_mem>>) src(%dma_wait3A_1125 : memref<5120xf32, #tpu.memory_space<vmem>>) dst(%dma_wait3A_1123 : memref<5120xf32, #tpu.memory_space<hbm>>)
    %mul3A_1126 = arith.constant 100000 : i32
    %mul3A_1127 = arith.muli %arg1, %mul3A_1126 : i32
    %add3A_1128 = arith.constant 81920 : i32
    %add3A_1129 = arith.addi %mul3A_1127, %add3A_1128 : i32
    %dma_start3A_1130 = arith.constant 0 : i32
    %dma_start3A_1131 = tpu.memref_slice %arg9[%dma_start3A_1130] : memref<10240xf32, #tpu.memory_space<vmem>> -> memref<5120xf32, #tpu.memory_space<vmem>>
    %dma_start3A_1132 = tpu.memref_slice %arg10[%add3A_1129] : memref<1638400xf32, #tpu.memory_space<vmem_shared>> -> memref<5120xf32, #tpu.memory_space<vmem_shared>>
    %dma_start3A_1133 = arith.constant 0 : i32
    %dma_start3A_1134 = tpu.memref_slice %arg9[%dma_start3A_1133] : memref<10240xf32, #tpu.memory_space<vmem>> -> memref<5120xf32, #tpu.memory_space<vmem>>
    %dma_start3A_1135 = tpu.memref_slice %arg10[%add3A_1129] : memref<1638400xf32, #tpu.memory_space<vmem_shared>> -> memref<5120xf32, #tpu.memory_space<vmem_shared>>
    tpu.enqueue_dma source(%dma_start3A_1135 : memref<5120xf32, #tpu.memory_space<vmem_shared>>) target(%dma_start3A_1134 : memref<5120xf32, #tpu.memory_space<vmem>>) target_semaphore(%arg11 : memref<!tpu.dma_semaphore, #tpu.memory_space<semaphore_mem>>)
    %dma_wait3A_1136 = arith.constant 5120 : i32
    %dma_wait3A_1137 = tpu.memref_slice %arg9[%dma_wait3A_1136] : memref<10240xf32, #tpu.memory_space<vmem>> -> memref<5120xf32, #tpu.memory_space<vmem>>
    %dma_wait3A_1138 = tpu.memref_slice %arg10[%add3A_1094] : memref<1638400xf32, #tpu.memory_space<vmem_shared>> -> memref<5120xf32, #tpu.memory_space<vmem_shared>>
    %dma_wait3A_1139 = arith.constant 5120 : i32
    %dma_wait3A_1140 = tpu.memref_slice %arg9[%dma_wait3A_1139] : memref<10240xf32, #tpu.memory_space<vmem>> -> memref<5120xf32, #tpu.memory_space<vmem>>
    %dma_wait3A_1141 = tpu.memref_slice %arg10[%add3A_1094] : memref<1638400xf32, #tpu.memory_space<vmem_shared>> -> memref<5120xf32, #tpu.memory_space<vmem_shared>>
    tpu.wait_dma2 semaphore(%arg11 : memref<!tpu.dma_semaphore, #tpu.memory_space<semaphore_mem>>) src(%dma_wait3A_1141 : memref<5120xf32, #tpu.memory_space<vmem_shared>>) dst(%dma_wait3A_1140 : memref<5120xf32, #tpu.memory_space<vmem>>)
    %mul3A_1142 = arith.constant 1600000 : i32
    %mul3A_1143 = arith.muli %arg0, %mul3A_1142 : i32
    %mul3A_1144 = arith.constant 100000 : i32
    %mul3A_1145 = arith.muli %arg1, %mul3A_1144 : i32
    %add3A_1146 = arith.addi %mul3A_1143, %mul3A_1145 : i32
    %add3A_1147 = arith.constant 76800 : i32
    %add3A_1148 = arith.addi %add3A_1146, %add3A_1147 : i32
    %dma_start3A_1149 = arith.constant 5120 : i32
    %dma_start3A_1150 = tpu.memref_slice %arg9[%dma_start3A_1149] : memref<10240xf32, #tpu.memory_space<vmem>> -> memref<5120xf32, #tpu.memory_space<vmem>>
    %dma_start3A_1151 = tpu.memref_slice %arg4[%add3A_1148] : memref<3200000xf32, #tpu.memory_space<hbm>> -> memref<5120xf32, #tpu.memory_space<hbm>>
    %dma_start3A_1152 = tpu.memref_slice %arg4[%add3A_1148] : memref<3200000xf32, #tpu.memory_space<hbm>> -> memref<5120xf32, #tpu.memory_space<hbm>>
    %dma_start3A_1153 = arith.constant 5120 : i32
    %dma_start3A_1154 = tpu.memref_slice %arg9[%dma_start3A_1153] : memref<10240xf32, #tpu.memory_space<vmem>> -> memref<5120xf32, #tpu.memory_space<vmem>>
    tpu.enqueue_dma source(%dma_start3A_1154 : memref<5120xf32, #tpu.memory_space<vmem>>) target(%dma_start3A_1152 : memref<5120xf32, #tpu.memory_space<hbm>>) target_semaphore(%arg13 : memref<!tpu.dma_semaphore, #tpu.memory_space<semaphore_mem>>)
    %dma_wait3A_1155 = arith.constant 5120 : i32
    %dma_wait3A_1156 = tpu.memref_slice %arg9[%dma_wait3A_1155] : memref<10240xf32, #tpu.memory_space<vmem>> -> memref<5120xf32, #tpu.memory_space<vmem>>
    %dma_wait3A_1157 = tpu.memref_slice %arg4[%add3A_1148] : memref<3200000xf32, #tpu.memory_space<hbm>> -> memref<5120xf32, #tpu.memory_space<hbm>>
    %dma_wait3A_1158 = tpu.memref_slice %arg4[%add3A_1148] : memref<3200000xf32, #tpu.memory_space<hbm>> -> memref<5120xf32, #tpu.memory_space<hbm>>
    %dma_wait3A_1159 = arith.constant 5120 : i32
    %dma_wait3A_1160 = tpu.memref_slice %arg9[%dma_wait3A_1159] : memref<10240xf32, #tpu.memory_space<vmem>> -> memref<5120xf32, #tpu.memory_space<vmem>>
    tpu.wait_dma2 semaphore(%arg13 : memref<!tpu.dma_semaphore, #tpu.memory_space<semaphore_mem>>) src(%dma_wait3A_1160 : memref<5120xf32, #tpu.memory_space<vmem>>) dst(%dma_wait3A_1158 : memref<5120xf32, #tpu.memory_space<hbm>>)
    %mul3A_1161 = arith.constant 100000 : i32
    %mul3A_1162 = arith.muli %arg1, %mul3A_1161 : i32
    %add3A_1163 = arith.constant 87040 : i32
    %add3A_1164 = arith.addi %mul3A_1162, %add3A_1163 : i32
    %dma_start3A_1165 = arith.constant 5120 : i32
    %dma_start3A_1166 = tpu.memref_slice %arg9[%dma_start3A_1165] : memref<10240xf32, #tpu.memory_space<vmem>> -> memref<5120xf32, #tpu.memory_space<vmem>>
    %dma_start3A_1167 = tpu.memref_slice %arg10[%add3A_1164] : memref<1638400xf32, #tpu.memory_space<vmem_shared>> -> memref<5120xf32, #tpu.memory_space<vmem_shared>>
    %dma_start3A_1168 = arith.constant 5120 : i32
    %dma_start3A_1169 = tpu.memref_slice %arg9[%dma_start3A_1168] : memref<10240xf32, #tpu.memory_space<vmem>> -> memref<5120xf32, #tpu.memory_space<vmem>>
    %dma_start3A_1170 = tpu.memref_slice %arg10[%add3A_1164] : memref<1638400xf32, #tpu.memory_space<vmem_shared>> -> memref<5120xf32, #tpu.memory_space<vmem_shared>>
    tpu.enqueue_dma source(%dma_start3A_1170 : memref<5120xf32, #tpu.memory_space<vmem_shared>>) target(%dma_start3A_1169 : memref<5120xf32, #tpu.memory_space<vmem>>) target_semaphore(%arg11 : memref<!tpu.dma_semaphore, #tpu.memory_space<semaphore_mem>>)
    %dma_wait3A_1171 = arith.constant 0 : i32
    %dma_wait3A_1172 = tpu.memref_slice %arg9[%dma_wait3A_1171] : memref<10240xf32, #tpu.memory_space<vmem>> -> memref<5120xf32, #tpu.memory_space<vmem>>
    %dma_wait3A_1173 = tpu.memref_slice %arg10[%add3A_1129] : memref<1638400xf32, #tpu.memory_space<vmem_shared>> -> memref<5120xf32, #tpu.memory_space<vmem_shared>>
    %dma_wait3A_1174 = arith.constant 0 : i32
    %dma_wait3A_1175 = tpu.memref_slice %arg9[%dma_wait3A_1174] : memref<10240xf32, #tpu.memory_space<vmem>> -> memref<5120xf32, #tpu.memory_space<vmem>>
    %dma_wait3A_1176 = tpu.memref_slice %arg10[%add3A_1129] : memref<1638400xf32, #tpu.memory_space<vmem_shared>> -> memref<5120xf32, #tpu.memory_space<vmem_shared>>
    tpu.wait_dma2 semaphore(%arg11 : memref<!tpu.dma_semaphore, #tpu.memory_space<semaphore_mem>>) src(%dma_wait3A_1176 : memref<5120xf32, #tpu.memory_space<vmem_shared>>) dst(%dma_wait3A_1175 : memref<5120xf32, #tpu.memory_space<vmem>>)
    %mul3A_1177 = arith.constant 1600000 : i32
    %mul3A_1178 = arith.muli %arg0, %mul3A_1177 : i32
    %mul3A_1179 = arith.constant 100000 : i32
    %mul3A_1180 = arith.muli %arg1, %mul3A_1179 : i32
    %add3A_1181 = arith.addi %mul3A_1178, %mul3A_1180 : i32
    %add3A_1182 = arith.constant 81920 : i32
    %add3A_1183 = arith.addi %add3A_1181, %add3A_1182 : i32
    %dma_start3A_1184 = arith.constant 0 : i32
    %dma_start3A_1185 = tpu.memref_slice %arg9[%dma_start3A_1184] : memref<10240xf32, #tpu.memory_space<vmem>> -> memref<5120xf32, #tpu.memory_space<vmem>>
    %dma_start3A_1186 = tpu.memref_slice %arg4[%add3A_1183] : memref<3200000xf32, #tpu.memory_space<hbm>> -> memref<5120xf32, #tpu.memory_space<hbm>>
    %dma_start3A_1187 = tpu.memref_slice %arg4[%add3A_1183] : memref<3200000xf32, #tpu.memory_space<hbm>> -> memref<5120xf32, #tpu.memory_space<hbm>>
    %dma_start3A_1188 = arith.constant 0 : i32
    %dma_start3A_1189 = tpu.memref_slice %arg9[%dma_start3A_1188] : memref<10240xf32, #tpu.memory_space<vmem>> -> memref<5120xf32, #tpu.memory_space<vmem>>
    tpu.enqueue_dma source(%dma_start3A_1189 : memref<5120xf32, #tpu.memory_space<vmem>>) target(%dma_start3A_1187 : memref<5120xf32, #tpu.memory_space<hbm>>) target_semaphore(%arg12 : memref<!tpu.dma_semaphore, #tpu.memory_space<semaphore_mem>>)
    %dma_wait3A_1190 = arith.constant 0 : i32
    %dma_wait3A_1191 = tpu.memref_slice %arg9[%dma_wait3A_1190] : memref<10240xf32, #tpu.memory_space<vmem>> -> memref<5120xf32, #tpu.memory_space<vmem>>
    %dma_wait3A_1192 = tpu.memref_slice %arg4[%add3A_1183] : memref<3200000xf32, #tpu.memory_space<hbm>> -> memref<5120xf32, #tpu.memory_space<hbm>>
    %dma_wait3A_1193 = tpu.memref_slice %arg4[%add3A_1183] : memref<3200000xf32, #tpu.memory_space<hbm>> -> memref<5120xf32, #tpu.memory_space<hbm>>
    %dma_wait3A_1194 = arith.constant 0 : i32
    %dma_wait3A_1195 = tpu.memref_slice %arg9[%dma_wait3A_1194] : memref<10240xf32, #tpu.memory_space<vmem>> -> memref<5120xf32, #tpu.memory_space<vmem>>
    tpu.wait_dma2 semaphore(%arg12 : memref<!tpu.dma_semaphore, #tpu.memory_space<semaphore_mem>>) src(%dma_wait3A_1195 : memref<5120xf32, #tpu.memory_space<vmem>>) dst(%dma_wait3A_1193 : memref<5120xf32, #tpu.memory_space<hbm>>)
    %mul3A_1196 = arith.constant 100000 : i32
    %mul3A_1197 = arith.muli %arg1, %mul3A_1196 : i32
    %add3A_1198 = arith.constant 92160 : i32
    %add3A_1199 = arith.addi %mul3A_1197, %add3A_1198 : i32
    %dma_start3A_1200 = arith.constant 0 : i32
    %dma_start3A_1201 = tpu.memref_slice %arg9[%dma_start3A_1200] : memref<10240xf32, #tpu.memory_space<vmem>> -> memref<5120xf32, #tpu.memory_space<vmem>>
    %dma_start3A_1202 = tpu.memref_slice %arg10[%add3A_1199] : memref<1638400xf32, #tpu.memory_space<vmem_shared>> -> memref<5120xf32, #tpu.memory_space<vmem_shared>>
    %dma_start3A_1203 = arith.constant 0 : i32
    %dma_start3A_1204 = tpu.memref_slice %arg9[%dma_start3A_1203] : memref<10240xf32, #tpu.memory_space<vmem>> -> memref<5120xf32, #tpu.memory_space<vmem>>
    %dma_start3A_1205 = tpu.memref_slice %arg10[%add3A_1199] : memref<1638400xf32, #tpu.memory_space<vmem_shared>> -> memref<5120xf32, #tpu.memory_space<vmem_shared>>
    tpu.enqueue_dma source(%dma_start3A_1205 : memref<5120xf32, #tpu.memory_space<vmem_shared>>) target(%dma_start3A_1204 : memref<5120xf32, #tpu.memory_space<vmem>>) target_semaphore(%arg11 : memref<!tpu.dma_semaphore, #tpu.memory_space<semaphore_mem>>)
    %dma_wait3A_1206 = arith.constant 5120 : i32
    %dma_wait3A_1207 = tpu.memref_slice %arg9[%dma_wait3A_1206] : memref<10240xf32, #tpu.memory_space<vmem>> -> memref<5120xf32, #tpu.memory_space<vmem>>
    %dma_wait3A_1208 = tpu.memref_slice %arg10[%add3A_1164] : memref<1638400xf32, #tpu.memory_space<vmem_shared>> -> memref<5120xf32, #tpu.memory_space<vmem_shared>>
    %dma_wait3A_1209 = arith.constant 5120 : i32
    %dma_wait3A_1210 = tpu.memref_slice %arg9[%dma_wait3A_1209] : memref<10240xf32, #tpu.memory_space<vmem>> -> memref<5120xf32, #tpu.memory_space<vmem>>
    %dma_wait3A_1211 = tpu.memref_slice %arg10[%add3A_1164] : memref<1638400xf32, #tpu.memory_space<vmem_shared>> -> memref<5120xf32, #tpu.memory_space<vmem_shared>>
    tpu.wait_dma2 semaphore(%arg11 : memref<!tpu.dma_semaphore, #tpu.memory_space<semaphore_mem>>) src(%dma_wait3A_1211 : memref<5120xf32, #tpu.memory_space<vmem_shared>>) dst(%dma_wait3A_1210 : memref<5120xf32, #tpu.memory_space<vmem>>)
    %mul3A_1212 = arith.constant 1600000 : i32
    %mul3A_1213 = arith.muli %arg0, %mul3A_1212 : i32
    %mul3A_1214 = arith.constant 100000 : i32
    %mul3A_1215 = arith.muli %arg1, %mul3A_1214 : i32
    %add3A_1216 = arith.addi %mul3A_1213, %mul3A_1215 : i32
    %add3A_1217 = arith.constant 87040 : i32
    %add3A_1218 = arith.addi %add3A_1216, %add3A_1217 : i32
    %dma_start3A_1219 = arith.constant 5120 : i32
    %dma_start3A_1220 = tpu.memref_slice %arg9[%dma_start3A_1219] : memref<10240xf32, #tpu.memory_space<vmem>> -> memref<5120xf32, #tpu.memory_space<vmem>>
    %dma_start3A_1221 = tpu.memref_slice %arg4[%add3A_1218] : memref<3200000xf32, #tpu.memory_space<hbm>> -> memref<5120xf32, #tpu.memory_space<hbm>>
    %dma_start3A_1222 = tpu.memref_slice %arg4[%add3A_1218] : memref<3200000xf32, #tpu.memory_space<hbm>> -> memref<5120xf32, #tpu.memory_space<hbm>>
    %dma_start3A_1223 = arith.constant 5120 : i32
    %dma_start3A_1224 = tpu.memref_slice %arg9[%dma_start3A_1223] : memref<10240xf32, #tpu.memory_space<vmem>> -> memref<5120xf32, #tpu.memory_space<vmem>>
    tpu.enqueue_dma source(%dma_start3A_1224 : memref<5120xf32, #tpu.memory_space<vmem>>) target(%dma_start3A_1222 : memref<5120xf32, #tpu.memory_space<hbm>>) target_semaphore(%arg13 : memref<!tpu.dma_semaphore, #tpu.memory_space<semaphore_mem>>)
    %dma_wait3A_1225 = arith.constant 5120 : i32
    %dma_wait3A_1226 = tpu.memref_slice %arg9[%dma_wait3A_1225] : memref<10240xf32, #tpu.memory_space<vmem>> -> memref<5120xf32, #tpu.memory_space<vmem>>
    %dma_wait3A_1227 = tpu.memref_slice %arg4[%add3A_1218] : memref<3200000xf32, #tpu.memory_space<hbm>> -> memref<5120xf32, #tpu.memory_space<hbm>>
    %dma_wait3A_1228 = tpu.memref_slice %arg4[%add3A_1218] : memref<3200000xf32, #tpu.memory_space<hbm>> -> memref<5120xf32, #tpu.memory_space<hbm>>
    %dma_wait3A_1229 = arith.constant 5120 : i32
    %dma_wait3A_1230 = tpu.memref_slice %arg9[%dma_wait3A_1229] : memref<10240xf32, #tpu.memory_space<vmem>> -> memref<5120xf32, #tpu.memory_space<vmem>>
    tpu.wait_dma2 semaphore(%arg13 : memref<!tpu.dma_semaphore, #tpu.memory_space<semaphore_mem>>) src(%dma_wait3A_1230 : memref<5120xf32, #tpu.memory_space<vmem>>) dst(%dma_wait3A_1228 : memref<5120xf32, #tpu.memory_space<hbm>>)
    %mul3A_1231 = arith.constant 100000 : i32
    %mul3A_1232 = arith.muli %arg1, %mul3A_1231 : i32
    %add3A_1233 = arith.constant 97280 : i32
    %add3A_1234 = arith.addi %mul3A_1232, %add3A_1233 : i32
    %dma_start3A_1235 = arith.constant 5120 : i32
    %dma_start3A_1236 = tpu.memref_slice %arg9[%dma_start3A_1235] : memref<10240xf32, #tpu.memory_space<vmem>> -> memref<2720xf32, #tpu.memory_space<vmem>>
    %dma_start3A_1237 = tpu.memref_slice %arg10[%add3A_1234] : memref<1638400xf32, #tpu.memory_space<vmem_shared>> -> memref<2720xf32, #tpu.memory_space<vmem_shared>>
    %dma_start3A_1238 = arith.constant 5120 : i32
    %dma_start3A_1239 = tpu.memref_slice %arg9[%dma_start3A_1238] : memref<10240xf32, #tpu.memory_space<vmem>> -> memref<2720xf32, #tpu.memory_space<vmem>>
    %dma_start3A_1240 = tpu.memref_slice %arg10[%add3A_1234] : memref<1638400xf32, #tpu.memory_space<vmem_shared>> -> memref<2720xf32, #tpu.memory_space<vmem_shared>>
    tpu.enqueue_dma source(%dma_start3A_1240 : memref<2720xf32, #tpu.memory_space<vmem_shared>>) target(%dma_start3A_1239 : memref<2720xf32, #tpu.memory_space<vmem>>) target_semaphore(%arg11 : memref<!tpu.dma_semaphore, #tpu.memory_space<semaphore_mem>>)
    %dma_wait3A_1241 = arith.constant 0 : i32
    %dma_wait3A_1242 = tpu.memref_slice %arg9[%dma_wait3A_1241] : memref<10240xf32, #tpu.memory_space<vmem>> -> memref<5120xf32, #tpu.memory_space<vmem>>
    %dma_wait3A_1243 = tpu.memref_slice %arg10[%add3A_1199] : memref<1638400xf32, #tpu.memory_space<vmem_shared>> -> memref<5120xf32, #tpu.memory_space<vmem_shared>>
    %dma_wait3A_1244 = arith.constant 0 : i32
    %dma_wait3A_1245 = tpu.memref_slice %arg9[%dma_wait3A_1244] : memref<10240xf32, #tpu.memory_space<vmem>> -> memref<5120xf32, #tpu.memory_space<vmem>>
    %dma_wait3A_1246 = tpu.memref_slice %arg10[%add3A_1199] : memref<1638400xf32, #tpu.memory_space<vmem_shared>> -> memref<5120xf32, #tpu.memory_space<vmem_shared>>
    tpu.wait_dma2 semaphore(%arg11 : memref<!tpu.dma_semaphore, #tpu.memory_space<semaphore_mem>>) src(%dma_wait3A_1246 : memref<5120xf32, #tpu.memory_space<vmem_shared>>) dst(%dma_wait3A_1245 : memref<5120xf32, #tpu.memory_space<vmem>>)
    %mul3A_1247 = arith.constant 1600000 : i32
    %mul3A_1248 = arith.muli %arg0, %mul3A_1247 : i32
    %mul3A_1249 = arith.constant 100000 : i32
    %mul3A_1250 = arith.muli %arg1, %mul3A_1249 : i32
    %add3A_1251 = arith.addi %mul3A_1248, %mul3A_1250 : i32
    %add3A_1252 = arith.constant 92160 : i32
    %add3A_1253 = arith.addi %add3A_1251, %add3A_1252 : i32
    %dma_start3A_1254 = arith.constant 0 : i32
    %dma_start3A_1255 = tpu.memref_slice %arg9[%dma_start3A_1254] : memref<10240xf32, #tpu.memory_space<vmem>> -> memref<5120xf32, #tpu.memory_space<vmem>>
    %dma_start3A_1256 = tpu.memref_slice %arg4[%add3A_1253] : memref<3200000xf32, #tpu.memory_space<hbm>> -> memref<5120xf32, #tpu.memory_space<hbm>>
    %dma_start3A_1257 = tpu.memref_slice %arg4[%add3A_1253] : memref<3200000xf32, #tpu.memory_space<hbm>> -> memref<5120xf32, #tpu.memory_space<hbm>>
    %dma_start3A_1258 = arith.constant 0 : i32
    %dma_start3A_1259 = tpu.memref_slice %arg9[%dma_start3A_1258] : memref<10240xf32, #tpu.memory_space<vmem>> -> memref<5120xf32, #tpu.memory_space<vmem>>
    tpu.enqueue_dma source(%dma_start3A_1259 : memref<5120xf32, #tpu.memory_space<vmem>>) target(%dma_start3A_1257 : memref<5120xf32, #tpu.memory_space<hbm>>) target_semaphore(%arg12 : memref<!tpu.dma_semaphore, #tpu.memory_space<semaphore_mem>>)
    %dma_wait3A_1260 = arith.constant 5120 : i32
    %dma_wait3A_1261 = tpu.memref_slice %arg9[%dma_wait3A_1260] : memref<10240xf32, #tpu.memory_space<vmem>> -> memref<2720xf32, #tpu.memory_space<vmem>>
    %dma_wait3A_1262 = tpu.memref_slice %arg10[%add3A_1234] : memref<1638400xf32, #tpu.memory_space<vmem_shared>> -> memref<2720xf32, #tpu.memory_space<vmem_shared>>
    %dma_wait3A_1263 = arith.constant 5120 : i32
    %dma_wait3A_1264 = tpu.memref_slice %arg9[%dma_wait3A_1263] : memref<10240xf32, #tpu.memory_space<vmem>> -> memref<2720xf32, #tpu.memory_space<vmem>>
    %dma_wait3A_1265 = tpu.memref_slice %arg10[%add3A_1234] : memref<1638400xf32, #tpu.memory_space<vmem_shared>> -> memref<2720xf32, #tpu.memory_space<vmem_shared>>
    tpu.wait_dma2 semaphore(%arg11 : memref<!tpu.dma_semaphore, #tpu.memory_space<semaphore_mem>>) src(%dma_wait3A_1265 : memref<2720xf32, #tpu.memory_space<vmem_shared>>) dst(%dma_wait3A_1264 : memref<2720xf32, #tpu.memory_space<vmem>>)
    %mul3A_1266 = arith.constant 1600000 : i32
    %mul3A_1267 = arith.muli %arg0, %mul3A_1266 : i32
    %mul3A_1268 = arith.constant 100000 : i32
    %mul3A_1269 = arith.muli %arg1, %mul3A_1268 : i32
    %add3A_1270 = arith.addi %mul3A_1267, %mul3A_1269 : i32
    %add3A_1271 = arith.constant 97280 : i32
    %add3A_1272 = arith.addi %add3A_1270, %add3A_1271 : i32
    %dma_start3A_1273 = arith.constant 5120 : i32
    %dma_start3A_1274 = tpu.memref_slice %arg9[%dma_start3A_1273] : memref<10240xf32, #tpu.memory_space<vmem>> -> memref<2720xf32, #tpu.memory_space<vmem>>
    %dma_start3A_1275 = tpu.memref_slice %arg4[%add3A_1272] : memref<3200000xf32, #tpu.memory_space<hbm>> -> memref<2720xf32, #tpu.memory_space<hbm>>
    %dma_start3A_1276 = tpu.memref_slice %arg4[%add3A_1272] : memref<3200000xf32, #tpu.memory_space<hbm>> -> memref<2720xf32, #tpu.memory_space<hbm>>
    %dma_start3A_1277 = arith.constant 5120 : i32
    %dma_start3A_1278 = tpu.memref_slice %arg9[%dma_start3A_1277] : memref<10240xf32, #tpu.memory_space<vmem>> -> memref<2720xf32, #tpu.memory_space<vmem>>
    tpu.enqueue_dma source(%dma_start3A_1278 : memref<2720xf32, #tpu.memory_space<vmem>>) target(%dma_start3A_1276 : memref<2720xf32, #tpu.memory_space<hbm>>) target_semaphore(%arg13 : memref<!tpu.dma_semaphore, #tpu.memory_space<semaphore_mem>>)
    %dma_wait3A_1279 = arith.constant 0 : i32
    %dma_wait3A_1280 = tpu.memref_slice %arg9[%dma_wait3A_1279] : memref<10240xf32, #tpu.memory_space<vmem>> -> memref<5120xf32, #tpu.memory_space<vmem>>
    %dma_wait3A_1281 = tpu.memref_slice %arg4[%add3A_1253] : memref<3200000xf32, #tpu.memory_space<hbm>> -> memref<5120xf32, #tpu.memory_space<hbm>>
    %dma_wait3A_1282 = tpu.memref_slice %arg4[%add3A_1253] : memref<3200000xf32, #tpu.memory_space<hbm>> -> memref<5120xf32, #tpu.memory_space<hbm>>
    %dma_wait3A_1283 = arith.constant 0 : i32
    %dma_wait3A_1284 = tpu.memref_slice %arg9[%dma_wait3A_1283] : memref<10240xf32, #tpu.memory_space<vmem>> -> memref<5120xf32, #tpu.memory_space<vmem>>
    tpu.wait_dma2 semaphore(%arg12 : memref<!tpu.dma_semaphore, #tpu.memory_space<semaphore_mem>>) src(%dma_wait3A_1284 : memref<5120xf32, #tpu.memory_space<vmem>>) dst(%dma_wait3A_1282 : memref<5120xf32, #tpu.memory_space<hbm>>)
    %dma_wait3A_1285 = arith.constant 5120 : i32
    %dma_wait3A_1286 = tpu.memref_slice %arg9[%dma_wait3A_1285] : memref<10240xf32, #tpu.memory_space<vmem>> -> memref<2720xf32, #tpu.memory_space<vmem>>
    %dma_wait3A_1287 = tpu.memref_slice %arg4[%add3A_1272] : memref<3200000xf32, #tpu.memory_space<hbm>> -> memref<2720xf32, #tpu.memory_space<hbm>>
    %dma_wait3A_1288 = tpu.memref_slice %arg4[%add3A_1272] : memref<3200000xf32, #tpu.memory_space<hbm>> -> memref<2720xf32, #tpu.memory_space<hbm>>
    %dma_wait3A_1289 = arith.constant 5120 : i32
    %dma_wait3A_1290 = tpu.memref_slice %arg9[%dma_wait3A_1289] : memref<10240xf32, #tpu.memory_space<vmem>> -> memref<2720xf32, #tpu.memory_space<vmem>>
    tpu.wait_dma2 semaphore(%arg13 : memref<!tpu.dma_semaphore, #tpu.memory_space<semaphore_mem>>) src(%dma_wait3A_1290 : memref<2720xf32, #tpu.memory_space<vmem>>) dst(%dma_wait3A_1288 : memref<2720xf32, #tpu.memory_space<hbm>>)
    return
  }
}

module attributes {stable_mosaic.version = 14 : i64} {
  func.func @_mm_body(%arg0: i32, %arg1: memref<2x16x16384xf32, #tpu.memory_space<vmem>>, %arg2: memref<16384x128xf32, #tpu.memory_space<vmem>>, %arg3: memref<2x16x1696xf32, #tpu.memory_space<vmem>>, %arg4: memref<1696x128xf32, #tpu.memory_space<vmem>>, %arg5: memref<16x128xf32, #tpu.memory_space<vmem>>, %arg6: memref<1x1xf32, #tpu.memory_space<smem>>, %arg7: memref<16x16xf32, #tpu.memory_space<vmem>>, %arg8: memref<16x128xf32, #tpu.memory_space<vmem>>, %arg9: memref<16x128xf32, #tpu.memory_space<vmem>>) attributes {dimension_semantics = [#tpu.dimension_semantics<arbitrary>], iteration_bounds = array<i64: 7>, scalar_prefetch = 0 : i64, scratch_operands = 2 : i64, tpu.core_type = #tpu.core_type<tc>, window_params = [{transform_indices = @transform_0, window_bounds = array<i64: 2, 16, 16384>}, {transform_indices = @transform_1, window_bounds = array<i64: 16384, 128>}, {pipeline_mode = #tpu.pipeline_mode<synchronous>, transform_indices = @transform_2, window_bounds = array<i64: 2, 16, 1696>}, {pipeline_mode = #tpu.pipeline_mode<synchronous>, transform_indices = @transform_3, window_bounds = array<i64: 1696, 128>}, {pipeline_mode = #tpu.pipeline_mode<synchronous>, transform_indices = @transform_4, window_bounds = array<i64: 16, 128>}, {transform_indices = @transform_5, window_bounds = array<i64: 1, 1>}, {pipeline_mode = #tpu.pipeline_mode<synchronous>, transform_indices = @transform_6, window_bounds = array<i64: 16, 16>}]} {
    %eq3A = arith.constant 0 : i32
    %eq3A_0 = arith.cmpi eq, %arg0, %eq3A : i32
    %convert_element_type3A = arith.extui %eq3A_0 : i1 to i32
    %cond3A = arith.constant 0 : i32
    %cond3A_1 = arith.cmpi ne, %convert_element_type3A, %cond3A : i32
    scf.if %cond3A_1 {
      %broadcast_in_dim3A = arith.constant 0.000000e+00 : f32
      %broadcast_in_dim3A_11 = vector.broadcast %broadcast_in_dim3A : f32 to vector<16x128xf32>
      %swap3A = arith.constant 0 : index
      %swap3A_12 = arith.constant 0 : index
      %swap3A_13 = vector.load %arg8[%swap3A, %swap3A_12] : memref<16x128xf32, #tpu.memory_space<vmem>>, vector<16x128xf32>
      tpu.vector_store %arg8[%swap3A, %swap3A_12], %broadcast_in_dim3A_11 {strides = array<i32>} : memref<16x128xf32, #tpu.memory_space<vmem>>, vector<16x128xf32>,
      %broadcast_in_dim3A_14 = arith.constant 0.000000e+00 : f32
      %broadcast_in_dim3A_15 = vector.broadcast %broadcast_in_dim3A_14 : f32 to vector<16x128xf32>
      %swap3A_16 = arith.constant 0 : index
      %swap3A_17 = arith.constant 0 : index
      %swap3A_18 = vector.load %arg9[%swap3A_16, %swap3A_17] : memref<16x128xf32, #tpu.memory_space<vmem>>, vector<16x128xf32>
      tpu.vector_store %arg9[%swap3A_16, %swap3A_17], %broadcast_in_dim3A_15 {strides = array<i32>} : memref<16x128xf32, #tpu.memory_space<vmem>>, vector<16x128xf32>,
    } else {
    }
    %lt3A = arith.constant 6 : i32
    %lt3A_2 = arith.cmpi slt, %arg0, %lt3A : i32
    %convert_element_type3A_3 = arith.extui %lt3A_2 : i1 to i32
    %cond3A_4 = arith.constant 0 : i32
    %cond3A_5 = arith.cmpi ne, %convert_element_type3A_3, %cond3A_4 : i32
    scf.if %cond3A_5 {
      %get3A = arith.constant 0 : index
      %get3A_11 = arith.constant 0 : index
      %get3A_12 = arith.constant 0 : index
      %get3A_13 = vector.load %arg1[%get3A, %get3A_11, %get3A_12] : memref<2x16x16384xf32, #tpu.memory_space<vmem>>, vector<1x16x16384xf32>
      %get3A_14 = vector.shape_cast %get3A_13 : vector<1x16x16384xf32> to vector<16x16384xf32>
      %get3A_15 = arith.constant 1 : index
      %get3A_16 = arith.constant 0 : index
      %get3A_17 = arith.constant 0 : index
      %get3A_18 = vector.load %arg1[%get3A_15, %get3A_16, %get3A_17] : memref<2x16x16384xf32, #tpu.memory_space<vmem>>, vector<1x16x16384xf32>
      %get3A_19 = vector.shape_cast %get3A_18 : vector<1x16x16384xf32> to vector<16x16384xf32>
      %get3A_20 = arith.constant 0 : index
      %get3A_21 = arith.constant 0 : index
      %get3A_22 = vector.load %arg2[%get3A_20, %get3A_21] : memref<16384x128xf32, #tpu.memory_space<vmem>>, vector<16384x128xf32>
      %get3A_23 = arith.constant 0 : index
      %get3A_24 = arith.constant 0 : index
      %get3A_25 = vector.load %arg8[%get3A_23, %get3A_24] : memref<16x128xf32, #tpu.memory_space<vmem>>, vector<16x128xf32>
      %dot_general3A = arith.constant dense<0.000000e+00> : vector<16x128xf32>
      %dot_general3A_26 = tpu.matmul %get3A_14, %get3A_22, %dot_general3A {dimension_numbers = #tpu.dot_dimension_numbers<[1], [0], [0], [1], [0, 0, 1, 1], [], []>, transpose_lhs_hint = false} : vector<16x16384xf32>, vector<16384x128xf32>, vector<16x128xf32> -> vector<16x128xf32>
      %dot_general3A_27 = arith.constant dense<0.000000e+00> : vector<16x128xf32>
      %dot_general3A_28 = tpu.matmul %get3A_19, %get3A_22, %dot_general3A_27 {dimension_numbers = #tpu.dot_dimension_numbers<[1], [0], [0], [1], [0, 0, 1, 1], [], []>, transpose_lhs_hint = false} : vector<16x16384xf32>, vector<16384x128xf32>, vector<16x128xf32> -> vector<16x128xf32>
      %add3A = arith.addf %dot_general3A_26, %dot_general3A_28 : vector<16x128xf32>
      %add3A_29 = arith.addf %get3A_25, %add3A : vector<16x128xf32>
      %swap3A = arith.constant 0 : index
      %swap3A_30 = arith.constant 0 : index
      %swap3A_31 = vector.load %arg8[%swap3A, %swap3A_30] : memref<16x128xf32, #tpu.memory_space<vmem>>, vector<16x128xf32>
      tpu.vector_store %arg8[%swap3A, %swap3A_30], %add3A_29 {strides = array<i32>} : memref<16x128xf32, #tpu.memory_space<vmem>>, vector<16x128xf32>,
      %get3A_32 = arith.constant 0 : index
      %get3A_33 = arith.constant 0 : index
      %get3A_34 = vector.load %arg9[%get3A_32, %get3A_33] : memref<16x128xf32, #tpu.memory_space<vmem>>, vector<16x128xf32>
      %add3A_35 = arith.addf %get3A_14, %get3A_19 : vector<16x16384xf32>
      %reduce_sum3A = arith.constant dense<0.000000e+00> : vector<16xf32>
      %reduce_sum3A_36 = vector.multi_reduction <add>, %add3A_35, %reduce_sum3A [1] : vector<16x16384xf32> to vector<16xf32>
      %broadcast_in_dim3A = vector.shape_cast %reduce_sum3A_36 : vector<16xf32> to vector<16x1xf32>
      %add3A_37 = vector.broadcast %broadcast_in_dim3A : vector<16x1xf32> to vector<16x128xf32>
      %add3A_38 = arith.addf %get3A_34, %add3A_37 : vector<16x128xf32>
      %swap3A_39 = arith.constant 0 : index
      %swap3A_40 = arith.constant 0 : index
      %swap3A_41 = vector.load %arg9[%swap3A_39, %swap3A_40] : memref<16x128xf32, #tpu.memory_space<vmem>>, vector<16x128xf32>
      tpu.vector_store %arg9[%swap3A_39, %swap3A_40], %add3A_38 {strides = array<i32>} : memref<16x128xf32, #tpu.memory_space<vmem>>, vector<16x128xf32>,
    } else {
    }
    %eq3A_6 = arith.constant 6 : i32
    %eq3A_7 = arith.cmpi eq, %arg0, %eq3A_6 : i32
    %convert_element_type3A_8 = arith.extui %eq3A_7 : i1 to i32
    %cond3A_9 = arith.constant 0 : i32
    %cond3A_10 = arith.cmpi ne, %convert_element_type3A_8, %cond3A_9 : i32
    scf.if %cond3A_10 {
      %get3A = arith.constant 0 : index
      %get3A_11 = arith.constant 0 : index
      %get3A_12 = vector.load %arg4[%get3A, %get3A_11] : memref<1696x128xf32, #tpu.memory_space<vmem>>, vector<1696x128xf32>
      %get3A_13 = arith.constant 0 : index
      %get3A_14 = arith.constant 0 : index
      %get3A_15 = vector.load %arg8[%get3A_13, %get3A_14] : memref<16x128xf32, #tpu.memory_space<vmem>>, vector<16x128xf32>
      %get3A_16 = arith.constant 0 : index
      %get3A_17 = arith.constant 0 : index
      %get3A_18 = arith.constant 0 : index
      %get3A_19 = vector.load %arg3[%get3A_16, %get3A_17, %get3A_18] : memref<2x16x1696xf32, #tpu.memory_space<vmem>>, vector<1x16x1696xf32>
      %get3A_20 = vector.shape_cast %get3A_19 : vector<1x16x1696xf32> to vector<16x1696xf32>
      %dot_general3A = arith.constant dense<0.000000e+00> : vector<16x128xf32>
      %dot_general3A_21 = tpu.matmul %get3A_20, %get3A_12, %dot_general3A {dimension_numbers = #tpu.dot_dimension_numbers<[1], [0], [0], [1], [0, 0, 1, 1], [], []>, transpose_lhs_hint = false} : vector<16x1696xf32>, vector<1696x128xf32>, vector<16x128xf32> -> vector<16x128xf32>
      %add3A = arith.addf %get3A_15, %dot_general3A_21 : vector<16x128xf32>
      %get3A_22 = arith.constant 1 : index
      %get3A_23 = arith.constant 0 : index
      %get3A_24 = arith.constant 0 : index
      %get3A_25 = vector.load %arg3[%get3A_22, %get3A_23, %get3A_24] : memref<2x16x1696xf32, #tpu.memory_space<vmem>>, vector<1x16x1696xf32>
      %get3A_26 = vector.shape_cast %get3A_25 : vector<1x16x1696xf32> to vector<16x1696xf32>
      %dot_general3A_27 = arith.constant dense<0.000000e+00> : vector<16x128xf32>
      %dot_general3A_28 = tpu.matmul %get3A_26, %get3A_12, %dot_general3A_27 {dimension_numbers = #tpu.dot_dimension_numbers<[1], [0], [0], [1], [0, 0, 1, 1], [], []>, transpose_lhs_hint = false} : vector<16x1696xf32>, vector<1696x128xf32>, vector<16x128xf32> -> vector<16x128xf32>
      %add3A_29 = arith.addf %add3A, %dot_general3A_28 : vector<16x128xf32>
      %get3A_30 = arith.constant 0 : index
      %get3A_31 = arith.constant 0 : index
      %get3A_32 = vector.load %arg9[%get3A_30, %get3A_31] : memref<16x128xf32, #tpu.memory_space<vmem>>, vector<16x1xf32>
      %get3A_33 = arith.constant 0 : index
      %get3A_34 = arith.constant 0 : index
      %get3A_35 = arith.constant 0 : index
      %get3A_36 = vector.load %arg3[%get3A_33, %get3A_34, %get3A_35] : memref<2x16x1696xf32, #tpu.memory_space<vmem>>, vector<1x16x1696xf32>
      %get3A_37 = vector.shape_cast %get3A_36 : vector<1x16x1696xf32> to vector<16x1696xf32>
      %get3A_38 = arith.constant 1 : index
      %get3A_39 = arith.constant 0 : index
      %get3A_40 = arith.constant 0 : index
      %get3A_41 = vector.load %arg3[%get3A_38, %get3A_39, %get3A_40] : memref<2x16x1696xf32, #tpu.memory_space<vmem>>, vector<1x16x1696xf32>
      %get3A_42 = vector.shape_cast %get3A_41 : vector<1x16x1696xf32> to vector<16x1696xf32>
      %add3A_43 = arith.addf %get3A_37, %get3A_42 : vector<16x1696xf32>
      %reduce_sum3A = arith.constant dense<0.000000e+00> : vector<16xf32>
      %reduce_sum3A_44 = vector.multi_reduction <add>, %add3A_43, %reduce_sum3A [1] : vector<16x1696xf32> to vector<16xf32>
      %broadcast_in_dim3A = vector.shape_cast %reduce_sum3A_44 : vector<16xf32> to vector<16x1xf32>
      %add3A_45 = arith.addf %get3A_32, %broadcast_in_dim3A : vector<16x1xf32>
      %max3A = arith.constant 1.000000e+00 : f32
      %max3A_46 = vector.broadcast %max3A : f32 to vector<16x1xf32>
      %max3A_47 = arith.maximumf %add3A_45, %max3A_46 : vector<16x1xf32>
      %div3A = vector.broadcast %max3A_47 : vector<16x1xf32> to vector<16x128xf32>
      %div3A_48 = arith.divf %add3A_29, %div3A : vector<16x128xf32>
      %mul3A = arith.mulf %div3A_48, %div3A_48 : vector<16x128xf32>
      %reduce_sum3A_49 = arith.constant dense<0.000000e+00> : vector<16xf32>
      %reduce_sum3A_50 = vector.multi_reduction <add>, %mul3A, %reduce_sum3A_49 [1] : vector<16x128xf32> to vector<16xf32>
      %broadcast_in_dim3A_51 = vector.shape_cast %reduce_sum3A_50 : vector<16xf32> to vector<16x1xf32>
      %sqrt3A = math.sqrt %broadcast_in_dim3A_51 : vector<16x1xf32>
      %max3A_52 = arith.constant 9.99999996E-13 : f32
      %max3A_53 = vector.broadcast %max3A_52 : f32 to vector<16x1xf32>
      %max3A_54 = arith.maximumf %sqrt3A, %max3A_53 : vector<16x1xf32>
      %div3A_55 = vector.broadcast %max3A_54 : vector<16x1xf32> to vector<16x128xf32>
      %div3A_56 = arith.divf %div3A_48, %div3A_55 : vector<16x128xf32>
      %get3A_57 = arith.constant 0 : index
      %get3A_58 = arith.constant 0 : index
      %get3A_59 = vector.load %arg5[%get3A_57, %get3A_58] : memref<16x128xf32, #tpu.memory_space<vmem>>, vector<16x128xf32>
      %mul3A_60 = arith.mulf %get3A_59, %get3A_59 : vector<16x128xf32>
      %reduce_sum3A_61 = arith.constant dense<0.000000e+00> : vector<16xf32>
      %reduce_sum3A_62 = vector.multi_reduction <add>, %mul3A_60, %reduce_sum3A_61 [1] : vector<16x128xf32> to vector<16xf32>
      %broadcast_in_dim3A_63 = vector.shape_cast %reduce_sum3A_62 : vector<16xf32> to vector<16x1xf32>
      %sqrt3A_64 = math.sqrt %broadcast_in_dim3A_63 : vector<16x1xf32>
      %max3A_65 = arith.constant 9.99999996E-13 : f32
      %max3A_66 = vector.broadcast %max3A_65 : f32 to vector<16x1xf32>
      %max3A_67 = arith.maximumf %sqrt3A_64, %max3A_66 : vector<16x1xf32>
      %div3A_68 = vector.broadcast %max3A_67 : vector<16x1xf32> to vector<16x128xf32>
      %div3A_69 = arith.divf %get3A_59, %div3A_68 : vector<16x128xf32>
      %get3A_70 = arith.constant 0 : index
      %get3A_71 = arith.constant 0 : index
      %get3A_72 = memref.load %arg6[%get3A_70, %get3A_71] : memref<1x1xf32, #tpu.memory_space<smem>>
      %exp3A = math.exp %get3A_72 : f32
      %dot_general3A_73 = arith.constant dense<0.000000e+00> : vector<16x16xf32>
      %dot_general3A_74 = tpu.matmul %div3A_56, %div3A_69, %dot_general3A_73 {dimension_numbers = #tpu.dot_dimension_numbers<[1], [1], [0], [0], [0, 0, 1, 0], [], []>, transpose_lhs_hint = false} : vector<16x128xf32>, vector<16x128xf32>, vector<16x16xf32> -> vector<16x16xf32>
      %mul3A_75 = vector.broadcast %exp3A : f32 to vector<16x16xf32>
      %mul3A_76 = arith.mulf %dot_general3A_74, %mul3A_75 : vector<16x16xf32>
      %swap3A = arith.constant 0 : index
      %swap3A_77 = arith.constant 0 : index
      %swap3A_78 = vector.load %arg7[%swap3A, %swap3A_77] : memref<16x16xf32, #tpu.memory_space<vmem>>, vector<16x16xf32>
      tpu.vector_store %arg7[%swap3A, %swap3A_77], %mul3A_76 {strides = array<i32>} : memref<16x16xf32, #tpu.memory_space<vmem>>, vector<16x16xf32>,
    } else {
    }
    return
  }
  func.func @transform_0(%arg0: i32) -> (i32, i32, i32) {
    %min3A = arith.constant 5 : i32
    %min3A_0 = arith.minsi %arg0, %min3A : i32
    %c0_i32 = arith.constant 0 : i32
    %c0_i32_1 = arith.constant 0 : i32
    %c0_i32_2 = arith.constant 0 : i32
    return %c0_i32, %c0_i32_1, %min3A_0 : i32, i32, i32
  }
  func.func @transform_1(%arg0: i32) -> (i32, i32) {
    %min3A = arith.constant 5 : i32
    %min3A_0 = arith.minsi %arg0, %min3A : i32
    %c0_i32 = arith.constant 0 : i32
    %c0_i32_1 = arith.constant 0 : i32
    return %min3A_0, %c0_i32 : i32, i32
  }
  func.func @transform_2(%arg0: i32) -> (i32, i32, i32) {
    %c0_i32 = arith.constant 0 : i32
    %c0_i32_0 = arith.constant 0 : i32
    %c0_i32_1 = arith.constant 0 : i32
    %c0_i32_2 = arith.constant 0 : i32
    return %c0_i32, %c0_i32_0, %c0_i32_1 : i32, i32, i32
  }
  func.func @transform_3(%arg0: i32) -> (i32, i32) {
    %c0_i32 = arith.constant 0 : i32
    %c0_i32_0 = arith.constant 0 : i32
    %c0_i32_1 = arith.constant 0 : i32
    return %c0_i32, %c0_i32_0 : i32, i32
  }
  func.func @transform_4(%arg0: i32) -> (i32, i32) {
    %c0_i32 = arith.constant 0 : i32
    %c0_i32_0 = arith.constant 0 : i32
    %c0_i32_1 = arith.constant 0 : i32
    return %c0_i32, %c0_i32_0 : i32, i32
  }
  func.func @transform_5(%arg0: i32) -> (i32, i32) {
    %c0_i32 = arith.constant 0 : i32
    %c0_i32_0 = arith.constant 0 : i32
    %c0_i32_1 = arith.constant 0 : i32
    return %c0_i32, %c0_i32_0 : i32, i32
  }
  func.func @transform_6(%arg0: i32) -> (i32, i32) {
    %c0_i32 = arith.constant 0 : i32
    %c0_i32_0 = arith.constant 0 : i32
    %c0_i32_1 = arith.constant 0 : i32
    return %c0_i32, %c0_i32_0 : i32, i32
  }
}

</mosaic_0001>

<sc_bundles>
// kernel: kernel.4.cloned.1.call-start
scs
__scs_entry_jumppad:
0x0: {  	(pc) =	sbr.rel $0x88, $3  }
0x1: {  	(tag) =	ssettag $0x0;
	lr =	simm.s32 $0x1  }
0x2: {  	[smem:$0x3F9C] =	sst lr;
	_ =	strace $0xD0000000  }
0x3: {  	_ = 	snop  }
0x4: {  	_ = 	snop  }
0x5: {  	_ = 	snop  }
0x6: {  	_ = 	snop  }
0x7: {  	_ = 	snop  }
__scs_overlays_trampoline_lowered:
0x8: {  	[smem:$0x3FAB] =	sst s0  }
0x9: {  	[smem:$0x3FAC] =	sst s1  }
0xa: {  	[smem:$0x3FAD] =	sst s2  }
0xb: {  	[smem:$0x3FAE] =	sst s3  }
0xc: {  	[smem:$0x3FAF] =	sst s4  }
0xd: {  	[smem:$0x3FB0] =	sst s5  }
0xe: {  	[smem:$0x3FB1] =	sst s6  }
0xf: {  	[smem:$0x3FB2] =	sst s7  }
0x10: {  	[smem:$0x3FB3] =	sst s8  }
0x11: {  	[smem:$0x3FB4] =	sst s9;
	s0 =	simm.s32 @!p0 $0x0  }
0x12: {  	s1 =	sld [smem:$0x3F9A];
	s0 =	simm.s32 @p0 $0x1  }
0x13: {  	[smem:$0x3FB5] =	sst s0;
	s0 =	simm.s32 @!p1 $0x0  }
0x14: {  	s2 =	sld [smem:$0x3F99];
	s0 =	simm.s32 @p1 $0x1  }
0x15: {  	[smem:$0x3FB6] =	sst s0;
	s0 =	simm.s32 @!p2 $0x0  }
0x16: {  	s3 =	sld [smem:$0x3FDB];
	s0 =	simm.s32 @p2 $0x1  }
0x17: {  	s4 =	simm.s32 $0x1BF5;
	[smem:$0x3FB8] =	sst s0  }
0x18: {  	s0 =	sld [smem:$0x3F9B];
	_ =	swait.ge [sflag:s4], $0x0  }
0x19: {  	s7 =	sld [smem:$0x3F9C]  }
0x1a: {  	s8 =	sadd.s32 $0xFFFFE003, lr  }
0x1b: {  	s9 =	sadd.s32 $0xFFFFFEF7, lr;
	s5 =	simm.s32 $0xFFFFFFFF;
	p2 =	slt.u32 s8, $0xFFFFF086  }
0x1c: {  	p1 =	slt.u32 s9, $0xF7A;
	s5 =	simm.s32 @!p2 $0x0  }
0x1d: {  	s5 =	simm.s32 @p1 $0x1;
	p0 =	seq.s32 s7, s2  }
0x1e: {  	s7 =	smul.u32 @!p0 $0xF7A, s2;
	p2 =	seq.s32 @!p0 s5, $0x0  }
0x1f: {  	s9 =	smul.u32 $0xF7A, s1;
	s8 =	simm.s32 @!p0 $0x1BF5;
	p2 =	por !p2, p0  }
0x20: {  	[sflag:s8] =	ssyncset.s32 @!p0 $0xFFFFF086;
	s6 =	sadd.s32 @!p0 s3, s7;
	s7 =	simm.s32 @!p0 $0x108  }
0x21: {  	s3 =	sadd.s32 s3, s9;
	s6 =	sadd.s32 @!p0 $0x88, s6;
	s7 =	simm.s32 @p2 $0x1082  }
0x22: {  	[simem:s7], [sflag:s8] =	dma.local @!p0 [hbm:s6], $0xF7A  }
0x23: {  	s9 =	sor.u32 $0xD0000000, s2;
	s6 =	simm.s32 $0x108;
	_ =	swait.ge @!p0 [sflag:s8], $0x0  }
0x24: {  	s3 =	sadd.s32 $0x88, s3;
	s6 =	simm.s32 @!p1 $0x1082;
	[sflag:s4] =	ssyncset.s32 $0xFFFFF086  }
0x25: {  	[simem:s6], [sflag:s4] =	dma.local [hbm:s3], $0xF7A  }
0x26: {  	[smem:$0x3F9C] =	sst s1;
	(tag) =	ssettag s2;
	_ =	strace s9  }
0x27: {  	s1 =	sld [smem:$0x3FAC]  }
0x28: {  	s2 =	sld [smem:$0x3FAD]  }
0x29: {  	s4 =	sld [smem:$0x3FAF]  }
0x2a: {  	p0 =	seq.s32 s5, $0x0;
	s5 =	sld [smem:$0x3FB0]  }
0x2b: {  	s6 =	sld [smem:$0x3FB1]  }
0x2c: {  	s7 =	sld [smem:$0x3FB2]  }
0x2d: {  	s3 =	simm.s32 $0x108;
	s8 =	sld [smem:$0x3FB3]  }
0x2e: {  	s3 =	simm.s32 @!p0 $0x1082;
	s9 =	sld [smem:$0x3FB4]  }
0x2f: {  	lr =	sadd.s32 s0, s3;
	s0 =	sld [smem:$0x3FAB]  }
0x30: {  	s3 =	sld [smem:$0x3FAE]  }
0x31: {  	[smem:$0x3FB7] =	sst s10  }
0x32: {  	s10 =	sld [smem:$0x3FB5];
	_ =	sdelay $0x3  }
0x33: {  	p0 =	seq.s32 s10, $0x1;
	s10 =	sld [smem:$0x3FB7];
	_ =	sdelay $0x3  }
0x34: {  	[smem:$0x3FB7] =	sst s10  }
0x35: {  	s10 =	sld [smem:$0x3FB6];
	_ =	sdelay $0x3  }
0x36: {  	p1 =	seq.s32 s10, $0x1;
	s10 =	sld [smem:$0x3FB7];
	_ =	sdelay $0x3  }
0x37: {  	[smem:$0x3FB7] =	sst s10  }
0x38: {  	s10 =	sld [smem:$0x3FB8]  }
0x39: {  	_ = 	snop;
	(pc) =	sbr.ind lr, $3  }
0x3a: {  	_ = 	snop  }
0x3b: {  	_ = 	snop  }
0x3c: {  	p2 =	seq.s32 s10, $0x1;
	s10 =	sld [smem:$0x3FB7]  }
0x3d: {  	_ =	shalt  }
0x3e: {  	_ =	shalt  }
0x3f: {  	_ =	shalt  }
0x40: {  	_ =	shalt  }
0x41: {  	_ =	shalt  }
0x42: {  	_ =	shalt  }
0x43: {  	_ =	shalt  }
0x44: {  	_ =	shalt  }
0x45: {  	_ =	shalt  }
0x46: {  	_ =	shalt  }
0x47: {  	_ =	shalt  }
0x48: {  	_ =	shalt  }
0x49: {  	_ =	shalt  }
0x4a: {  	_ =	shalt  }
0x4b: {  	_ =	shalt  }
0x4c: {  	_ =	shalt  }
0x4d: {  	_ =	shalt  }
0x4e: {  	_ =	shalt  }
0x4f: {  	_ =	shalt  }
0x50: {  	_ =	shalt  }
0x51: {  	_ =	shalt  }
0x52: {  	_ =	shalt  }
0x53: {  	_ =	shalt  }
0x54: {  	_ =	shalt  }
0x55: {  	_ =	shalt  }
0x56: {  	_ =	shalt  }
0x57: {  	_ =	shalt  }
0x58: {  	_ =	shalt  }
0x59: {  	_ =	shalt  }
0x5a: {  	_ =	shalt  }
0x5b: {  	_ =	shalt  }
0x5c: {  	_ =	shalt  }
0x5d: {  	_ =	shalt  }
0x5e: {  	_ =	shalt  }
0x5f: {  	_ =	shalt  }
0x60: {  	_ =	shalt  }
0x61: {  	_ =	shalt  }
0x62: {  	_ =	shalt  }
0x63: {  	_ =	shalt  }
0x64: {  	_ =	shalt  }
0x65: {  	_ =	shalt  }
0x66: {  	_ =	shalt  }
0x67: {  	_ =	shalt  }
0x68: {  	_ =	shalt  }
0x69: {  	_ =	shalt  }
0x6a: {  	_ =	shalt  }
0x6b: {  	_ =	shalt  }
0x6c: {  	_ =	shalt  }
0x6d: {  	_ =	shalt  }
0x6e: {  	_ =	shalt  }
0x6f: {  	_ =	shalt  }
0x70: {  	_ =	shalt  }
0x71: {  	_ =	shalt  }
0x72: {  	_ =	shalt  }
0x73: {  	_ =	shalt  }
0x74: {  	_ =	shalt  }
0x75: {  	_ =	shalt  }
0x76: {  	_ =	shalt  }
0x77: {  	_ =	shalt  }
0x78: {  	_ =	shalt  }
0x79: {  	_ =	shalt  }
0x7a: {  	_ =	shalt  }
0x7b: {  	_ =	shalt  }
0x7c: {  	_ =	shalt  }
0x7d: {  	_ =	shalt  }
0x7e: {  	_ =	shalt  }
0x7f: {  	_ =	shalt  }
0x80: {  	_ =	shalt  }
0x81: {  	_ =	shalt  }
0x82: {  	_ =	shalt  }
0x83: {  	_ =	shalt  }
0x84: {  	_ =	shalt  }
0x85: {  	_ =	shalt  }
0x86: {  	_ =	shalt  }
0x87: {  	_ =	shalt  }
.Lfunc_end0:
.L_simem_size_0:
called_computation_lowered:
.L_overlay_start_0:
0x88: {  	s2 =	sld [smem:$0x3FD9]  }
0x89: {  	s3 =	sld [smem:$0x3FFE];
	_ =	sdelay $0x1  }
0x8a: {  	s1 =	srdreg.scid  }
0x8b: {  	s0 =	sand.u32 $0x1, s1  }
0x8c: {  	s17 =	sshll.u32 s0, $0xA;
	s2 =	sadd.s32 s3, s2  }
0x8d: {  	s2 =	sadd.s32 s2, s17  }
0x8e: {  	[smem:$0x3FC3] =	sst s2  }
0x8f: {  	_ = 	snop  }
0x90: {  	s2 =	sld [smem:$0x3FC8]  }
0x91: {  	s18 =	sld [smem:$0x3FC7];
	(tm) =	ssettm $0x1  }
0x92: {  	s4 =	sld [smem:$0x3FFB];
	_ =	sdelay $0x3  }
0x93: {  	_ =	strace s4  }
0x94: {  	s4 =	sld [smem:$0x3FFC];
	_ =	sdelay $0x3  }
0x95: {  	_ =	strace s4  }
0x96: {  	s4 =	sld [smem:$0x3FFD];
	_ =	sdelay $0x3  }
0x97: {  	_ =	strace s4  }
0x98: {  	_ =	strace $0x8FFFFFFF  }
0x99: {  	s19 =	sld [smem:$0x3FDB];
	_ =	sdelay $0x1  }
0x9a: {  	s5 =	simm.s32 $_scs_section_size  }
0x9b: {  	s6 =	simm.s32 $_size__tile_overlayer_lowered;
	s7 =	simm.s32 $_tile_overlayer_lowered  }
0x9c: {  	s22 =	simm.s32 $0x1BFF;
	s21 =	sshll.u32 s7, $0x1;
	s4 =	sadd.s32 s5, s19  }
0x9d: {  	s8 =	simm.s32 $0x0;
	s20 =	sshll.u32 s6, $0x1;
	s6 =	sadd.s32 s21, s4  }
0x9e: {  	[timem:s8], [sflag:s22] =	dma.local [hbm:s6], s20  }
0x9f: {  	_ =	swait.ge [sflag:s22], s20  }
0xa0: {  	s5 =	ssub.s32 $0x0, s20;
	[sflag:s22] =	ssyncset.done $0x0  }
0xa1: {  	[sflag:s22] =	ssyncadd.s32 s5;
	_ =	sdelay $0x1  }
0xa2: {  	s23 =	simm.s32 $0x1B8B  }
0xa3: {  	_ =	swait.ge [sflag:s23], $0x1  }
0xa4: {  	[sflag:s23] =	ssyncset.done $0x0  }
0xa5: {  	s25 =	simm.s32 $0x1B8E;
	s24 =	sld [smem:$0x3FFE];
	[sflag:s23] =	ssyncadd.s32 $0xFFFFFFFF  }
0xa6: {  	s26 =	simm.s32 $execute0_lowered;
	[smem:$0x3FD2] =	sst s25  }
0xa7: {  	s6 =	sshll.u32 s26, $0x1;
	_ =	strace $0x80000046;
	[dreg:$0x1] =	wrdreg $0xFFFFFFFF  }
0xa8: {  	s28 =	simm.s32 $_size_execute0_lowered;
	s4 =	sadd.s32 s4, s6;
	[dreg:$0x0] =	wrdreg $0x0  }
0xa9: {  	s6 =	sshll.u32 s28, $0x1;
	[dreg:$0x2] =	wrdreg s4  }
0xaa: {  	[dreg:$0x3] =	wrdreg s6  }
0xab: {  	[dreg:$0x4] =	wrdreg $0xC0  }
0xac: {  	_ =	task [dreg:s8], $0x5FFFF  }
0xad: {  	[dreg:$0x1] =	wrdreg $0xFFFFFFFF  }
0xae: {  	[dreg:$0x0] =	wrdreg $0x60  }
0xaf: {  	[dreg:$0x2] =	wrdreg s2  }
0xb0: {  	[dreg:$0x3] =	wrdreg s18  }
0xb1: {  	[dreg:$0x4] =	wrdreg s24  }
0xb2: {  	[dreg:$0x5] =	wrdreg $0x69000  }
0xb3: {  	[dreg:$0x6] =	wrdreg $0x9  }
0xb4: {  	_ =	task.clear_ibuf [dreg:s8], $0x7FFFF;
	_ =	strace $0x90000046  }
0xb5: {  	s29 =	simm.s32 $0x9;
	_ =	strace $0x80000048  }
0xb6: {  	_ =	swait.ge [sflag:s29], $0x1  }
0xb7: {  	[sflag:s29] =	ssyncadd.s32 $0xFFFFFFFF  }
0xb8: {  	_ =	strace $0x90000048  }
0xb9: {  	_ =	sfence  }
0xba: {  	s30 =	sld [smem:$0x0];
	_ =	sdelay $0x2  }
0xbb: {  	s31 =	sshll.u32 s1, $0xD;
	s1 =	sshrl.u32 s1, $0x2  }
0xbc: {  	s3 =	sand.u32 $0x4000, s31;
	s1 =	sadd.s32 s1, s30  }
0xbd: {  	s0 =	sor.u32 s3, s0;
	s1 =	sshll.u32 s1, $0x11  }
0xbe: {  	s0 =	sor.u32 s1, s0  }
0xbf: {  	s0 =	sadd.s32 $0x8F2B, s0  }
0xc0: {  	[sflag:s0] =	ssyncadd.remote.s32 $0x1  }
0xc1: {  	_ =	sfence.sel $0xFFFF  }
0xc2: {  	[dreg:$0x0] =	wrdreg $0xFFFFFFFF;
	(pc) =	sbr.abs _section_cstart, $3  }
0xc3: {  	[dreg:$0x1] =	wrdreg $0xFFFFFFFF  }
0xc4: {  	_ =	task.clear_ibuf [dreg:s8], $0x2FFFF;
	_ =	strace $0x9FFFFFFF  }
0xc5: {  	(tm) =	ssettm $0x7FFFFFFF  }
tec
execute0_lowered:
.L_overlay_start_1:
0x0: {  	(tag) =	ssettag $0x1  }
0x1: {  	s2 =	srdreg.scid  }
0x2: {  	s0 =	rddreg [dreg:$0x0];
	s9 =	stileid.u32;
	s5 =	sand.u32 $0x1, s2  }
0x3: {  	s1 =	rddreg [dreg:$0x1];
	s6 =	smul.u32 $0x186A0, s9;
	s3 =	sshll.u32 s5, $0x4  }
0x4: {  	s4 =	rddreg [dreg:$0x2];
	s7 =	smul.u32 $0x186A00, s5;
	s8 =	sor.u32 s9, s3  }
0x5: {  	s2 =	rddreg [dreg:$0x3];
	s8 =	smul.u32 $0x2710, s8  }
0x6: {  	s20 =	ssub.s32 $0x2, s5;
	s3 =	simm.s32 $0x0;
	s9 =	smul.u32 $0x64000, s9  }
0x7: {  	s7 =	sadd.s32 s6, s7;
	[smem:$0x7FF] =	sst s3;
	s8 =	sshrl.u32 s8, $0x3  }
0x8: {  	s7 =	sshrl.u32 s7, $0x3;
	_ =	strace $0x80000047;
	s10 =	sadd.s32 s0, s8  }
0x9: {  	s7 =	sadd.s32 s7, s4;
	s22 =	sadd.s32 s1, s8;
	[dreg:$0x5] =	wrdreg s10  }
0xa: {  	s5 =	sshrl.u32 s20, $0x1;
	s17 =	sadd.s32 $0x600, s7;
	[dreg:$0x6] =	wrdreg s22  }
0xb: {  	s5 =	ssub.s32 s20, s5;
	s18 =	sadd.s32 $0x880, s7;
	[dreg:$0x15] =	wrdreg s17  }
0xc: {  	s9 =	sshrl.u32 s9, $0x2;
	s19 =	sadd.s32 $0xB00, s7;
	[dreg:$0x16] =	wrdreg s18  }
0xd: {  	s21 =	sadd.s32 $0xA0, s8;
	s20 =	sadd.s32 $0xD80, s7;
	[dreg:$0x17] =	wrdreg s19  }
0xe: {  	s4 =	sadd.s32 s9, s2;
	s23 =	sadd.s32 s0, s21;
	[dreg:$0x18] =	wrdreg s20  }
0xf: {  	s24 =	sadd.s32 $0x140, s8;
	s9 =	sadd.s32 s1, s21;
	[dreg:$0x7] =	wrdreg s23  }
0x10: {  	s25 =	sadd.s32 $0x1E0, s8;
	s11 =	sadd.s32 s0, s24;
	[dreg:$0x8] =	wrdreg s9  }
0x11: {  	s26 =	sadd.s32 s0, s25;
	[dreg:$0x9] =	wrdreg s11  }
0x12: {  	s29 =	sadd.s32 $0x280, s8;
	s28 =	sadd.s32 s1, s25;
	[dreg:$0xb] =	wrdreg s26  }
0x13: {  	s30 =	sadd.s32 $0x320, s8;
	s31 =	sadd.s32 s0, s29;
	[dreg:$0xc] =	wrdreg s28  }
0x14: {  	s12 =	sadd.s32 s0, s30;
	[dreg:$0xd] =	wrdreg s31  }
0x15: {  	s14 =	sadd.s32 $0x3C0, s8;
	s13 =	sadd.s32 s1, s30;
	[dreg:$0xf] =	wrdreg s12  }
0x16: {  	s8 =	sadd.s32 $0x460, s8;
	s15 =	sadd.s32 s0, s14;
	[dreg:$0x10] =	wrdreg s13  }
0x17: {  	s0 =	sadd.s32 s0, s8;
	[dreg:$0x11] =	wrdreg s15  }
0x18: {  	s16 =	sadd.s32 s1, s8;
	[dreg:$0x13] =	wrdreg s0  }
0x19: {  	s22 =	sadd.s32 $0x1000, s7;
	[dreg:$0x14] =	wrdreg s16  }
0x1a: {  	s25 =	sadd.s32 $0x1780, s7;
	[dreg:$0x19] =	wrdreg s22  }
0x1b: {  	s30 =	sadd.s32 $0x2180, s7;
	[dreg:$0x1c] =	wrdreg s25  }
0x1c: {  	s21 =	sadd.s32 s6, s2;
	s6 =	sadd.s32 $0x2900, s7;
	[smem:$0x7E4] =	sst s30  }
0x1d: {  	s8 =	sadd.s32 $0x2B80, s7;
	[smem:$0x7E7] =	sst s6  }
0x1e: {  	s10 =	sadd.s32 $0x3080, s7;
	[smem:$0x7E8] =	sst s8  }
0x1f: {  	s17 =	sadd.s32 $0xA000, s4;
	[smem:$0x7EA] =	sst s10  }
0x20: {  	s18 =	sadd.s32 $0xC800, s4;
	[smem:$0x7F1] =	sst s17  }
0x21: {  	s19 =	sadd.s32 $0xF000, s4;
	[smem:$0x7F2] =	sst s18  }
0x22: {  	s20 =	sadd.s32 $0x11800, s4;
	[smem:$0x7F3] =	sst s19  }
0x23: {  	s9 =	sadd.s32 s1, s24;
	[smem:$0x7F4] =	sst s20  }
0x24: {  	s23 =	sadd.s32 $0x1280, s7;
	[dreg:$0xa] =	wrdreg s9  }
0x25: {  	s24 =	sadd.s32 $0x1500, s7;
	[dreg:$0x1a] =	wrdreg s23  }
0x26: {  	s26 =	sadd.s32 $0x1A00, s7;
	[dreg:$0x1b] =	wrdreg s24  }
0x27: {  	s28 =	sadd.s32 $0x1C80, s7;
	[dreg:$0x1d] =	wrdreg s26  }
0x28: {  	s31 =	sadd.s32 $0x2400, s7;
	[dreg:$0x1e] =	wrdreg s28  }
0x29: {  	s11 =	sadd.s32 $0x3300, s7;
	s12 =	sadd.s32 $0x3580, s7;
	[smem:$0x7E5] =	sst s31  }
0x2a: {  	s13 =	smax.u32 s5, $0x1;
	s15 =	sadd.s32 $0x5000, s4;
	[smem:$0x7EB] =	sst s11  }
0x2b: {  	s16 =	sadd.s32 $0x7800, s4;
	s22 =	sadd.s32 $0x14000, s4;
	[smem:$0x7EC] =	sst s12  }
0x2c: {  	s25 =	sadd.s32 $0x2800, s21;
	s30 =	sadd.s32 $0x7800, s21;
	[smem:$0x7ED] =	sst s13  }
0x2d: {  	s0 =	sadd.s32 $0xA000, s21;
	s5 =	sadd.s32 $0xB400, s21;
	[smem:$0x7EF] =	sst s15  }
0x2e: {  	s6 =	sadd.s32 $0xC800, s21;
	s8 =	sadd.s32 $0xF000, s21;
	[smem:$0x7F0] =	sst s16  }
0x2f: {  	s10 =	sadd.s32 $0x11800, s21;
	s17 =	simm.s32 $0xA00;
	[smem:$0x7F5] =	sst s22  }
0x30: {  	s18 =	simm.s32 $0x500;
	s19 =	simm.s32 $0xF00;
	[smem:$0x7F8] =	sst s25  }
0x31: {  	s20 =	simm.s32 $0x2;
	s9 =	sadd.s32 s1, s29;
	[smem:$0x7FC] =	sst s30  }
0x32: {  	s29 =	sadd.s32 $0x1F00, s7;
	s23 =	sadd.s32 $0x16800, s4;
	[dreg:$0xe] =	wrdreg s9  }
0x33: {  	s24 =	sadd.s32 $0x1400, s21;
	s26 =	sadd.s32 $0x3C00, s21;
	[dreg:$0x1f] =	wrdreg s29  }
0x34: {  	s28 =	sadd.s32 $0x5000, s21;
	s31 =	sadd.s32 $0x8C00, s21;
	[smem:$0x7F6] =	sst s23  }
0x35: {  	s11 =	sadd.s32 $0x12C00, s21;
	s12 =	sadd.s32 $0x14000, s21;
	[smem:$0x7F7] =	sst s24  }
0x36: {  	s13 =	sadd.s32 $0x15400, s21;
	s15 =	sadd.s32 $0x17C00, s21;
	[smem:$0x7F9] =	sst s26  }
0x37: {  	s16 =	simm.s32 $0x4100;
	s22 =	simm.s32 $0x3;
	[smem:$0x7FA] =	sst s28  }
0x38: {  	s25 =	simm.s32 $0x5500;
	s9 =	sadd.s32 s1, s14;
	[smem:$0x7FD] =	sst s31  }
0x39: {  	s1 =	sadd.s32 $0x2680, s7;
	s14 =	sadd.s32 $0x2800, s4;
	[dreg:$0x12] =	wrdreg s9  }
0x3a: {  	s29 =	sadd.s32 $0x6400, s21;
	s23 =	simm.s32 $0x1;
	[smem:$0x7E6] =	sst s1  }
0x3b: {  	s24 =	simm.s32 $0x3C00;
	s26 =	simm.s32 $0x0;
	[smem:$0x7EE] =	sst s14  }
0x3c: {  	v0 =	vimm.f32 $0.0e+00;
	s9 =	sadd.s32 $0x2E00, s7;
	[smem:$0x7FB] =	sst s29;
	s7 =	sadd.s32 $0xDC00, s21  }
0x3d: {  	v1 =	vimm.f32 $1.000000000e+00;
	v2 =	vimm.s32 $0x0;
	v3 =	vimm.s32 $0x10;
	s14 =	sadd.s32 $0x16800, s21;
	[smem:$0x7E9] =	sst s9;
	s9 =	sadd.s32 $0x10400, s21  }
.LBB2_1:
0x3e: {  	s28 =	simm.s32 $0x40;
	s29 =	simm.s32 $0x0  }
.LBB2_2:
0x3f: {  	p0 =	sne.s32 s28, $0x9FC0;
	[tilespmem:s29+$0x4100] =	vst v0;
	s29 =	smov.u32 s28;
	s28 =	sadd.s32 $0x40, s28  }
.Ltmp0:
0x40: {  	(pc) =	sbr.rel @p0 .LBB2_2-.Ltmp0, $2  }
0x41: {  	_ =	sdelay $0x2  }
0x42: {  	s29 =	sshra.s32 s29, $0x2  }
0x43: {  	[tilespmem:s29+$0x4100] =	vst v0;
	s1 =	sld [smem:$0x7EE]  }
0x44: {  	[spmem:s4] =	stream.linear.scatter [tilespmem:s16], [sflag:$0x1], $0x2800, $0x38;
	[tilespmem:$0x1F900] =	vst v63  }
0x45: {  	s30 =	sld [smem:$0x7EF]  }
0x46: {  	[spmem:s1] =	stream.linear.scatter [tilespmem:s16], [sflag:$0x1], $0x2800, $0x38;
	[tilespmem:$0x1F900] =	vst v63  }
0x47: {  	s31 =	sld [smem:$0x7F0]  }
0x48: {  	[spmem:s30] =	stream.linear.scatter [tilespmem:s16], [sflag:$0x1], $0x2800, $0x38;
	[tilespmem:$0x1F900] =	vst v63  }
0x49: {  	s30 =	sld [smem:$0x7F1]  }
0x4a: {  	[spmem:s31] =	stream.linear.scatter [tilespmem:s16], [sflag:$0x1], $0x2800, $0x38;
	[tilespmem:$0x1F900] =	vst v63  }
0x4b: {  	s31 =	sld [smem:$0x7F2]  }
0x4c: {  	[spmem:s30] =	stream.linear.scatter [tilespmem:s16], [sflag:$0x1], $0x2800, $0x38;
	[tilespmem:$0x1F900] =	vst v63  }
0x4d: {  	s30 =	sld [smem:$0x7F3]  }
0x4e: {  	[spmem:s31] =	stream.linear.scatter [tilespmem:s16], [sflag:$0x1], $0x2800, $0x38;
	[tilespmem:$0x1F900] =	vst v63  }
0x4f: {  	s31 =	sld [smem:$0x7F4]  }
0x50: {  	[spmem:s30] =	stream.linear.scatter [tilespmem:s16], [sflag:$0x1], $0x2800, $0x38;
	[tilespmem:$0x1F900] =	vst v63  }
0x51: {  	s30 =	sld [smem:$0x7F5]  }
0x52: {  	[spmem:s31] =	stream.linear.scatter [tilespmem:s16], [sflag:$0x1], $0x2800, $0x38;
	[tilespmem:$0x1F900] =	vst v63  }
0x53: {  	s31 =	sld [smem:$0x7F6]  }
0x54: {  	[spmem:s30] =	stream.linear.scatter [tilespmem:s16], [sflag:$0x1], $0x2800, $0x38;
	[tilespmem:$0x1F900] =	vst v63  }
0x55: {  	s28 =	simm.s32 $0x40;
	s29 =	simm.s32 $0x0  }
0x56: {  	[spmem:s31] =	stream.linear.scatter [tilespmem:s16], [sflag:$0x1], $0x2800, $0x38;
	[tilespmem:$0x1F900] =	vst v63  }
.LBB2_4:
0x57: {  	p0 =	sne.s32 s28, $0x13C0;
	[tilespmem:s29+$0x3C00] =	vst v1;
	s29 =	smov.u32 s28;
	s28 =	sadd.s32 $0x40, s28  }
.Ltmp1:
0x58: {  	(pc) =	sbr.rel @p0 .LBB2_4-.Ltmp1, $2  }
0x59: {  	_ =	sdelay $0x2  }
0x5a: {  	s29 =	sshra.s32 s29, $0x2  }
0x5b: {  	[tilespmem:s29+$0x3C00] =	vst v1;
	s28 =	simm.s32 $0x0;
	s1 =	rddreg [dreg:$0x5]  }
0x5c: {  	[tilespmem:s28], [sflag:$0x2] =	stream.linear.gather [hbm4b:s1+s28], $0x500, $0x38;
	[tilespmem:$0x1F900] =	vst v63  }
0x5d: {  	s31 =	rddreg [dreg:$0x6]  }
0x5e: {  	[tilespmem:s17], [sflag:$0x2] =	stream.linear.gather [hbm4b:s31+s28], $0x500, $0x38;
	[tilespmem:$0x1F900] =	vst v63  }
0x5f: {  	s30 =	rddreg [dreg:$0x7]  }
0x60: {  	[tilespmem:s18], [sflag:$0x3] =	stream.linear.gather [hbm4b:s30+s28], $0x500, $0x38;
	[tilespmem:$0x1F900] =	vst v63  }
0x61: {  	s31 =	rddreg [dreg:$0x8]  }
0x62: {  	[tilespmem:s19], [sflag:$0x3] =	stream.linear.gather [hbm4b:s31+s28], $0x500, $0x38;
	[tilespmem:$0x1F900] =	vst v63  }
0x63: {  	_ =	swait.ge [sflag:s20], $0x500  }
0x64: {  	[sflag:s20] =	ssyncset.done $0x0  }
0x65: {  	[sflag:s20] =	ssyncadd.s32 $0xFFFFFB00  }
0x66: {  	_ =	swait.ge [sflag:s20], $0x500  }
0x67: {  	[sflag:s20] =	ssyncset.done $0x0  }
0x68: {  	s28 =	simm.s32 $0x0;
	[sflag:s20] =	ssyncadd.s32 $0xFFFFFB00  }
0x69: {  	v4 =	vld [tilespmem:s28+$0xA00]  }
0x6a: {  	s29 =	simm.s32 $0x40;
	v5 =	vld [tilespmem:s28+$0x0]  }
.LBB2_6:
0x6b: {  	_ = 	snop  }
0x6c: {  	p0 =	sne.s32 s29, $0x13C0  }
.Ltmp2:
0x6d: {  	_ = 	snop;
	(pc) =	sbr.rel @p0 .LBB2_6-.Ltmp2, $4  }
0x6e: {  	v6 =	vmul.u32 $0x186A0, v4  }
0x6f: {  	s30 =	sshra.s32 s29, $0x2  }
0x70: {  	v4 =	vld [tilespmem:s30+$0xA00];
	v6 =	vadd.s32 v5, v6  }
0x71: {  	s29 =	sadd.s32 $0x40, s29;
	v5 =	vld [tilespmem:s30+$0x0];
	[tilespmem:s28+$0x1400] =	vst v6;
	s28 =	smov.u32 s30  }
0x72: {  	_ =	sdelay $0x2  }
0x73: {  	v4 =	vmul.u32 $0x186A0, v4;
	_ =	sdelay $0x1  }
0x74: {  	v4 =	vadd.s32 v5, v4  }
0x75: {  	s1 =	rddreg [dreg:$0x9];
	[tilespmem:s28+$0x1400] =	vst v4;
	s28 =	simm.s32 $0x0  }
0x76: {  	[tilespmem:s28], [sflag:$0x2] =	stream.linear.gather [hbm4b:s1+s28], $0x500, $0x38;
	[tilespmem:$0x1F900] =	vst v63  }
0x77: {  	s31 =	rddreg [dreg:$0xa]  }
0x78: {  	[tilespmem:s17], [sflag:$0x2] =	stream.linear.gather [hbm4b:s31+s28], $0x500, $0x38;
	[tilespmem:$0x1F900] =	vst v63  }
0x79: {  	_ =	swait.ge [sflag:s22], $0x500  }
0x7a: {  	[sflag:s22] =	ssyncset.done $0x0  }
0x7b: {  	[sflag:s22] =	ssyncadd.s32 $0xFFFFFB00  }
0x7c: {  	_ =	swait.ge [sflag:s22], $0x500  }
0x7d: {  	[sflag:s22] =	ssyncset.done $0x0  }
0x7e: {  	s28 =	sand.u32 $0x7F0, s28;
	[sflag:s22] =	ssyncadd.s32 $0xFFFFFB00  }
0x7f: {  	v4 =	vld [tilespmem:s28+$0xF00]  }
0x80: {  	s29 =	simm.s32 $0x10;
	v5 =	vld [tilespmem:s28+$0x500]  }
.LBB2_8:
0x81: {  	_ = 	snop  }
0x82: {  	p0 =	sne.s32 s29, $0x4F0  }
.Ltmp3:
0x83: {  	_ = 	snop;
	(pc) =	sbr.rel @p0 .LBB2_8-.Ltmp3, $4  }
0x84: {  	v6 =	vmul.u32 $0x186A0, v4  }
0x85: {  	s30 =	sand.u32 $0x7F0, s29  }
0x86: {  	v4 =	vld [tilespmem:s30+$0xF00];
	v6 =	vadd.s32 v5, v6  }
0x87: {  	s29 =	sadd.s32 $0x10, s29;
	v5 =	vld [tilespmem:s30+$0x500];
	[tilespmem:s28+$0x1900] =	vst v6;
	s28 =	smov.u32 s30  }
0x88: {  	_ =	sdelay $0x2  }
0x89: {  	v4 =	vmul.u32 $0x186A0, v4;
	_ =	sdelay $0x1  }
0x8a: {  	v4 =	vadd.s32 v5, v4  }
0x8b: {  	s1 =	rddreg [dreg:$0xb];
	[tilespmem:s28+$0x1900] =	vst v4;
	s28 =	simm.s32 $0x0  }
0x8c: {  	[tilespmem:s18], [sflag:$0x3] =	stream.linear.gather [hbm4b:s1+s28], $0x500, $0x38;
	[tilespmem:$0x1F900] =	vst v63  }
0x8d: {  	s1 =	rddreg [dreg:$0xc]  }
0x8e: {  	[tilespmem:s19], [sflag:$0x3] =	stream.linear.gather [hbm4b:s1+s28], $0x500, $0x38;
	[tilespmem:$0x1F900] =	vst v63  }
0x8f: {  	_ =	swait.ge [sflag:s20], $0x500  }
0x90: {  	[sflag:s20] =	ssyncset.done $0x0  }
0x91: {  	[sflag:s20] =	ssyncadd.s32 $0xFFFFFB00  }
0x92: {  	_ =	swait.ge [sflag:s20], $0x500  }
0x93: {  	[sflag:s20] =	ssyncset.done $0x0  }
0x94: {  	s29 =	simm.s32 $0xA00;
	[sflag:s20] =	ssyncadd.s32 $0xFFFFFB00  }
0x95: {  	v4 =	vld [tilespmem:s29+$0x0];
	_ =	sdelay $0x1  }
0x96: {  	v5 =	vld [tilespmem:s28+$0x0];
	_ =	sdelay $0x2  }
0x97: {  	v4 =	vmul.u32 $0x186A0, v4;
	_ =	sdelay $0x1  }
0x98: {  	s29 =	sand.u32 $0x7F0, s28;
	v4 =	vadd.s32 v5, v4  }
0x99: {  	s30 =	simm.s32 $0xA10;
	[tilespmem:s29+$0x1E00] =	vst v4  }
0x9a: {  	s31 =	simm.s32 $0x20;
	s29 =	simm.s32 $0x10;
	v4 =	vld [tilespmem:s30+$0x0]  }
.LBB2_10:
0x9b: {  	p0 =	sne.s32 s31, $0x4F0;
	s28 =	sadd.s32 $0x10, s28  }
0x9c: {  	v5 =	vld [tilespmem:s28+$0x0];
	_ =	sdelay $0x2  }
.Ltmp4:
0x9d: {  	v4 =	vmul.u32 $0x186A0, v4;
	(pc) =	sbr.rel @p0 .LBB2_10-.Ltmp4, $4  }
0x9e: {  	_ = 	snop  }
0x9f: {  	s1 =	sand.u32 $0x7F0, s29;
	s29 =	smov.u32 s31;
	v4 =	vadd.s32 v5, v4  }
0xa0: {  	s30 =	sadd.s32 $0x10, s30;
	[tilespmem:s1+$0x1E00] =	vst v4  }
0xa1: {  	s31 =	sadd.s32 $0x10, s31;
	v4 =	vld [tilespmem:s30+$0x0]  }
0xa2: {  	s1 =	sadd.s32 $0x10, s28  }
0xa3: {  	v5 =	vld [tilespmem:s1+$0x0];
	_ =	sdelay $0x2  }
0xa4: {  	v4 =	vmul.u32 $0x186A0, v4;
	_ =	sdelay $0x1  }
0xa5: {  	s30 =	sand.u32 $0x7F0, s29;
	v4 =	vadd.s32 v5, v4  }
0xa6: {  	s31 =	simm.s32 $0x0;
	s28 =	rddreg [dreg:$0xd];
	[tilespmem:s30+$0x1E00] =	vst v4  }
0xa7: {  	[tilespmem:s31], [sflag:$0x2] =	stream.linear.gather [hbm4b:s28+s31], $0x500, $0x38;
	[tilespmem:$0x1F900] =	vst v63  }
0xa8: {  	s28 =	rddreg [dreg:$0xe]  }
0xa9: {  	[tilespmem:s17], [sflag:$0x2] =	stream.linear.gather [hbm4b:s28+s31], $0x500, $0x38;
	[tilespmem:$0x1F900] =	vst v63  }
0xaa: {  	_ =	swait.ge [sflag:s22], $0x500  }
0xab: {  	[sflag:s22] =	ssyncset.done $0x0  }
0xac: {  	[sflag:s22] =	ssyncadd.s32 $0xFFFFFB00  }
0xad: {  	_ =	swait.ge [sflag:s22], $0x500  }
0xae: {  	[sflag:s22] =	ssyncset.done $0x0  }
0xaf: {  	s28 =	sand.u32 $0x7F0, s31;
	[sflag:s22] =	ssyncadd.s32 $0xFFFFFB00  }
0xb0: {  	v4 =	vld [tilespmem:s28+$0xF00]  }
0xb1: {  	s29 =	simm.s32 $0x10;
	v5 =	vld [tilespmem:s28+$0x500]  }
.LBB2_12:
0xb2: {  	_ = 	snop  }
0xb3: {  	p0 =	sne.s32 s29, $0x4F0  }
.Ltmp5:
0xb4: {  	_ = 	snop;
	(pc) =	sbr.rel @p0 .LBB2_12-.Ltmp5, $4  }
0xb5: {  	v6 =	vmul.u32 $0x186A0, v4  }
0xb6: {  	s1 =	sand.u32 $0x7F0, s29  }
0xb7: {  	v4 =	vld [tilespmem:s1+$0xF00];
	v6 =	vadd.s32 v5, v6  }
0xb8: {  	s29 =	sadd.s32 $0x10, s29;
	v5 =	vld [tilespmem:s1+$0x500];
	[tilespmem:s28+$0x2300] =	vst v6;
	s28 =	smov.u32 s1  }
0xb9: {  	_ =	sdelay $0x2  }
0xba: {  	v4 =	vmul.u32 $0x186A0, v4;
	_ =	sdelay $0x1  }
0xbb: {  	v4 =	vadd.s32 v5, v4  }
0xbc: {  	s1 =	rddreg [dreg:$0xf];
	[tilespmem:s28+$0x2300] =	vst v4;
	s28 =	simm.s32 $0x0  }
0xbd: {  	[tilespmem:s18], [sflag:$0x3] =	stream.linear.gather [hbm4b:s1+s28], $0x500, $0x38;
	[tilespmem:$0x1F900] =	vst v63  }
0xbe: {  	s1 =	rddreg [dreg:$0x10]  }
0xbf: {  	[tilespmem:s19], [sflag:$0x3] =	stream.linear.gather [hbm4b:s1+s28], $0x500, $0x38;
	[tilespmem:$0x1F900] =	vst v63  }
0xc0: {  	_ =	swait.ge [sflag:s20], $0x500  }
0xc1: {  	[sflag:s20] =	ssyncset.done $0x0  }
0xc2: {  	[sflag:s20] =	ssyncadd.s32 $0xFFFFFB00  }
0xc3: {  	_ =	swait.ge [sflag:s20], $0x500  }
0xc4: {  	[sflag:s20] =	ssyncset.done $0x0  }
0xc5: {  	s1 =	simm.s32 $0xA00;
	[sflag:s20] =	ssyncadd.s32 $0xFFFFFB00  }
0xc6: {  	v4 =	vld [tilespmem:s1+$0x0];
	_ =	sdelay $0x1  }
0xc7: {  	v5 =	vld [tilespmem:s28+$0x0];
	_ =	sdelay $0x2  }
0xc8: {  	v4 =	vmul.u32 $0x186A0, v4;
	_ =	sdelay $0x1  }
0xc9: {  	s1 =	sand.u32 $0x7F0, s28;
	v4 =	vadd.s32 v5, v4  }
0xca: {  	s30 =	simm.s32 $0xA10;
	[tilespmem:s1+$0x2800] =	vst v4  }
0xcb: {  	s29 =	simm.s32 $0x10;
	s31 =	simm.s32 $0x20;
	v4 =	vld [tilespmem:s30+$0x0]  }
.LBB2_14:
0xcc: {  	p0 =	sne.s32 s31, $0x4F0;
	s28 =	sadd.s32 $0x10, s28  }
0xcd: {  	v5 =	vld [tilespmem:s28+$0x0];
	_ =	sdelay $0x2  }
.Ltmp6:
0xce: {  	v4 =	vmul.u32 $0x186A0, v4;
	(pc) =	sbr.rel @p0 .LBB2_14-.Ltmp6, $4  }
0xcf: {  	_ = 	snop  }
0xd0: {  	s1 =	sand.u32 $0x7F0, s29;
	s29 =	smov.u32 s31;
	v4 =	vadd.s32 v5, v4  }
0xd1: {  	s30 =	sadd.s32 $0x10, s30;
	[tilespmem:s1+$0x2800] =	vst v4  }
0xd2: {  	s31 =	sadd.s32 $0x10, s31;
	v4 =	vld [tilespmem:s30+$0x0]  }
0xd3: {  	s1 =	sadd.s32 $0x10, s28  }
0xd4: {  	v5 =	vld [tilespmem:s1+$0x0];
	_ =	sdelay $0x2  }
0xd5: {  	v4 =	vmul.u32 $0x186A0, v4;
	_ =	sdelay $0x1  }
0xd6: {  	s30 =	sand.u32 $0x7F0, s29;
	v4 =	vadd.s32 v5, v4  }
0xd7: {  	s31 =	simm.s32 $0x0;
	s28 =	rddreg [dreg:$0x11];
	[tilespmem:s30+$0x2800] =	vst v4  }
0xd8: {  	[tilespmem:s31], [sflag:$0x2] =	stream.linear.gather [hbm4b:s28+s31], $0x500, $0x38;
	[tilespmem:$0x1F900] =	vst v63  }
0xd9: {  	s28 =	rddreg [dreg:$0x12]  }
0xda: {  	[tilespmem:s17], [sflag:$0x2] =	stream.linear.gather [hbm4b:s28+s31], $0x500, $0x38;
	[tilespmem:$0x1F900] =	vst v63  }
0xdb: {  	_ =	swait.ge [sflag:s22], $0x500  }
0xdc: {  	[sflag:s22] =	ssyncset.done $0x0  }
0xdd: {  	[sflag:s22] =	ssyncadd.s32 $0xFFFFFB00  }
0xde: {  	_ =	swait.ge [sflag:s22], $0x500  }
0xdf: {  	[sflag:s22] =	ssyncset.done $0x0  }
0xe0: {  	s28 =	sand.u32 $0x7F0, s31;
	[sflag:s22] =	ssyncadd.s32 $0xFFFFFB00  }
0xe1: {  	v4 =	vld [tilespmem:s28+$0xF00]  }
0xe2: {  	s29 =	simm.s32 $0x10;
	v5 =	vld [tilespmem:s28+$0x500]  }
.LBB2_16:
0xe3: {  	_ = 	snop  }
0xe4: {  	p0 =	sne.s32 s29, $0x4F0  }
.Ltmp7:
0xe5: {  	_ = 	snop;
	(pc) =	sbr.rel @p0 .LBB2_16-.Ltmp7, $4  }
0xe6: {  	v6 =	vmul.u32 $0x186A0, v4  }
0xe7: {  	s1 =	sand.u32 $0x7F0, s29  }
0xe8: {  	v4 =	vld [tilespmem:s1+$0xF00];
	v6 =	vadd.s32 v5, v6  }
0xe9: {  	s29 =	sadd.s32 $0x10, s29;
	v5 =	vld [tilespmem:s1+$0x500];
	[tilespmem:s28+$0x2D00] =	vst v6;
	s28 =	smov.u32 s1  }
0xea: {  	_ =	sdelay $0x2  }
0xeb: {  	v4 =	vmul.u32 $0x186A0, v4;
	_ =	sdelay $0x1  }
0xec: {  	v4 =	vadd.s32 v5, v4  }
0xed: {  	s1 =	rddreg [dreg:$0x13];
	[tilespmem:s28+$0x2D00] =	vst v4;
	s28 =	simm.s32 $0x0  }
0xee: {  	[tilespmem:s18], [sflag:$0x3] =	stream.linear.gather [hbm4b:s1+s28], $0x410, $0x38;
	[tilespmem:$0x1F900] =	vst v63  }
0xef: {  	s1 =	rddreg [dreg:$0x14]  }
0xf0: {  	[tilespmem:s19], [sflag:$0x3] =	stream.linear.gather [hbm4b:s1+s28], $0x410, $0x38;
	[tilespmem:$0x1F900] =	vst v63  }
0xf1: {  	_ =	swait.ge [sflag:s20], $0x500  }
0xf2: {  	[sflag:s20] =	ssyncset.done $0x0  }
0xf3: {  	[sflag:s20] =	ssyncadd.s32 $0xFFFFFB00  }
0xf4: {  	_ =	swait.ge [sflag:s20], $0x500  }
0xf5: {  	[sflag:s20] =	ssyncset.done $0x0  }
0xf6: {  	s1 =	simm.s32 $0xA00;
	[sflag:s20] =	ssyncadd.s32 $0xFFFFFB00  }
0xf7: {  	v4 =	vld [tilespmem:s1+$0x0];
	_ =	sdelay $0x1  }
0xf8: {  	v5 =	vld [tilespmem:s28+$0x0];
	_ =	sdelay $0x2  }
0xf9: {  	v4 =	vmul.u32 $0x186A0, v4;
	_ =	sdelay $0x1  }
0xfa: {  	s1 =	sand.u32 $0x7F0, s28;
	v4 =	vadd.s32 v5, v4  }
0xfb: {  	s30 =	simm.s32 $0xA10;
	[tilespmem:s1+$0x3200] =	vst v4  }
0xfc: {  	s29 =	simm.s32 $0x10;
	s31 =	simm.s32 $0x20;
	v4 =	vld [tilespmem:s30+$0x0]  }
.LBB2_18:
0xfd: {  	p0 =	sne.s32 s31, $0x4F0;
	s28 =	sadd.s32 $0x10, s28  }
0xfe: {  	v5 =	vld [tilespmem:s28+$0x0];
	_ =	sdelay $0x2  }
.Ltmp8:
0xff: {  	v4 =	vmul.u32 $0x186A0, v4;
	(pc) =	sbr.rel @p0 .LBB2_18-.Ltmp8, $4  }
0x100: {  	_ = 	snop  }
0x101: {  	s1 =	sand.u32 $0x7F0, s29;
	s29 =	smov.u32 s31;
	v4 =	vadd.s32 v5, v4  }
0x102: {  	s30 =	sadd.s32 $0x10, s30;
	[tilespmem:s1+$0x3200] =	vst v4  }
0x103: {  	s31 =	sadd.s32 $0x10, s31;
	v4 =	vld [tilespmem:s30+$0x0]  }
0x104: {  	s1 =	sadd.s32 $0x10, s28  }
0x105: {  	v5 =	vld [tilespmem:s1+$0x0];
	_ =	sdelay $0x2  }
0x106: {  	v4 =	vmul.u32 $0x186A0, v4;
	_ =	sdelay $0x1  }
0x107: {  	s30 =	sand.u32 $0x7F0, s29;
	v4 =	vadd.s32 v5, v4  }
0x108: {  	[tilespmem:s30+$0x3200] =	vst v4  }
0x109: {  	_ =	swait.ge [sflag:s22], $0x410  }
0x10a: {  	[sflag:s22] =	ssyncset.done $0x0  }
0x10b: {  	[sflag:s22] =	ssyncadd.s32 $0xFFFFFBF0  }
0x10c: {  	_ =	swait.ge [sflag:s22], $0x410  }
0x10d: {  	[sflag:s22] =	ssyncset.done $0x0  }
0x10e: {  	[sflag:s22] =	ssyncadd.s32 $0xFFFFFBF0  }
0x10f: {  	[tilespmem:$0x910] =	vst v2  }
0x110: {  	[tilespmem:$0x1310] =	vst v3  }
0x111: {  	[tilespmem:$0x920] =	vst v2  }
0x112: {  	[tilespmem:$0x1320] =	vst v3  }
0x113: {  	[tilespmem:$0x930] =	vst v2  }
0x114: {  	[tilespmem:$0x1330] =	vst v3  }
0x115: {  	[tilespmem:$0x940] =	vst v2  }
0x116: {  	[tilespmem:$0x1340] =	vst v3  }
0x117: {  	[tilespmem:$0x950] =	vst v2  }
0x118: {  	[tilespmem:$0x1350] =	vst v3  }
0x119: {  	[tilespmem:$0x960] =	vst v2  }
0x11a: {  	[tilespmem:$0x1360] =	vst v3  }
0x11b: {  	[tilespmem:$0x970] =	vst v2  }
0x11c: {  	[tilespmem:$0x1370] =	vst v3  }
0x11d: {  	[tilespmem:$0x980] =	vst v2  }
0x11e: {  	[tilespmem:$0x1380] =	vst v3  }
0x11f: {  	[tilespmem:$0x990] =	vst v2  }
0x120: {  	[tilespmem:$0x1390] =	vst v3  }
0x121: {  	[tilespmem:$0x9A0] =	vst v2  }
0x122: {  	[tilespmem:$0x13A0] =	vst v3  }
0x123: {  	[tilespmem:$0x9B0] =	vst v2  }
0x124: {  	[tilespmem:$0x13B0] =	vst v3  }
0x125: {  	[tilespmem:$0x9C0] =	vst v2  }
0x126: {  	[tilespmem:$0x13C0] =	vst v3  }
0x127: {  	[tilespmem:$0x9D0] =	vst v2  }
0x128: {  	[tilespmem:$0x13D0] =	vst v3  }
0x129: {  	[tilespmem:$0x9E0] =	vst v2  }
0x12a: {  	[tilespmem:$0x13E0] =	vst v3  }
0x12b: {  	s31 =	simm.s32 $0x0;
	[tilespmem:$0x9F0] =	vst v2  }
0x12c: {  	s28 =	sand.u32 $0x7F0, s31;
	[tilespmem:$0x13F0] =	vst v3  }
0x12d: {  	v4 =	vld [tilespmem:s28+$0xF00]  }
0x12e: {  	s29 =	simm.s32 $0x10;
	v5 =	vld [tilespmem:s28+$0x500]  }
.LBB2_20:
0x12f: {  	_ = 	snop  }
0x130: {  	p0 =	sne.s32 s29, $0x4F0  }
.Ltmp9:
0x131: {  	_ = 	snop;
	(pc) =	sbr.rel @p0 .LBB2_20-.Ltmp9, $4  }
0x132: {  	v6 =	vmul.u32 $0x186A0, v4  }
0x133: {  	s1 =	sand.u32 $0x7F0, s29  }
0x134: {  	v4 =	vld [tilespmem:s1+$0xF00];
	v6 =	vadd.s32 v5, v6  }
0x135: {  	s29 =	sadd.s32 $0x10, s29;
	v5 =	vld [tilespmem:s1+$0x500];
	[tilespmem:s28+$0x3700] =	vst v6;
	s28 =	smov.u32 s1  }
0x136: {  	_ =	sdelay $0x2  }
0x137: {  	v4 =	vmul.u32 $0x186A0, v4;
	_ =	sdelay $0x1  }
0x138: {  	v4 =	vadd.s32 v5, v4  }
0x139: {  	[tilespmem:s28+$0x3700] =	vst v4  }
0x13a: {  	_ =	swait.ge [sflag:s23], $0x2800  }
0x13b: {  	[sflag:s23] =	ssyncset.done $0x0  }
0x13c: {  	[sflag:s23] =	ssyncadd.s32 $0xFFFFD800  }
0x13d: {  	_ =	swait.ge [sflag:s23], $0x2800  }
0x13e: {  	[sflag:s23] =	ssyncset.done $0x0  }
0x13f: {  	[sflag:s23] =	ssyncadd.s32 $0xFFFFD800  }
0x140: {  	_ =	swait.ge [sflag:s23], $0x2800  }
0x141: {  	[sflag:s23] =	ssyncset.done $0x0  }
0x142: {  	[sflag:s23] =	ssyncadd.s32 $0xFFFFD800  }
0x143: {  	_ =	swait.ge [sflag:s23], $0x2800  }
0x144: {  	[sflag:s23] =	ssyncset.done $0x0  }
0x145: {  	[sflag:s23] =	ssyncadd.s32 $0xFFFFD800  }
0x146: {  	_ =	swait.ge [sflag:s23], $0x2800  }
0x147: {  	[sflag:s23] =	ssyncset.done $0x0  }
0x148: {  	[sflag:s23] =	ssyncadd.s32 $0xFFFFD800  }
0x149: {  	_ =	swait.ge [sflag:s23], $0x2800  }
0x14a: {  	[sflag:s23] =	ssyncset.done $0x0  }
0x14b: {  	[sflag:s23] =	ssyncadd.s32 $0xFFFFD800  }
0x14c: {  	_ =	swait.ge [sflag:s23], $0x2800  }
0x14d: {  	[sflag:s23] =	ssyncset.done $0x0  }
0x14e: {  	[sflag:s23] =	ssyncadd.s32 $0xFFFFD800  }
0x14f: {  	_ =	swait.ge [sflag:s23], $0x2800  }
0x150: {  	[sflag:s23] =	ssyncset.done $0x0  }
0x151: {  	[sflag:s23] =	ssyncadd.s32 $0xFFFFD800  }
0x152: {  	_ =	swait.ge [sflag:s23], $0x2800  }
0x153: {  	[sflag:s23] =	ssyncset.done $0x0  }
0x154: {  	[sflag:s23] =	ssyncadd.s32 $0xFFFFD800  }
0x155: {  	_ =	swait.ge [sflag:s23], $0x2800  }
0x156: {  	[sflag:s23] =	ssyncset.done $0x0  }
0x157: {  	[sflag:s23] =	ssyncadd.s32 $0xFFFFD800  }
0x158: {  	s1 =	simm.s32 $0x1400;
	[bflag:$0x0] =	sbarrier.arrive $0xFFFF  }
0x159: {  	[spmem:s2] =	stream.indirect.scatter.add.f32 [tilespmem:s24], [sflag:$0x1], $0x1, s1, s18, $0xb8;
	[tilespmem:$0x1F900] =	vst v63  }
0x15a: {  	s29 =	simm.s32 $0x1900  }
0x15b: {  	[spmem:s2] =	stream.indirect.scatter.add.f32 [tilespmem:s24], [sflag:$0x1], $0x1, s29, s18, $0xb8;
	[tilespmem:$0x1F900] =	vst v63  }
0x15c: {  	s30 =	simm.s32 $0x1E00  }
0x15d: {  	[spmem:s2] =	stream.indirect.scatter.add.f32 [tilespmem:s24], [sflag:$0x1], $0x1, s30, s18, $0xb8;
	[tilespmem:$0x1F900] =	vst v63  }
0x15e: {  	s31 =	simm.s32 $0x2300  }
0x15f: {  	[spmem:s2] =	stream.indirect.scatter.add.f32 [tilespmem:s24], [sflag:$0x1], $0x1, s31, s18, $0xb8;
	[tilespmem:$0x1F900] =	vst v63  }
0x160: {  	s28 =	simm.s32 $0x2800  }
0x161: {  	[spmem:s2] =	stream.indirect.scatter.add.f32 [tilespmem:s24], [sflag:$0x1], $0x1, s28, s18, $0xb8;
	[tilespmem:$0x1F900] =	vst v63  }
0x162: {  	s29 =	simm.s32 $0x2D00  }
0x163: {  	[spmem:s2] =	stream.indirect.scatter.add.f32 [tilespmem:s24], [sflag:$0x1], $0x1, s29, s18, $0xb8;
	[tilespmem:$0x1F900] =	vst v63  }
0x164: {  	s30 =	simm.s32 $0x3200  }
0x165: {  	[spmem:s2] =	stream.indirect.scatter.add.f32 [tilespmem:s24], [sflag:$0x1], $0x1, s30, s18, $0xb8;
	[tilespmem:$0x1F900] =	vst v63  }
0x166: {  	s31 =	simm.s32 $0x3700  }
0x167: {  	[spmem:s2] =	stream.indirect.scatter.add.f32 [tilespmem:s24], [sflag:$0x1], $0x1, s31, s18, $0xb8;
	[tilespmem:$0x1F900] =	vst v63  }
0x168: {  	_ =	swait.ge [sflag:s23], $0x500  }
0x169: {  	[sflag:s23] =	ssyncset.done $0x0  }
0x16a: {  	[sflag:s23] =	ssyncadd.s32 $0xFFFFFB00  }
0x16b: {  	_ =	swait.ge [sflag:s23], $0x500  }
0x16c: {  	[sflag:s23] =	ssyncset.done $0x0  }
0x16d: {  	[sflag:s23] =	ssyncadd.s32 $0xFFFFFB00  }
0x16e: {  	_ =	swait.ge [sflag:s23], $0x500  }
0x16f: {  	[sflag:s23] =	ssyncset.done $0x0  }
0x170: {  	[sflag:s23] =	ssyncadd.s32 $0xFFFFFB00  }
0x171: {  	_ =	swait.ge [sflag:s23], $0x500  }
0x172: {  	[sflag:s23] =	ssyncset.done $0x0  }
0x173: {  	[sflag:s23] =	ssyncadd.s32 $0xFFFFFB00  }
0x174: {  	_ =	swait.ge [sflag:s23], $0x500  }
0x175: {  	[sflag:s23] =	ssyncset.done $0x0  }
0x176: {  	[sflag:s23] =	ssyncadd.s32 $0xFFFFFB00  }
0x177: {  	_ =	swait.ge [sflag:s23], $0x500  }
0x178: {  	[sflag:s23] =	ssyncset.done $0x0  }
0x179: {  	[sflag:s23] =	ssyncadd.s32 $0xFFFFFB00  }
0x17a: {  	_ =	swait.ge [sflag:s23], $0x500  }
0x17b: {  	[sflag:s23] =	ssyncset.done $0x0  }
0x17c: {  	[sflag:s23] =	ssyncadd.s32 $0xFFFFFB00  }
0x17d: {  	_ =	swait.ge [sflag:s23], $0x500  }
0x17e: {  	[sflag:s23] =	ssyncset.done $0x0  }
0x17f: {  	[sflag:s23] =	ssyncadd.s32 $0xFFFFFB00  }
0x180: {  	[bflag:$0x0] =	sbarrier.arrive $0xFFFF  }
0x181: {  	s28 =	sld [smem:$0x7F7]  }
0x182: {  	[tilespmem:s16], [sflag:$0x1] =	stream.linear.gather [spmem:s21], $0x1400, $0x38;
	[tilespmem:$0x1F900] =	vst v63  }
0x183: {  	_ = 	snop  }
0x184: {  	[tilespmem:s25], [sflag:$0x1] =	stream.linear.gather [spmem:s28], $0x1400, $0x38;
	[tilespmem:$0x1F900] =	vst v63  }
0x185: {  	_ =	swait.ge [sflag:s23], $0x1400  }
0x186: {  	[sflag:s23] =	ssyncset.done $0x0  }
0x187: {  	s29 =	rddreg [dreg:$0x15];
	[sflag:s23] =	ssyncadd.s32 $0xFFFFEC00  }
0x188: {  	[hbm4b:s29+s3] =	stream.linear.scatter [tilespmem:s16], [sflag:$0x2], $0x1400, $0x38;
	[tilespmem:$0x1F900] =	vst v63  }
0x189: {  	_ =	swait.ge [sflag:s20], $0x1400  }
0x18a: {  	s30 =	sld [smem:$0x7F8]  }
0x18b: {  	[sflag:s20] =	ssyncset.done $0x0  }
0x18c: {  	[sflag:s20] =	ssyncadd.s32 $0xFFFFEC00  }
0x18d: {  	[tilespmem:s16], [sflag:$0x1] =	stream.linear.gather [spmem:s30], $0x1400, $0x38;
	[tilespmem:$0x1F900] =	vst v63  }
0x18e: {  	_ =	swait.ge [sflag:s23], $0x1400  }
0x18f: {  	[sflag:s23] =	ssyncset.done $0x0  }
0x190: {  	s31 =	rddreg [dreg:$0x16];
	[sflag:s23] =	ssyncadd.s32 $0xFFFFEC00  }
0x191: {  	[hbm4b:s31+s3] =	stream.linear.scatter [tilespmem:s25], [sflag:$0x3], $0x1400, $0x38;
	[tilespmem:$0x1F900] =	vst v63  }
0x192: {  	_ =	swait.ge [sflag:s22], $0x1400  }
0x193: {  	s28 =	sld [smem:$0x7F9]  }
0x194: {  	[sflag:s22] =	ssyncset.done $0x0  }
0x195: {  	[sflag:s22] =	ssyncadd.s32 $0xFFFFEC00  }
0x196: {  	[tilespmem:s25], [sflag:$0x1] =	stream.linear.gather [spmem:s28], $0x1400, $0x38;
	[tilespmem:$0x1F900] =	vst v63  }
0x197: {  	_ =	swait.ge [sflag:s23], $0x1400  }
0x198: {  	[sflag:s23] =	ssyncset.done $0x0  }
0x199: {  	s29 =	rddreg [dreg:$0x17];
	[sflag:s23] =	ssyncadd.s32 $0xFFFFEC00  }
0x19a: {  	[hbm4b:s29+s3] =	stream.linear.scatter [tilespmem:s16], [sflag:$0x2], $0x1400, $0x38;
	[tilespmem:$0x1F900] =	vst v63  }
0x19b: {  	_ =	swait.ge [sflag:s20], $0x1400  }
0x19c: {  	s30 =	sld [smem:$0x7FA]  }
0x19d: {  	[sflag:s20] =	ssyncset.done $0x0  }
0x19e: {  	[sflag:s20] =	ssyncadd.s32 $0xFFFFEC00  }
0x19f: {  	[tilespmem:s16], [sflag:$0x1] =	stream.linear.gather [spmem:s30], $0x1400, $0x38;
	[tilespmem:$0x1F900] =	vst v63  }
0x1a0: {  	_ =	swait.ge [sflag:s23], $0x1400  }
0x1a1: {  	[sflag:s23] =	ssyncset.done $0x0  }
0x1a2: {  	s31 =	rddreg [dreg:$0x18];
	[sflag:s23] =	ssyncadd.s32 $0xFFFFEC00  }
0x1a3: {  	[hbm4b:s31+s3] =	stream.linear.scatter [tilespmem:s25], [sflag:$0x3], $0x1400, $0x38;
	[tilespmem:$0x1F900] =	vst v63  }
0x1a4: {  	_ =	swait.ge [sflag:s22], $0x1400  }
0x1a5: {  	s28 =	sld [smem:$0x7FB]  }
0x1a6: {  	[sflag:s22] =	ssyncset.done $0x0  }
0x1a7: {  	[sflag:s22] =	ssyncadd.s32 $0xFFFFEC00  }
0x1a8: {  	[tilespmem:s25], [sflag:$0x1] =	stream.linear.gather [spmem:s28], $0x1400, $0x38;
	[tilespmem:$0x1F900] =	vst v63  }
0x1a9: {  	_ =	swait.ge [sflag:s23], $0x1400  }
0x1aa: {  	[sflag:s23] =	ssyncset.done $0x0  }
0x1ab: {  	s29 =	rddreg [dreg:$0x19];
	[sflag:s23] =	ssyncadd.s32 $0xFFFFEC00  }
0x1ac: {  	[hbm4b:s29+s3] =	stream.linear.scatter [tilespmem:s16], [sflag:$0x2], $0x1400, $0x38;
	[tilespmem:$0x1F900] =	vst v63  }
0x1ad: {  	_ =	swait.ge [sflag:s20], $0x1400  }
0x1ae: {  	s30 =	sld [smem:$0x7FC]  }
0x1af: {  	[sflag:s20] =	ssyncset.done $0x0  }
0x1b0: {  	[sflag:s20] =	ssyncadd.s32 $0xFFFFEC00  }
0x1b1: {  	[tilespmem:s16], [sflag:$0x1] =	stream.linear.gather [spmem:s30], $0x1400, $0x38;
	[tilespmem:$0x1F900] =	vst v63  }
0x1b2: {  	_ =	swait.ge [sflag:s23], $0x1400  }
0x1b3: {  	[sflag:s23] =	ssyncset.done $0x0  }
0x1b4: {  	s31 =	rddreg [dreg:$0x1a];
	[sflag:s23] =	ssyncadd.s32 $0xFFFFEC00  }
0x1b5: {  	[hbm4b:s31+s3] =	stream.linear.scatter [tilespmem:s25], [sflag:$0x3], $0x1400, $0x38;
	[tilespmem:$0x1F900] =	vst v63  }
0x1b6: {  	_ =	swait.ge [sflag:s22], $0x1400  }
0x1b7: {  	s28 =	sld [smem:$0x7FD]  }
0x1b8: {  	[sflag:s22] =	ssyncset.done $0x0  }
0x1b9: {  	[sflag:s22] =	ssyncadd.s32 $0xFFFFEC00  }
0x1ba: {  	[tilespmem:s25], [sflag:$0x1] =	stream.linear.gather [spmem:s28], $0x1400, $0x38;
	[tilespmem:$0x1F900] =	vst v63  }
0x1bb: {  	_ =	swait.ge [sflag:s23], $0x1400  }
0x1bc: {  	[sflag:s23] =	ssyncset.done $0x0  }
0x1bd: {  	s29 =	rddreg [dreg:$0x1b];
	[sflag:s23] =	ssyncadd.s32 $0xFFFFEC00  }
0x1be: {  	[hbm4b:s29+s3] =	stream.linear.scatter [tilespmem:s16], [sflag:$0x2], $0x1400, $0x38;
	[tilespmem:$0x1F900] =	vst v63  }
0x1bf: {  	_ =	swait.ge [sflag:s20], $0x1400  }
0x1c0: {  	[sflag:s20] =	ssyncset.done $0x0  }
0x1c1: {  	[sflag:s20] =	ssyncadd.s32 $0xFFFFEC00  }
0x1c2: {  	[tilespmem:s16], [sflag:$0x1] =	stream.linear.gather [spmem:s0], $0x1400, $0x38;
	[tilespmem:$0x1F900] =	vst v63  }
0x1c3: {  	_ =	swait.ge [sflag:s23], $0x1400  }
0x1c4: {  	[sflag:s23] =	ssyncset.done $0x0  }
0x1c5: {  	s30 =	rddreg [dreg:$0x1c];
	[sflag:s23] =	ssyncadd.s32 $0xFFFFEC00  }
0x1c6: {  	[hbm4b:s30+s3] =	stream.linear.scatter [tilespmem:s25], [sflag:$0x3], $0x1400, $0x38;
	[tilespmem:$0x1F900] =	vst v63  }
0x1c7: {  	_ =	swait.ge [sflag:s22], $0x1400  }
0x1c8: {  	[sflag:s22] =	ssyncset.done $0x0  }
0x1c9: {  	[sflag:s22] =	ssyncadd.s32 $0xFFFFEC00  }
0x1ca: {  	[tilespmem:s25], [sflag:$0x1] =	stream.linear.gather [spmem:s5], $0x1400, $0x38;
	[tilespmem:$0x1F900] =	vst v63  }
0x1cb: {  	_ =	swait.ge [sflag:s23], $0x1400  }
0x1cc: {  	[sflag:s23] =	ssyncset.done $0x0  }
0x1cd: {  	s31 =	rddreg [dreg:$0x1d];
	[sflag:s23] =	ssyncadd.s32 $0xFFFFEC00  }
0x1ce: {  	[hbm4b:s31+s3] =	stream.linear.scatter [tilespmem:s16], [sflag:$0x2], $0x1400, $0x38;
	[tilespmem:$0x1F900] =	vst v63  }
0x1cf: {  	_ =	swait.ge [sflag:s20], $0x1400  }
0x1d0: {  	[sflag:s20] =	ssyncset.done $0x0  }
0x1d1: {  	[sflag:s20] =	ssyncadd.s32 $0xFFFFEC00  }
0x1d2: {  	[tilespmem:s16], [sflag:$0x1] =	stream.linear.gather [spmem:s6], $0x1400, $0x38;
	[tilespmem:$0x1F900] =	vst v63  }
0x1d3: {  	_ =	swait.ge [sflag:s23], $0x1400  }
0x1d4: {  	[sflag:s23] =	ssyncset.done $0x0  }
0x1d5: {  	s28 =	rddreg [dreg:$0x1e];
	[sflag:s23] =	ssyncadd.s32 $0xFFFFEC00  }
0x1d6: {  	[hbm4b:s28+s3] =	stream.linear.scatter [tilespmem:s25], [sflag:$0x3], $0x1400, $0x38;
	[tilespmem:$0x1F900] =	vst v63  }
0x1d7: {  	_ =	swait.ge [sflag:s22], $0x1400  }
0x1d8: {  	[sflag:s22] =	ssyncset.done $0x0  }
0x1d9: {  	[sflag:s22] =	ssyncadd.s32 $0xFFFFEC00  }
0x1da: {  	[tilespmem:s25], [sflag:$0x1] =	stream.linear.gather [spmem:s7], $0x1400, $0x38;
	[tilespmem:$0x1F900] =	vst v63  }
0x1db: {  	_ =	swait.ge [sflag:s23], $0x1400  }
0x1dc: {  	[sflag:s23] =	ssyncset.done $0x0  }
0x1dd: {  	s29 =	rddreg [dreg:$0x1f];
	[sflag:s23] =	ssyncadd.s32 $0xFFFFEC00  }
0x1de: {  	[hbm4b:s29+s3] =	stream.linear.scatter [tilespmem:s16], [sflag:$0x2], $0x1400, $0x38;
	[tilespmem:$0x1F900] =	vst v63  }
0x1df: {  	_ =	swait.ge [sflag:s20], $0x1400  }
0x1e0: {  	[sflag:s20] =	ssyncset.done $0x0  }
0x1e1: {  	[sflag:s20] =	ssyncadd.s32 $0xFFFFEC00  }
0x1e2: {  	[tilespmem:s16], [sflag:$0x1] =	stream.linear.gather [spmem:s8], $0x1400, $0x38;
	[tilespmem:$0x1F900] =	vst v63  }
0x1e3: {  	_ =	swait.ge [sflag:s23], $0x1400  }
0x1e4: {  	s30 =	sld [smem:$0x7E4]  }
0x1e5: {  	[sflag:s23] =	ssyncset.done $0x0  }
0x1e6: {  	[sflag:s23] =	ssyncadd.s32 $0xFFFFEC00  }
0x1e7: {  	[hbm4b:s30+s3] =	stream.linear.scatter [tilespmem:s25], [sflag:$0x3], $0x1400, $0x38;
	[tilespmem:$0x1F900] =	vst v63  }
0x1e8: {  	_ =	swait.ge [sflag:s22], $0x1400  }
0x1e9: {  	[sflag:s22] =	ssyncset.done $0x0  }
0x1ea: {  	[sflag:s22] =	ssyncadd.s32 $0xFFFFEC00  }
0x1eb: {  	[tilespmem:s25], [sflag:$0x1] =	stream.linear.gather [spmem:s9], $0x1400, $0x38;
	[tilespmem:$0x1F900] =	vst v63  }
0x1ec: {  	_ =	swait.ge [sflag:s23], $0x1400  }
0x1ed: {  	s31 =	sld [smem:$0x7E5]  }
0x1ee: {  	[sflag:s23] =	ssyncset.done $0x0  }
0x1ef: {  	[sflag:s23] =	ssyncadd.s32 $0xFFFFEC00  }
0x1f0: {  	[hbm4b:s31+s3] =	stream.linear.scatter [tilespmem:s16], [sflag:$0x2], $0x1400, $0x38;
	[tilespmem:$0x1F900] =	vst v63  }
0x1f1: {  	_ =	swait.ge [sflag:s20], $0x1400  }
0x1f2: {  	[sflag:s20] =	ssyncset.done $0x0  }
0x1f3: {  	[sflag:s20] =	ssyncadd.s32 $0xFFFFEC00  }
0x1f4: {  	[tilespmem:s16], [sflag:$0x1] =	stream.linear.gather [spmem:s10], $0x1400, $0x38;
	[tilespmem:$0x1F900] =	vst v63  }
0x1f5: {  	_ =	swait.ge [sflag:s23], $0x1400  }
0x1f6: {  	s28 =	sld [smem:$0x7E6]  }
0x1f7: {  	[sflag:s23] =	ssyncset.done $0x0  }
0x1f8: {  	[sflag:s23] =	ssyncadd.s32 $0xFFFFEC00  }
0x1f9: {  	[hbm4b:s28+s3] =	stream.linear.scatter [tilespmem:s25], [sflag:$0x3], $0x1400, $0x38;
	[tilespmem:$0x1F900] =	vst v63  }
0x1fa: {  	_ =	swait.ge [sflag:s22], $0x1400  }
0x1fb: {  	[sflag:s22] =	ssyncset.done $0x0  }
0x1fc: {  	[sflag:s22] =	ssyncadd.s32 $0xFFFFEC00  }
0x1fd: {  	[tilespmem:s25], [sflag:$0x1] =	stream.linear.gather [spmem:s11], $0x1400, $0x38;
	[tilespmem:$0x1F900] =	vst v63  }
0x1fe: {  	_ =	swait.ge [sflag:s23], $0x1400  }
0x1ff: {  	s29 =	sld [smem:$0x7E7]  }
0x200: {  	[sflag:s23] =	ssyncset.done $0x0  }
0x201: {  	[sflag:s23] =	ssyncadd.s32 $0xFFFFEC00  }
0x202: {  	[hbm4b:s29+s3] =	stream.linear.scatter [tilespmem:s16], [sflag:$0x2], $0x1400, $0x38;
	[tilespmem:$0x1F900] =	vst v63  }
0x203: {  	_ =	swait.ge [sflag:s20], $0x1400  }
0x204: {  	[sflag:s20] =	ssyncset.done $0x0  }
0x205: {  	[sflag:s20] =	ssyncadd.s32 $0xFFFFEC00  }
0x206: {  	[tilespmem:s16], [sflag:$0x1] =	stream.linear.gather [spmem:s12], $0x1400, $0x38;
	[tilespmem:$0x1F900] =	vst v63  }
0x207: {  	_ =	swait.ge [sflag:s23], $0x1400  }
0x208: {  	s30 =	sld [smem:$0x7E8]  }
0x209: {  	[sflag:s23] =	ssyncset.done $0x0  }
0x20a: {  	[sflag:s23] =	ssyncadd.s32 $0xFFFFEC00  }
0x20b: {  	[hbm4b:s30+s3] =	stream.linear.scatter [tilespmem:s25], [sflag:$0x3], $0x1400, $0x38;
	[tilespmem:$0x1F900] =	vst v63  }
0x20c: {  	_ =	swait.ge [sflag:s22], $0x1400  }
0x20d: {  	[sflag:s22] =	ssyncset.done $0x0  }
0x20e: {  	[sflag:s22] =	ssyncadd.s32 $0xFFFFEC00  }
0x20f: {  	[tilespmem:s25], [sflag:$0x1] =	stream.linear.gather [spmem:s13], $0x1400, $0x38;
	[tilespmem:$0x1F900] =	vst v63  }
0x210: {  	_ =	swait.ge [sflag:s23], $0x1400  }
0x211: {  	s31 =	sld [smem:$0x7E9]  }
0x212: {  	[sflag:s23] =	ssyncset.done $0x0  }
0x213: {  	[sflag:s23] =	ssyncadd.s32 $0xFFFFEC00  }
0x214: {  	[hbm4b:s31+s3] =	stream.linear.scatter [tilespmem:s16], [sflag:$0x2], $0x1400, $0x38;
	[tilespmem:$0x1F900] =	vst v63  }
0x215: {  	_ =	swait.ge [sflag:s20], $0x1400  }
0x216: {  	[sflag:s20] =	ssyncset.done $0x0  }
0x217: {  	[sflag:s20] =	ssyncadd.s32 $0xFFFFEC00  }
0x218: {  	[tilespmem:s16], [sflag:$0x1] =	stream.linear.gather [spmem:s14], $0x1400, $0x38;
	[tilespmem:$0x1F900] =	vst v63  }
0x219: {  	_ =	swait.ge [sflag:s23], $0x1400  }
0x21a: {  	s28 =	sld [smem:$0x7EA]  }
0x21b: {  	[sflag:s23] =	ssyncset.done $0x0  }
0x21c: {  	[sflag:s23] =	ssyncadd.s32 $0xFFFFEC00  }
0x21d: {  	[hbm4b:s28+s3] =	stream.linear.scatter [tilespmem:s25], [sflag:$0x3], $0x1400, $0x38;
	[tilespmem:$0x1F900] =	vst v63  }
0x21e: {  	_ =	swait.ge [sflag:s22], $0x1400  }
0x21f: {  	[sflag:s22] =	ssyncset.done $0x0  }
0x220: {  	[sflag:s22] =	ssyncadd.s32 $0xFFFFEC00  }
0x221: {  	[tilespmem:s25], [sflag:$0x1] =	stream.linear.gather [spmem:s15], $0xAA0, $0x38;
	[tilespmem:$0x1F900] =	vst v63  }
0x222: {  	_ =	swait.ge [sflag:s23], $0x1400  }
0x223: {  	s29 =	sld [smem:$0x7EB]  }
0x224: {  	[sflag:s23] =	ssyncset.done $0x0  }
0x225: {  	[sflag:s23] =	ssyncadd.s32 $0xFFFFEC00  }
0x226: {  	[hbm4b:s29+s3] =	stream.linear.scatter [tilespmem:s16], [sflag:$0x2], $0x1400, $0x38;
	[tilespmem:$0x1F900] =	vst v63  }
0x227: {  	_ =	swait.ge [sflag:s23], $0xAA0  }
0x228: {  	s30 =	sld [smem:$0x7EC]  }
0x229: {  	[sflag:s23] =	ssyncset.done $0x0  }
0x22a: {  	[sflag:s23] =	ssyncadd.s32 $0xFFFFF560  }
0x22b: {  	[hbm4b:s30+s3] =	stream.linear.scatter [tilespmem:s25], [sflag:$0x3], $0xAA0, $0x38;
	[tilespmem:$0x1F900] =	vst v63  }
0x22c: {  	_ =	swait.ge [sflag:s20], $0x1400  }
0x22d: {  	[sflag:s20] =	ssyncset.done $0x0  }
0x22e: {  	[sflag:s20] =	ssyncadd.s32 $0xFFFFEC00  }
0x22f: {  	_ =	swait.ge [sflag:s22], $0xAA0  }
0x230: {  	s31 =	sld [smem:$0x7ED];
	_ =	sdelay $0x1  }
0x231: {  	s26 =	sadd.s32 $0x1, s26  }
0x232: {  	p0 =	sne.s32 s26, s31  }
.Ltmp10:
0x233: {  	_ = 	snop;
	(pc) =	sbr.rel @p0 .LBB2_1-.Ltmp10, $3  }
0x234: {  	_ =	sdelay $0x1  }
0x235: {  	[sflag:s22] =	ssyncset.done $0x0  }
0x236: {  	[sflag:s22] =	ssyncadd.s32 $0xFFFFF560  }
0x237: {  	_ =	sfence.sel $0x180000  }
0x238: {  	[bflag:$0x0] =	sbarrier.arrive $0xFFFF  }
0x239: {  	_ =	strace $0x90000047  }
0x23a: {  	s0 =	stileid.u32;
	[bflag:$0x2] =	sbarrier.arrive $0xFFFF  }
0x23b: {  	p0 =	sne.s32 s0, $0x0;
	s0 =	rddreg [dreg:$0x4]  }
0x23c: {  	s0 =	sadd.s32 @!p0 $0x100000, s0  }
0x23d: {  	[sflag:s0] =	ssyncadd.tile.s32 @!p0 $0x1;
	_ =	shalt  }
.Lfunc_end2:
_tile_overlayer_lowered:
.L_overlay_start_2:
0x23e: {  	(tag) =	ssettag $0x2  }
0x23f: {  	s0 =	rddreg [dreg:$0x0];
	s2 =	stileid.u32  }
0x240: {  	s1 =	rddreg [dreg:$0x1];
	p0 =	sne.s32 s2, $0x0  }
0x241: {  	s3 =	rddreg [dreg:$0x2];
	[bflag:$0x3] =	sbarrier.arrive $0xFFFF;
	s2 =	simm.s32 @!p0 $0x1C04  }
0x242: {  	[timem:s3], [sflag:s2] =	dma.local @!p0 [hbm:s0], s1  }
0x243: {  	s0 =	simm.s32 @!p0 $0x4  }
0x244: {  	_ =	swait.ge @!p0 [sflag:s0], s1  }
0x245: {  	s1 =	ssub.s32 @!p0 $0x0, s1;
	[sflag:s0] =	ssyncset.done @!p0 $0x0  }
0x246: {  	[sflag:s0] =	ssyncadd.s32 @!p0 s1  }
0x247: {  	[bflag:$0x3] =	sbarrier.arrive $0xFFFF  }
0x248: {  	_ =	shalt  }

</sc_bundles>
